<compile_context>
chip_gen: v7x
topology: tpu7x:2x2x1
jax: 0.10.2.dev20260603
libtpu: 0.0.44.dev20260713+nightly
codegen_flags: <defaults>
</compile_context>

<pallas_src>
import jax
import jax.numpy as jnp
from jax import lax
from jax.experimental import pallas as pl
from jax.experimental.pallas import tpu as pltpu
from jax.experimental.pallas import tpu_sc as plsc

N_NODES = 10000
N_PAD = 10112
N_EDGES = 320000
D = 128
D_EDGE = 16

NC, NS, L = 2, 16, 16
NW = NC * NS
CHUNK = 64
NE_H = N_EDGES // 2
N_CHUNKS = NE_H // CHUNK
ROWS_PER_TILE = N_PAD // NS



EBLK = 8000


def _pre_node_body(nf_ref, w1_ref, w2_ref, be_ref, a_ref, b_ref):
    x = nf_ref[...]
    a_ref[...] = jnp.dot(x, w1_ref[...], preferred_element_type=jnp.float32) + be_ref[...]
    b_ref[...] = jnp.dot(x, w2_ref[...], preferred_element_type=jnp.float32)


_pre_node = pl.pallas_call(
    _pre_node_body,
    out_shape=(jax.ShapeDtypeStruct((N_NODES, D), jnp.float32),
               jax.ShapeDtypeStruct((N_NODES, D), jnp.float32)),
)


def _pre_edge_body(ef_ref, w3_ref, e_ref):
    e_ref[...] = jnp.dot(ef_ref[...].astype(jnp.bfloat16),
                         w3_ref[...].astype(jnp.bfloat16),
                         preferred_element_type=jnp.float32)


_pre_edge = pl.pallas_call(
    _pre_edge_body,
    grid=(NE_H // EBLK,),
    in_specs=[pl.BlockSpec((EBLK, D_EDGE), lambda i: (i, 0)),
              pl.BlockSpec((D_EDGE, D), lambda i: (0, 0))],
    out_specs=pl.BlockSpec((EBLK, D), lambda i: (i, 0)),
    out_shape=jax.ShapeDtypeStruct((NE_H, D), jnp.float32),
)


def _post_body(nf_ref, p_ref, q_ref, w1_ref, w2_ref, bn_ref, o_ref):
    x = nf_ref[...]
    agg = (p_ref[:N_NODES, :] + p_ref[N_PAD:N_PAD + N_NODES, :]
           + q_ref[:N_NODES, :] + q_ref[N_PAD:N_PAD + N_NODES, :])
    o_ref[...] = (x + bn_ref[...]
                  + jnp.dot(x, w1_ref[...], preferred_element_type=jnp.float32)
                  + jnp.dot(agg, w2_ref[...], preferred_element_type=jnp.float32))


_post = pl.pallas_call(
    _post_body,
    out_shape=jax.ShapeDtypeStruct((N_NODES, D), jnp.float32),
)



def _sc_body(a_hbm, b_hbm, e_hbm, ei_hbm, out_hbm,
             si0, si1, ti0, ti1,
             ra0, ra1, rb0, rb1, re0, re1,
             acc,
             sa0, sa1, sb0, sb1, se0, se1, sp0, sp1):
    sidx = [si0, si1]
    tidx = [ti0, ti1]
    rows_a = [ra0, ra1]
    rows_b = [rb0, rb1]
    rows_e = [re0, re1]
    sem_a = [sa0, sa1]
    sem_b = [sb0, sb1]
    sem_e = [se0, se1]
    sem_i = [sp0, sp1]

    cid = lax.axis_index("c")
    sid = lax.axis_index("s")
    wid = sid * NC + cid

    z16 = jnp.zeros((L,), jnp.float32)

    def _zrow(i, _):
        for j in range(D // L):
            re0[i, pl.ds(j * L, L)] = z16
        return 0

    lax.fori_loop(0, CHUNK, _zrow, 0)
    base_row = sid * ROWS_PER_TILE
    nz = ROWS_PER_TILE // CHUNK
    for k in range(nz):
        pltpu.sync_copy(re0, acc.at[pl.ds(base_row + k * CHUNK, CHUNK), :])
    rem = ROWS_PER_TILE % CHUNK
    if rem:
        pltpu.sync_copy(re0.at[pl.ds(0, rem), :],
                        acc.at[pl.ds(base_row + nz * CHUNK, rem), :])
    plsc.subcore_barrier()

    n_mine = (N_CHUNKS // NW) + (wid < (N_CHUNKS % NW)).astype(jnp.int32)

    def chunk_base(k):
        return (wid + k * NW) * CHUNK

    def issue_idx(k, b):
        base = chunk_base(k)
        pltpu.async_copy(ei_hbm.at[0, pl.ds(base, CHUNK)], sidx[b], sem_i[b])
        pltpu.async_copy(ei_hbm.at[1, pl.ds(base, CHUNK)], tidx[b], sem_i[b])

    def wait_idx(b):
        pltpu.make_async_copy(ei_hbm.at[0, pl.ds(0, CHUNK)], sidx[b], sem_i[b]).wait()
        pltpu.make_async_copy(ei_hbm.at[1, pl.ds(0, CHUNK)], tidx[b], sem_i[b]).wait()

    def issue_gather(k, b):
        base = chunk_base(k)
        pltpu.async_copy(a_hbm.at[sidx[b]], rows_a[b], sem_a[b])
        pltpu.async_copy(b_hbm.at[tidx[b]], rows_b[b], sem_b[b])
        pltpu.async_copy(e_hbm.at[pl.ds(base, CHUNK), :], rows_e[b], sem_e[b])

    def wait_gather(b):
        pltpu.make_async_copy(a_hbm.at[pl.ds(0, CHUNK), :], rows_a[b], sem_a[b]).wait()
        pltpu.make_async_copy(b_hbm.at[pl.ds(0, CHUNK), :], rows_b[b], sem_b[b]).wait()
        pltpu.make_async_copy(e_hbm.at[pl.ds(0, CHUNK), :], rows_e[b], sem_e[b]).wait()

    issue_idx(0, 0)

    @pl.when(n_mine > 1)
    def _():
        issue_idx(1, 1)

    wait_idx(0)
    issue_gather(0, 0)

    max_outer = (N_CHUNKS // NW + 2) // 2

    def _outer(ko, _):
        for b in range(2):
            k = ko * 2 + b

            @pl.when(k < n_mine)
            def _it(k=k, b=b):
                @pl.when(k + 1 < n_mine)
                def _(k=k, b=b):
                    wait_idx(1 - b)
                    issue_gather(k + 1, 1 - b)

                wait_gather(b)

                def _crow(i, _c, b=b):
                    for j in range(D // L):
                        sl = pl.ds(j * L, L)
                        v = rows_a[b][i, sl] + rows_b[b][i, sl] + rows_e[b][i, sl]
                        rows_e[b][i, sl] = jnp.maximum(v, 0.0)
                    return 0

                lax.fori_loop(0, CHUNK, _crow, 0)
                pltpu.sync_copy(rows_e[b], acc.at[sidx[b]], add=True)

                @pl.when(k + 2 < n_mine)
                def _(k=k, b=b):
                    issue_idx(k + 2, b)
        return 0

    lax.fori_loop(0, max_outer, _outer, 0)

    plsc.subcore_barrier()
    pltpu.sync_copy(acc.at[pl.ds(base_row, ROWS_PER_TILE), :],
                    out_hbm.at[pl.ds(cid * N_PAD + base_row, ROWS_PER_TILE), :])


def _sc_agg(A, B, E, ei):
    idx_t = pltpu.VMEM((CHUNK,), jnp.int32)
    row_t = pltpu.VMEM((CHUNK, D), jnp.float32)
    sem_t = pltpu.SemaphoreType.DMA
    sc_call = pl.kernel(
        _sc_body,
        out_type=jax.ShapeDtypeStruct((NC * N_PAD, D), jnp.float32),
        mesh=plsc.VectorSubcoreMesh(core_axis_name="c", subcore_axis_name="s"),
        scratch_types=(
            [idx_t] * 4 + [row_t] * 6
            + [pltpu.VMEM_SHARED((N_PAD, D), jnp.float32)]
            + [sem_t] * 8
        ),
    )
    return sc_call(A, B, E, ei)


def kernel(node_features, edge_indices, edge_features, W_edge, b_edge, W_node, b_node):
    ei = edge_indices.astype(jnp.int32)
    A, B = _pre_node(node_features, W_edge[:D], W_edge[D:2 * D], b_edge.reshape(1, D))
    E1 = _pre_edge(edge_features[:NE_H], W_edge[2 * D:])
    p1 = _sc_agg(A, B, E1, ei[:, :NE_H])
    E2 = _pre_edge(edge_features[NE_H:], W_edge[2 * D:])
    p2 = _sc_agg(A, B, E2, ei[:, NE_H:])
    out = _post(node_features, p1, p2, W_node[:D], W_node[D:], b_node.reshape(1, D))
    return (out, edge_indices, edge_features)

# --- scband reference (transcript-rebuilt; emitter-appended) ---
"""Pipeline reference for scband-graph-convolution-50792283242910 (READ-ONLY COPY).

The authoritative reference and input builder live on the scoring server;
editing this copy changes nothing except your own understanding.
"""

import jax, jax.numpy as jnp
import numpy as np

N_NODES = 10000
N_EDGES = 320000
D_FEAT = 128
D_EDGE = 16
D_EDGE_IN = 2 * D_FEAT + D_EDGE  # 272
D_NODE_IN = 2 * D_FEAT           # 256


def setup_inputs(seed: int = 0) -> dict:
    key = jax.random.key(seed)
    k1, k2, k3, k4, k5, k6, k7 = jax.random.split(key, 7)
    node_features = jax.random.normal(k1, (N_NODES, D_FEAT), dtype=jnp.float32)
    edge_indices = jax.random.randint(k2, (2, N_EDGES), 0, N_NODES, dtype=jnp.int64 if jax.config.jax_enable_x64 else jnp.int32)
    edge_features = jax.random.normal(k3, (N_EDGES, D_EDGE), dtype=jnp.float32)
    # edge_func: Linear(272 -> 128) + ReLU
    W_edge = jax.random.normal(k4, (D_EDGE_IN, D_FEAT), dtype=jnp.float32) * (1.0 / np.sqrt(D_EDGE_IN))
    b_edge = jax.random.normal(k5, (D_FEAT,), dtype=jnp.float32) * 0.01
    # node_func: Linear(256 -> 128)
    W_node = jax.random.normal(k6, (D_NODE_IN, D_FEAT), dtype=jnp.float32) * (1.0 / np.sqrt(D_NODE_IN))
    b_node = jax.random.normal(k7, (D_FEAT,), dtype=jnp.float32) * 0.01
    return {"node_features": node_features, "edge_indices": edge_indices, "edge_features": edge_features,
            "W_edge": W_edge, "b_edge": b_edge, "W_node": W_node, "b_node": b_node}


def reference(node_features, edge_indices, edge_features, W_edge, b_edge, W_node, b_node):
    start = edge_indices[0]
    end = edge_indices[1]
    # gather node features at both endpoints and concat with edge features
    x = jnp.concatenate([jnp.take(node_features, start, axis=0),
                         jnp.take(node_features, end, axis=0),
                         edge_features], axis=1)
    # edge_func (Linear + ReLU)
    message = jax.nn.relu(x @ W_edge + b_edge)
    # infer_edges = False -> no gating
    # aggregate_message: scatter-add messages back to source nodes
    agg_message = jax.ops.segment_sum(message, start, num_segments=node_features.shape[0])
    x2 = jnp.concatenate([node_features, agg_message], axis=1)
    # node_func (Linear), residual add
    new_node_features = node_features + (x2 @ W_node + b_node)
    return (new_node_features, edge_indices, edge_features)

if __name__ == "__main__":
    import jax
    _d = setup_inputs()
    print(jax.jit(kernel)(*tuple(_d.values())))

</pallas_src>

<mosaic_0001>
#map = affine_map<(d0, d1) -> (0, 0)>
module attributes {stable_mosaic.version = 14 : i64} {
  func.func @_sc_body(%arg0: i32, %arg1: i32, %arg2: memref<10000x128xf32, #tpu.memory_space<hbm>>, %arg3: memref<10000x128xf32, #tpu.memory_space<hbm>>, %arg4: memref<160000x128xf32, #tpu.memory_space<hbm>>, %arg5: memref<2x160000xi32, #tpu.memory_space<hbm>>, %arg6: memref<20224x128xf32, #tpu.memory_space<hbm>>, %arg7: memref<64xi32, #tpu.memory_space<vmem>>, %arg8: memref<64xi32, #tpu.memory_space<vmem>>, %arg9: memref<64xi32, #tpu.memory_space<vmem>>, %arg10: memref<64xi32, #tpu.memory_space<vmem>>, %arg11: memref<64x128xf32, #tpu.memory_space<vmem>>, %arg12: memref<64x128xf32, #tpu.memory_space<vmem>>, %arg13: memref<64x128xf32, #tpu.memory_space<vmem>>, %arg14: memref<64x128xf32, #tpu.memory_space<vmem>>, %arg15: memref<64x128xf32, #tpu.memory_space<vmem>>, %arg16: memref<64x128xf32, #tpu.memory_space<vmem>>, %arg17: memref<10112x128xf32, #tpu.memory_space<vmem_shared>>, %arg18: memref<!tpu.dma_semaphore, #tpu.memory_space<semaphore_mem>>, %arg19: memref<!tpu.dma_semaphore, #tpu.memory_space<semaphore_mem>>, %arg20: memref<!tpu.dma_semaphore, #tpu.memory_space<semaphore_mem>>, %arg21: memref<!tpu.dma_semaphore, #tpu.memory_space<semaphore_mem>>, %arg22: memref<!tpu.dma_semaphore, #tpu.memory_space<semaphore_mem>>, %arg23: memref<!tpu.dma_semaphore, #tpu.memory_space<semaphore_mem>>, %arg24: memref<!tpu.dma_semaphore, #tpu.memory_space<semaphore_mem>>, %arg25: memref<!tpu.dma_semaphore, #tpu.memory_space<semaphore_mem>>) attributes {dimension_semantics = [#tpu.dimension_semantics<core_parallel>, #tpu.dimension_semantics<subcore_parallel>], iteration_bounds = array<i64: 2, 16>, scalar_prefetch = 0 : i64, scratch_operands = 19 : i64, tpu.core_type = #tpu.core_type<sc_vector_subcore>, window_params = [{transform_indices = #map}, {transform_indices = #map}, {transform_indices = #map}, {transform_indices = #map}, {transform_indices = #map}]} {
    %mul3A = arith.constant 2 : i32
    %mul3A_0 = arith.muli %arg1, %mul3A : i32
    %add3A = arith.addi %mul3A_0, %arg0 : i32
    %broadcast_in_dim3A = arith.constant 0.000000e+00 : f32
    %broadcast_in_dim3A_1 = vector.broadcast %broadcast_in_dim3A : f32 to vector<16xf32>
    %scan3A = arith.constant 0 : i32
    %scan3A_2 = arith.constant 0 : i32
    %scan3A_3 = arith.constant 64 : i32
    %scan3A_4 = arith.addi %scan3A_2, %scan3A_3 : i32
    %scan3A_5 = arith.constant 1 : i32
    %scan3A_6 = scf.for %scan3A_87 = %scan3A_2 to %scan3A_4 step %scan3A_5 iter_args(%scan3A_88 = %scan3A) -> (i32)  : i32 {
      %swap3A = arith.index_cast %scan3A_87 : i32 to index
      %swap3A_89 = arith.constant 0 : index
      %swap3A_90 = tpu.vector_load %arg15[%swap3A, %swap3A_89] {strides = array<i32>} : memref<64x128xf32, #tpu.memory_space<vmem>>, vector<1x16xf32>,
      %swap3A_91 = vector.shape_cast %swap3A_90 : vector<1x16xf32> to vector<16xf32>
      %swap3A_92 = vector.shape_cast %broadcast_in_dim3A_1 : vector<16xf32> to vector<1x16xf32>
      tpu.vector_store %arg15[%swap3A, %swap3A_89], %swap3A_92 {strides = array<i32>} : memref<64x128xf32, #tpu.memory_space<vmem>>, vector<1x16xf32>,
      %swap3A_93 = arith.index_cast %scan3A_87 : i32 to index
      %swap3A_94 = arith.constant 16 : index
      %swap3A_95 = tpu.vector_load %arg15[%swap3A_93, %swap3A_94] {strides = array<i32>} : memref<64x128xf32, #tpu.memory_space<vmem>>, vector<1x16xf32>,
      %swap3A_96 = vector.shape_cast %swap3A_95 : vector<1x16xf32> to vector<16xf32>
      %swap3A_97 = vector.shape_cast %broadcast_in_dim3A_1 : vector<16xf32> to vector<1x16xf32>
      tpu.vector_store %arg15[%swap3A_93, %swap3A_94], %swap3A_97 {strides = array<i32>} : memref<64x128xf32, #tpu.memory_space<vmem>>, vector<1x16xf32>,
      %swap3A_98 = arith.index_cast %scan3A_87 : i32 to index
      %swap3A_99 = arith.constant 32 : index
      %swap3A_100 = tpu.vector_load %arg15[%swap3A_98, %swap3A_99] {strides = array<i32>} : memref<64x128xf32, #tpu.memory_space<vmem>>, vector<1x16xf32>,
      %swap3A_101 = vector.shape_cast %swap3A_100 : vector<1x16xf32> to vector<16xf32>
      %swap3A_102 = vector.shape_cast %broadcast_in_dim3A_1 : vector<16xf32> to vector<1x16xf32>
      tpu.vector_store %arg15[%swap3A_98, %swap3A_99], %swap3A_102 {strides = array<i32>} : memref<64x128xf32, #tpu.memory_space<vmem>>, vector<1x16xf32>,
      %swap3A_103 = arith.index_cast %scan3A_87 : i32 to index
      %swap3A_104 = arith.constant 48 : index
      %swap3A_105 = tpu.vector_load %arg15[%swap3A_103, %swap3A_104] {strides = array<i32>} : memref<64x128xf32, #tpu.memory_space<vmem>>, vector<1x16xf32>,
      %swap3A_106 = vector.shape_cast %swap3A_105 : vector<1x16xf32> to vector<16xf32>
      %swap3A_107 = vector.shape_cast %broadcast_in_dim3A_1 : vector<16xf32> to vector<1x16xf32>
      tpu.vector_store %arg15[%swap3A_103, %swap3A_104], %swap3A_107 {strides = array<i32>} : memref<64x128xf32, #tpu.memory_space<vmem>>, vector<1x16xf32>,
      %swap3A_108 = arith.index_cast %scan3A_87 : i32 to index
      %swap3A_109 = arith.constant 64 : index
      %swap3A_110 = tpu.vector_load %arg15[%swap3A_108, %swap3A_109] {strides = array<i32>} : memref<64x128xf32, #tpu.memory_space<vmem>>, vector<1x16xf32>,
      %swap3A_111 = vector.shape_cast %swap3A_110 : vector<1x16xf32> to vector<16xf32>
      %swap3A_112 = vector.shape_cast %broadcast_in_dim3A_1 : vector<16xf32> to vector<1x16xf32>
      tpu.vector_store %arg15[%swap3A_108, %swap3A_109], %swap3A_112 {strides = array<i32>} : memref<64x128xf32, #tpu.memory_space<vmem>>, vector<1x16xf32>,
      %swap3A_113 = arith.index_cast %scan3A_87 : i32 to index
      %swap3A_114 = arith.constant 80 : index
      %swap3A_115 = tpu.vector_load %arg15[%swap3A_113, %swap3A_114] {strides = array<i32>} : memref<64x128xf32, #tpu.memory_space<vmem>>, vector<1x16xf32>,
      %swap3A_116 = vector.shape_cast %swap3A_115 : vector<1x16xf32> to vector<16xf32>
      %swap3A_117 = vector.shape_cast %broadcast_in_dim3A_1 : vector<16xf32> to vector<1x16xf32>
      tpu.vector_store %arg15[%swap3A_113, %swap3A_114], %swap3A_117 {strides = array<i32>} : memref<64x128xf32, #tpu.memory_space<vmem>>, vector<1x16xf32>,
      %swap3A_118 = arith.index_cast %scan3A_87 : i32 to index
      %swap3A_119 = arith.constant 96 : index
      %swap3A_120 = tpu.vector_load %arg15[%swap3A_118, %swap3A_119] {strides = array<i32>} : memref<64x128xf32, #tpu.memory_space<vmem>>, vector<1x16xf32>,
      %swap3A_121 = vector.shape_cast %swap3A_120 : vector<1x16xf32> to vector<16xf32>
      %swap3A_122 = vector.shape_cast %broadcast_in_dim3A_1 : vector<16xf32> to vector<1x16xf32>
      tpu.vector_store %arg15[%swap3A_118, %swap3A_119], %swap3A_122 {strides = array<i32>} : memref<64x128xf32, #tpu.memory_space<vmem>>, vector<1x16xf32>,
      %swap3A_123 = arith.index_cast %scan3A_87 : i32 to index
      %swap3A_124 = arith.constant 112 : index
      %swap3A_125 = tpu.vector_load %arg15[%swap3A_123, %swap3A_124] {strides = array<i32>} : memref<64x128xf32, #tpu.memory_space<vmem>>, vector<1x16xf32>,
      %swap3A_126 = vector.shape_cast %swap3A_125 : vector<1x16xf32> to vector<16xf32>
      %swap3A_127 = vector.shape_cast %broadcast_in_dim3A_1 : vector<16xf32> to vector<1x16xf32>
      tpu.vector_store %arg15[%swap3A_123, %swap3A_124], %swap3A_127 {strides = array<i32>} : memref<64x128xf32, #tpu.memory_space<vmem>>, vector<1x16xf32>,
      %scan3A_128 = arith.constant 0 : i32
      scf.yield %scan3A_128 : i32
    }
    %scan3A_7 = arith.constant 64 : i32
    %mul3A_8 = arith.constant 632 : i32
    %mul3A_9 = arith.muli %arg1, %mul3A_8 : i32
    %add3A_10 = arith.constant 0 : i32
    %add3A_11 = arith.addi %mul3A_9, %add3A_10 : i32
    "tpu.region"() ({
      %run_scoped3A = tpu.sem_alloc : memref<!tpu.dma_semaphore, #tpu.memory_space<semaphore_mem>>
      %dma_start3A_87 = arith.constant 0 : i32
      %dma_start3A_88 = tpu.memref_slice %arg17[%add3A_11, %dma_start3A_87] : memref<10112x128xf32, #tpu.memory_space<vmem_shared>> -> memref<64x128xf32, #tpu.memory_space<vmem_shared>>
      %dma_start3A_89 = arith.constant 0 : i32
      %dma_start3A_90 = tpu.memref_slice %arg17[%add3A_11, %dma_start3A_89] : memref<10112x128xf32, #tpu.memory_space<vmem_shared>> -> memref<64x128xf32, #tpu.memory_space<vmem_shared>>
      tpu.enqueue_dma source(%arg15 : memref<64x128xf32, #tpu.memory_space<vmem>>) target(%dma_start3A_90 : memref<64x128xf32, #tpu.memory_space<vmem_shared>>) target_semaphore(%run_scoped3A : memref<!tpu.dma_semaphore, #tpu.memory_space<semaphore_mem>>)
      %dma_wait3A_91 = arith.constant 0 : i32
      %dma_wait3A_92 = tpu.memref_slice %arg17[%add3A_11, %dma_wait3A_91] : memref<10112x128xf32, #tpu.memory_space<vmem_shared>> -> memref<64x128xf32, #tpu.memory_space<vmem_shared>>
      %dma_wait3A_93 = arith.constant 0 : i32
      %dma_wait3A_94 = tpu.memref_slice %arg17[%add3A_11, %dma_wait3A_93] : memref<10112x128xf32, #tpu.memory_space<vmem_shared>> -> memref<64x128xf32, #tpu.memory_space<vmem_shared>>
      tpu.wait_dma2 semaphore(%run_scoped3A : memref<!tpu.dma_semaphore, #tpu.memory_space<semaphore_mem>>) src(%arg15 : memref<64x128xf32, #tpu.memory_space<vmem>>) dst(%dma_wait3A_94 : memref<64x128xf32, #tpu.memory_space<vmem_shared>>)
      tpu.yield
    }) : () -> ()
    %add3A_12 = arith.constant 64 : i32
    %add3A_13 = arith.addi %mul3A_9, %add3A_12 : i32
    "tpu.region"() ({
      %run_scoped3A = tpu.sem_alloc : memref<!tpu.dma_semaphore, #tpu.memory_space<semaphore_mem>>
      %dma_start3A_87 = arith.constant 0 : i32
      %dma_start3A_88 = tpu.memref_slice %arg17[%add3A_13, %dma_start3A_87] : memref<10112x128xf32, #tpu.memory_space<vmem_shared>> -> memref<64x128xf32, #tpu.memory_space<vmem_shared>>
      %dma_start3A_89 = arith.constant 0 : i32
      %dma_start3A_90 = tpu.memref_slice %arg17[%add3A_13, %dma_start3A_89] : memref<10112x128xf32, #tpu.memory_space<vmem_shared>> -> memref<64x128xf32, #tpu.memory_space<vmem_shared>>
      tpu.enqueue_dma source(%arg15 : memref<64x128xf32, #tpu.memory_space<vmem>>) target(%dma_start3A_90 : memref<64x128xf32, #tpu.memory_space<vmem_shared>>) target_semaphore(%run_scoped3A : memref<!tpu.dma_semaphore, #tpu.memory_space<semaphore_mem>>)
      %dma_wait3A_91 = arith.constant 0 : i32
      %dma_wait3A_92 = tpu.memref_slice %arg17[%add3A_13, %dma_wait3A_91] : memref<10112x128xf32, #tpu.memory_space<vmem_shared>> -> memref<64x128xf32, #tpu.memory_space<vmem_shared>>
      %dma_wait3A_93 = arith.constant 0 : i32
      %dma_wait3A_94 = tpu.memref_slice %arg17[%add3A_13, %dma_wait3A_93] : memref<10112x128xf32, #tpu.memory_space<vmem_shared>> -> memref<64x128xf32, #tpu.memory_space<vmem_shared>>
      tpu.wait_dma2 semaphore(%run_scoped3A : memref<!tpu.dma_semaphore, #tpu.memory_space<semaphore_mem>>) src(%arg15 : memref<64x128xf32, #tpu.memory_space<vmem>>) dst(%dma_wait3A_94 : memref<64x128xf32, #tpu.memory_space<vmem_shared>>)
      tpu.yield
    }) : () -> ()
    %add3A_14 = arith.constant 128 : i32
    %add3A_15 = arith.addi %mul3A_9, %add3A_14 : i32
    "tpu.region"() ({
      %run_scoped3A = tpu.sem_alloc : memref<!tpu.dma_semaphore, #tpu.memory_space<semaphore_mem>>
      %dma_start3A_87 = arith.constant 0 : i32
      %dma_start3A_88 = tpu.memref_slice %arg17[%add3A_15, %dma_start3A_87] : memref<10112x128xf32, #tpu.memory_space<vmem_shared>> -> memref<64x128xf32, #tpu.memory_space<vmem_shared>>
      %dma_start3A_89 = arith.constant 0 : i32
      %dma_start3A_90 = tpu.memref_slice %arg17[%add3A_15, %dma_start3A_89] : memref<10112x128xf32, #tpu.memory_space<vmem_shared>> -> memref<64x128xf32, #tpu.memory_space<vmem_shared>>
      tpu.enqueue_dma source(%arg15 : memref<64x128xf32, #tpu.memory_space<vmem>>) target(%dma_start3A_90 : memref<64x128xf32, #tpu.memory_space<vmem_shared>>) target_semaphore(%run_scoped3A : memref<!tpu.dma_semaphore, #tpu.memory_space<semaphore_mem>>)
      %dma_wait3A_91 = arith.constant 0 : i32
      %dma_wait3A_92 = tpu.memref_slice %arg17[%add3A_15, %dma_wait3A_91] : memref<10112x128xf32, #tpu.memory_space<vmem_shared>> -> memref<64x128xf32, #tpu.memory_space<vmem_shared>>
      %dma_wait3A_93 = arith.constant 0 : i32
      %dma_wait3A_94 = tpu.memref_slice %arg17[%add3A_15, %dma_wait3A_93] : memref<10112x128xf32, #tpu.memory_space<vmem_shared>> -> memref<64x128xf32, #tpu.memory_space<vmem_shared>>
      tpu.wait_dma2 semaphore(%run_scoped3A : memref<!tpu.dma_semaphore, #tpu.memory_space<semaphore_mem>>) src(%arg15 : memref<64x128xf32, #tpu.memory_space<vmem>>) dst(%dma_wait3A_94 : memref<64x128xf32, #tpu.memory_space<vmem_shared>>)
      tpu.yield
    }) : () -> ()
    %add3A_16 = arith.constant 192 : i32
    %add3A_17 = arith.addi %mul3A_9, %add3A_16 : i32
    "tpu.region"() ({
      %run_scoped3A = tpu.sem_alloc : memref<!tpu.dma_semaphore, #tpu.memory_space<semaphore_mem>>
      %dma_start3A_87 = arith.constant 0 : i32
      %dma_start3A_88 = tpu.memref_slice %arg17[%add3A_17, %dma_start3A_87] : memref<10112x128xf32, #tpu.memory_space<vmem_shared>> -> memref<64x128xf32, #tpu.memory_space<vmem_shared>>
      %dma_start3A_89 = arith.constant 0 : i32
      %dma_start3A_90 = tpu.memref_slice %arg17[%add3A_17, %dma_start3A_89] : memref<10112x128xf32, #tpu.memory_space<vmem_shared>> -> memref<64x128xf32, #tpu.memory_space<vmem_shared>>
      tpu.enqueue_dma source(%arg15 : memref<64x128xf32, #tpu.memory_space<vmem>>) target(%dma_start3A_90 : memref<64x128xf32, #tpu.memory_space<vmem_shared>>) target_semaphore(%run_scoped3A : memref<!tpu.dma_semaphore, #tpu.memory_space<semaphore_mem>>)
      %dma_wait3A_91 = arith.constant 0 : i32
      %dma_wait3A_92 = tpu.memref_slice %arg17[%add3A_17, %dma_wait3A_91] : memref<10112x128xf32, #tpu.memory_space<vmem_shared>> -> memref<64x128xf32, #tpu.memory_space<vmem_shared>>
      %dma_wait3A_93 = arith.constant 0 : i32
      %dma_wait3A_94 = tpu.memref_slice %arg17[%add3A_17, %dma_wait3A_93] : memref<10112x128xf32, #tpu.memory_space<vmem_shared>> -> memref<64x128xf32, #tpu.memory_space<vmem_shared>>
      tpu.wait_dma2 semaphore(%run_scoped3A : memref<!tpu.dma_semaphore, #tpu.memory_space<semaphore_mem>>) src(%arg15 : memref<64x128xf32, #tpu.memory_space<vmem>>) dst(%dma_wait3A_94 : memref<64x128xf32, #tpu.memory_space<vmem_shared>>)
      tpu.yield
    }) : () -> ()
    %add3A_18 = arith.constant 256 : i32
    %add3A_19 = arith.addi %mul3A_9, %add3A_18 : i32
    "tpu.region"() ({
      %run_scoped3A = tpu.sem_alloc : memref<!tpu.dma_semaphore, #tpu.memory_space<semaphore_mem>>
      %dma_start3A_87 = arith.constant 0 : i32
      %dma_start3A_88 = tpu.memref_slice %arg17[%add3A_19, %dma_start3A_87] : memref<10112x128xf32, #tpu.memory_space<vmem_shared>> -> memref<64x128xf32, #tpu.memory_space<vmem_shared>>
      %dma_start3A_89 = arith.constant 0 : i32
      %dma_start3A_90 = tpu.memref_slice %arg17[%add3A_19, %dma_start3A_89] : memref<10112x128xf32, #tpu.memory_space<vmem_shared>> -> memref<64x128xf32, #tpu.memory_space<vmem_shared>>
      tpu.enqueue_dma source(%arg15 : memref<64x128xf32, #tpu.memory_space<vmem>>) target(%dma_start3A_90 : memref<64x128xf32, #tpu.memory_space<vmem_shared>>) target_semaphore(%run_scoped3A : memref<!tpu.dma_semaphore, #tpu.memory_space<semaphore_mem>>)
      %dma_wait3A_91 = arith.constant 0 : i32
      %dma_wait3A_92 = tpu.memref_slice %arg17[%add3A_19, %dma_wait3A_91] : memref<10112x128xf32, #tpu.memory_space<vmem_shared>> -> memref<64x128xf32, #tpu.memory_space<vmem_shared>>
      %dma_wait3A_93 = arith.constant 0 : i32
      %dma_wait3A_94 = tpu.memref_slice %arg17[%add3A_19, %dma_wait3A_93] : memref<10112x128xf32, #tpu.memory_space<vmem_shared>> -> memref<64x128xf32, #tpu.memory_space<vmem_shared>>
      tpu.wait_dma2 semaphore(%run_scoped3A : memref<!tpu.dma_semaphore, #tpu.memory_space<semaphore_mem>>) src(%arg15 : memref<64x128xf32, #tpu.memory_space<vmem>>) dst(%dma_wait3A_94 : memref<64x128xf32, #tpu.memory_space<vmem_shared>>)
      tpu.yield
    }) : () -> ()
    %add3A_20 = arith.constant 320 : i32
    %add3A_21 = arith.addi %mul3A_9, %add3A_20 : i32
    "tpu.region"() ({
      %run_scoped3A = tpu.sem_alloc : memref<!tpu.dma_semaphore, #tpu.memory_space<semaphore_mem>>
      %dma_start3A_87 = arith.constant 0 : i32
      %dma_start3A_88 = tpu.memref_slice %arg17[%add3A_21, %dma_start3A_87] : memref<10112x128xf32, #tpu.memory_space<vmem_shared>> -> memref<64x128xf32, #tpu.memory_space<vmem_shared>>
      %dma_start3A_89 = arith.constant 0 : i32
      %dma_start3A_90 = tpu.memref_slice %arg17[%add3A_21, %dma_start3A_89] : memref<10112x128xf32, #tpu.memory_space<vmem_shared>> -> memref<64x128xf32, #tpu.memory_space<vmem_shared>>
      tpu.enqueue_dma source(%arg15 : memref<64x128xf32, #tpu.memory_space<vmem>>) target(%dma_start3A_90 : memref<64x128xf32, #tpu.memory_space<vmem_shared>>) target_semaphore(%run_scoped3A : memref<!tpu.dma_semaphore, #tpu.memory_space<semaphore_mem>>)
      %dma_wait3A_91 = arith.constant 0 : i32
      %dma_wait3A_92 = tpu.memref_slice %arg17[%add3A_21, %dma_wait3A_91] : memref<10112x128xf32, #tpu.memory_space<vmem_shared>> -> memref<64x128xf32, #tpu.memory_space<vmem_shared>>
      %dma_wait3A_93 = arith.constant 0 : i32
      %dma_wait3A_94 = tpu.memref_slice %arg17[%add3A_21, %dma_wait3A_93] : memref<10112x128xf32, #tpu.memory_space<vmem_shared>> -> memref<64x128xf32, #tpu.memory_space<vmem_shared>>
      tpu.wait_dma2 semaphore(%run_scoped3A : memref<!tpu.dma_semaphore, #tpu.memory_space<semaphore_mem>>) src(%arg15 : memref<64x128xf32, #tpu.memory_space<vmem>>) dst(%dma_wait3A_94 : memref<64x128xf32, #tpu.memory_space<vmem_shared>>)
      tpu.yield
    }) : () -> ()
    %add3A_22 = arith.constant 384 : i32
    %add3A_23 = arith.addi %mul3A_9, %add3A_22 : i32
    "tpu.region"() ({
      %run_scoped3A = tpu.sem_alloc : memref<!tpu.dma_semaphore, #tpu.memory_space<semaphore_mem>>
      %dma_start3A_87 = arith.constant 0 : i32
      %dma_start3A_88 = tpu.memref_slice %arg17[%add3A_23, %dma_start3A_87] : memref<10112x128xf32, #tpu.memory_space<vmem_shared>> -> memref<64x128xf32, #tpu.memory_space<vmem_shared>>
      %dma_start3A_89 = arith.constant 0 : i32
      %dma_start3A_90 = tpu.memref_slice %arg17[%add3A_23, %dma_start3A_89] : memref<10112x128xf32, #tpu.memory_space<vmem_shared>> -> memref<64x128xf32, #tpu.memory_space<vmem_shared>>
      tpu.enqueue_dma source(%arg15 : memref<64x128xf32, #tpu.memory_space<vmem>>) target(%dma_start3A_90 : memref<64x128xf32, #tpu.memory_space<vmem_shared>>) target_semaphore(%run_scoped3A : memref<!tpu.dma_semaphore, #tpu.memory_space<semaphore_mem>>)
      %dma_wait3A_91 = arith.constant 0 : i32
      %dma_wait3A_92 = tpu.memref_slice %arg17[%add3A_23, %dma_wait3A_91] : memref<10112x128xf32, #tpu.memory_space<vmem_shared>> -> memref<64x128xf32, #tpu.memory_space<vmem_shared>>
      %dma_wait3A_93 = arith.constant 0 : i32
      %dma_wait3A_94 = tpu.memref_slice %arg17[%add3A_23, %dma_wait3A_93] : memref<10112x128xf32, #tpu.memory_space<vmem_shared>> -> memref<64x128xf32, #tpu.memory_space<vmem_shared>>
      tpu.wait_dma2 semaphore(%run_scoped3A : memref<!tpu.dma_semaphore, #tpu.memory_space<semaphore_mem>>) src(%arg15 : memref<64x128xf32, #tpu.memory_space<vmem>>) dst(%dma_wait3A_94 : memref<64x128xf32, #tpu.memory_space<vmem_shared>>)
      tpu.yield
    }) : () -> ()
    %add3A_24 = arith.constant 448 : i32
    %add3A_25 = arith.addi %mul3A_9, %add3A_24 : i32
    "tpu.region"() ({
      %run_scoped3A = tpu.sem_alloc : memref<!tpu.dma_semaphore, #tpu.memory_space<semaphore_mem>>
      %dma_start3A_87 = arith.constant 0 : i32
      %dma_start3A_88 = tpu.memref_slice %arg17[%add3A_25, %dma_start3A_87] : memref<10112x128xf32, #tpu.memory_space<vmem_shared>> -> memref<64x128xf32, #tpu.memory_space<vmem_shared>>
      %dma_start3A_89 = arith.constant 0 : i32
      %dma_start3A_90 = tpu.memref_slice %arg17[%add3A_25, %dma_start3A_89] : memref<10112x128xf32, #tpu.memory_space<vmem_shared>> -> memref<64x128xf32, #tpu.memory_space<vmem_shared>>
      tpu.enqueue_dma source(%arg15 : memref<64x128xf32, #tpu.memory_space<vmem>>) target(%dma_start3A_90 : memref<64x128xf32, #tpu.memory_space<vmem_shared>>) target_semaphore(%run_scoped3A : memref<!tpu.dma_semaphore, #tpu.memory_space<semaphore_mem>>)
      %dma_wait3A_91 = arith.constant 0 : i32
      %dma_wait3A_92 = tpu.memref_slice %arg17[%add3A_25, %dma_wait3A_91] : memref<10112x128xf32, #tpu.memory_space<vmem_shared>> -> memref<64x128xf32, #tpu.memory_space<vmem_shared>>
      %dma_wait3A_93 = arith.constant 0 : i32
      %dma_wait3A_94 = tpu.memref_slice %arg17[%add3A_25, %dma_wait3A_93] : memref<10112x128xf32, #tpu.memory_space<vmem_shared>> -> memref<64x128xf32, #tpu.memory_space<vmem_shared>>
      tpu.wait_dma2 semaphore(%run_scoped3A : memref<!tpu.dma_semaphore, #tpu.memory_space<semaphore_mem>>) src(%arg15 : memref<64x128xf32, #tpu.memory_space<vmem>>) dst(%dma_wait3A_94 : memref<64x128xf32, #tpu.memory_space<vmem_shared>>)
      tpu.yield
    }) : () -> ()
    %add3A_26 = arith.constant 512 : i32
    %add3A_27 = arith.addi %mul3A_9, %add3A_26 : i32
    "tpu.region"() ({
      %run_scoped3A = tpu.sem_alloc : memref<!tpu.dma_semaphore, #tpu.memory_space<semaphore_mem>>
      %dma_start3A_87 = arith.constant 0 : i32
      %dma_start3A_88 = tpu.memref_slice %arg17[%add3A_27, %dma_start3A_87] : memref<10112x128xf32, #tpu.memory_space<vmem_shared>> -> memref<64x128xf32, #tpu.memory_space<vmem_shared>>
      %dma_start3A_89 = arith.constant 0 : i32
      %dma_start3A_90 = tpu.memref_slice %arg17[%add3A_27, %dma_start3A_89] : memref<10112x128xf32, #tpu.memory_space<vmem_shared>> -> memref<64x128xf32, #tpu.memory_space<vmem_shared>>
      tpu.enqueue_dma source(%arg15 : memref<64x128xf32, #tpu.memory_space<vmem>>) target(%dma_start3A_90 : memref<64x128xf32, #tpu.memory_space<vmem_shared>>) target_semaphore(%run_scoped3A : memref<!tpu.dma_semaphore, #tpu.memory_space<semaphore_mem>>)
      %dma_wait3A_91 = arith.constant 0 : i32
      %dma_wait3A_92 = tpu.memref_slice %arg17[%add3A_27, %dma_wait3A_91] : memref<10112x128xf32, #tpu.memory_space<vmem_shared>> -> memref<64x128xf32, #tpu.memory_space<vmem_shared>>
      %dma_wait3A_93 = arith.constant 0 : i32
      %dma_wait3A_94 = tpu.memref_slice %arg17[%add3A_27, %dma_wait3A_93] : memref<10112x128xf32, #tpu.memory_space<vmem_shared>> -> memref<64x128xf32, #tpu.memory_space<vmem_shared>>
      tpu.wait_dma2 semaphore(%run_scoped3A : memref<!tpu.dma_semaphore, #tpu.memory_space<semaphore_mem>>) src(%arg15 : memref<64x128xf32, #tpu.memory_space<vmem>>) dst(%dma_wait3A_94 : memref<64x128xf32, #tpu.memory_space<vmem_shared>>)
      tpu.yield
    }) : () -> ()
    %add3A_28 = arith.constant 576 : i32
    %add3A_29 = arith.addi %mul3A_9, %add3A_28 : i32
    "tpu.region"() ({
      %run_scoped3A = tpu.sem_alloc : memref<!tpu.dma_semaphore, #tpu.memory_space<semaphore_mem>>
      %dma_start3A_87 = arith.constant 0 : i32
      %dma_start3A_88 = arith.constant 0 : i32
      %dma_start3A_89 = tpu.memref_slice %arg15[%dma_start3A_87, %dma_start3A_88] : memref<64x128xf32, #tpu.memory_space<vmem>> -> memref<56x128xf32, #tpu.memory_space<vmem>>
      %dma_start3A_90 = arith.constant 0 : i32
      %dma_start3A_91 = tpu.memref_slice %arg17[%add3A_29, %dma_start3A_90] : memref<10112x128xf32, #tpu.memory_space<vmem_shared>> -> memref<56x128xf32, #tpu.memory_space<vmem_shared>>
      %dma_start3A_92 = arith.constant 0 : i32
      %dma_start3A_93 = tpu.memref_slice %arg17[%add3A_29, %dma_start3A_92] : memref<10112x128xf32, #tpu.memory_space<vmem_shared>> -> memref<56x128xf32, #tpu.memory_space<vmem_shared>>
      %dma_start3A_94 = arith.constant 0 : i32
      %dma_start3A_95 = arith.constant 0 : i32
      %dma_start3A_96 = tpu.memref_slice %arg15[%dma_start3A_94, %dma_start3A_95] : memref<64x128xf32, #tpu.memory_space<vmem>> -> memref<56x128xf32, #tpu.memory_space<vmem>>
      tpu.enqueue_dma source(%dma_start3A_96 : memref<56x128xf32, #tpu.memory_space<vmem>>) target(%dma_start3A_93 : memref<56x128xf32, #tpu.memory_space<vmem_shared>>) target_semaphore(%run_scoped3A : memref<!tpu.dma_semaphore, #tpu.memory_space<semaphore_mem>>)
      %dma_wait3A_97 = arith.constant 0 : i32
      %dma_wait3A_98 = arith.constant 0 : i32
      %dma_wait3A_99 = tpu.memref_slice %arg15[%dma_wait3A_97, %dma_wait3A_98] : memref<64x128xf32, #tpu.memory_space<vmem>> -> memref<56x128xf32, #tpu.memory_space<vmem>>
      %dma_wait3A_100 = arith.constant 0 : i32
      %dma_wait3A_101 = tpu.memref_slice %arg17[%add3A_29, %dma_wait3A_100] : memref<10112x128xf32, #tpu.memory_space<vmem_shared>> -> memref<56x128xf32, #tpu.memory_space<vmem_shared>>
      %dma_wait3A_102 = arith.constant 0 : i32
      %dma_wait3A_103 = tpu.memref_slice %arg17[%add3A_29, %dma_wait3A_102] : memref<10112x128xf32, #tpu.memory_space<vmem_shared>> -> memref<56x128xf32, #tpu.memory_space<vmem_shared>>
      %dma_wait3A_104 = arith.constant 0 : i32
      %dma_wait3A_105 = arith.constant 0 : i32
      %dma_wait3A_106 = tpu.memref_slice %arg15[%dma_wait3A_104, %dma_wait3A_105] : memref<64x128xf32, #tpu.memory_space<vmem>> -> memref<56x128xf32, #tpu.memory_space<vmem>>
      tpu.wait_dma2 semaphore(%run_scoped3A : memref<!tpu.dma_semaphore, #tpu.memory_space<semaphore_mem>>) src(%dma_wait3A_106 : memref<56x128xf32, #tpu.memory_space<vmem>>) dst(%dma_wait3A_103 : memref<56x128xf32, #tpu.memory_space<vmem_shared>>)
      tpu.yield
    }) : () -> ()
    %barrier3A = arith.constant 0 : index
    tpu.barrier barrier_id(%barrier3A)
    %lt3A = arith.constant 4 : i32
    %lt3A_30 = arith.cmpi slt, %add3A, %lt3A : i32
    %convert_element_type3A = arith.extui %lt3A_30 : i1 to i32
    %add3A_31 = arith.constant 78 : i32
    %add3A_32 = arith.addi %add3A_31, %convert_element_type3A : i32
    %add3A_33 = arith.constant 0 : i32
    %add3A_34 = arith.addi %add3A, %add3A_33 : i32
    %mul3A_35 = arith.constant 64 : i32
    %mul3A_36 = arith.muli %add3A_34, %mul3A_35 : i32
    %dma_start3A = arith.constant 0 : i32
    %dma_start3A_37 = tpu.memref_slice %arg5[%dma_start3A, %mul3A_36] : memref<2x160000xi32, #tpu.memory_space<hbm>> -> memref<1x64xi32, #tpu.memory_space<hbm>>
    %dma_start3A_38 = tpu.memref_squeeze %dma_start3A_37 : memref<1x64xi32, #tpu.memory_space<hbm>> -> memref<64xi32, #tpu.memory_space<hbm>>
    %dma_start3A_39 = tpu.memref_slice %arg5[%dma_start3A, %mul3A_36] : memref<2x160000xi32, #tpu.memory_space<hbm>> -> memref<1x64xi32, #tpu.memory_space<hbm>>
    %dma_start3A_40 = tpu.memref_squeeze %dma_start3A_39 : memref<1x64xi32, #tpu.memory_space<hbm>> -> memref<64xi32, #tpu.memory_space<hbm>>
    tpu.enqueue_dma source(%dma_start3A_40 : memref<64xi32, #tpu.memory_space<hbm>>) target(%arg7 : memref<64xi32, #tpu.memory_space<vmem>>) target_semaphore(%arg24 : memref<!tpu.dma_semaphore, #tpu.memory_space<semaphore_mem>>)
    %dma_start3A_41 = arith.constant 1 : i32
    %dma_start3A_42 = tpu.memref_slice %arg5[%dma_start3A_41, %mul3A_36] : memref<2x160000xi32, #tpu.memory_space<hbm>> -> memref<1x64xi32, #tpu.memory_space<hbm>>
    %dma_start3A_43 = tpu.memref_squeeze %dma_start3A_42 : memref<1x64xi32, #tpu.memory_space<hbm>> -> memref<64xi32, #tpu.memory_space<hbm>>
    %dma_start3A_44 = tpu.memref_slice %arg5[%dma_start3A_41, %mul3A_36] : memref<2x160000xi32, #tpu.memory_space<hbm>> -> memref<1x64xi32, #tpu.memory_space<hbm>>
    %dma_start3A_45 = tpu.memref_squeeze %dma_start3A_44 : memref<1x64xi32, #tpu.memory_space<hbm>> -> memref<64xi32, #tpu.memory_space<hbm>>
    tpu.enqueue_dma source(%dma_start3A_45 : memref<64xi32, #tpu.memory_space<hbm>>) target(%arg9 : memref<64xi32, #tpu.memory_space<vmem>>) target_semaphore(%arg24 : memref<!tpu.dma_semaphore, #tpu.memory_space<semaphore_mem>>)
    %gt3A = arith.constant 1 : i32
    %gt3A_46 = arith.cmpi sgt, %add3A_32, %gt3A : i32
    %convert_element_type3A_47 = arith.extui %gt3A_46 : i1 to i32
    %cond3A = arith.constant 0 : i32
    %cond3A_48 = arith.cmpi ne, %convert_element_type3A_47, %cond3A : i32
    scf.if %cond3A_48 {
      %add3A_87 = arith.constant 32 : i32
      %add3A_88 = arith.addi %add3A, %add3A_87 : i32
      %mul3A_89 = arith.constant 64 : i32
      %mul3A_90 = arith.muli %add3A_88, %mul3A_89 : i32
      %dma_start3A_91 = arith.constant 0 : i32
      %dma_start3A_92 = tpu.memref_slice %arg5[%dma_start3A_91, %mul3A_90] : memref<2x160000xi32, #tpu.memory_space<hbm>> -> memref<1x64xi32, #tpu.memory_space<hbm>>
      %dma_start3A_93 = tpu.memref_squeeze %dma_start3A_92 : memref<1x64xi32, #tpu.memory_space<hbm>> -> memref<64xi32, #tpu.memory_space<hbm>>
      %dma_start3A_94 = tpu.memref_slice %arg5[%dma_start3A_91, %mul3A_90] : memref<2x160000xi32, #tpu.memory_space<hbm>> -> memref<1x64xi32, #tpu.memory_space<hbm>>
      %dma_start3A_95 = tpu.memref_squeeze %dma_start3A_94 : memref<1x64xi32, #tpu.memory_space<hbm>> -> memref<64xi32, #tpu.memory_space<hbm>>
      tpu.enqueue_dma source(%dma_start3A_95 : memref<64xi32, #tpu.memory_space<hbm>>) target(%arg8 : memref<64xi32, #tpu.memory_space<vmem>>) target_semaphore(%arg25 : memref<!tpu.dma_semaphore, #tpu.memory_space<semaphore_mem>>)
      %dma_start3A_96 = arith.constant 1 : i32
      %dma_start3A_97 = tpu.memref_slice %arg5[%dma_start3A_96, %mul3A_90] : memref<2x160000xi32, #tpu.memory_space<hbm>> -> memref<1x64xi32, #tpu.memory_space<hbm>>
      %dma_start3A_98 = tpu.memref_squeeze %dma_start3A_97 : memref<1x64xi32, #tpu.memory_space<hbm>> -> memref<64xi32, #tpu.memory_space<hbm>>
      %dma_start3A_99 = tpu.memref_slice %arg5[%dma_start3A_96, %mul3A_90] : memref<2x160000xi32, #tpu.memory_space<hbm>> -> memref<1x64xi32, #tpu.memory_space<hbm>>
      %dma_start3A_100 = tpu.memref_squeeze %dma_start3A_99 : memref<1x64xi32, #tpu.memory_space<hbm>> -> memref<64xi32, #tpu.memory_space<hbm>>
      tpu.enqueue_dma source(%dma_start3A_100 : memref<64xi32, #tpu.memory_space<hbm>>) target(%arg10 : memref<64xi32, #tpu.memory_space<vmem>>) target_semaphore(%arg25 : memref<!tpu.dma_semaphore, #tpu.memory_space<semaphore_mem>>)
    } else {
    }
    %dma_wait3A = arith.constant 0 : i32
    %dma_wait3A_49 = arith.constant 0 : i32
    %dma_wait3A_50 = tpu.memref_slice %arg5[%dma_wait3A, %dma_wait3A_49] : memref<2x160000xi32, #tpu.memory_space<hbm>> -> memref<1x64xi32, #tpu.memory_space<hbm>>
    %dma_wait3A_51 = tpu.memref_squeeze %dma_wait3A_50 : memref<1x64xi32, #tpu.memory_space<hbm>> -> memref<64xi32, #tpu.memory_space<hbm>>
    %dma_wait3A_52 = arith.constant 0 : i32
    %dma_wait3A_53 = tpu.memref_slice %arg5[%dma_wait3A, %dma_wait3A_52] : memref<2x160000xi32, #tpu.memory_space<hbm>> -> memref<1x64xi32, #tpu.memory_space<hbm>>
    %dma_wait3A_54 = tpu.memref_squeeze %dma_wait3A_53 : memref<1x64xi32, #tpu.memory_space<hbm>> -> memref<64xi32, #tpu.memory_space<hbm>>
    tpu.wait_dma2 semaphore(%arg24 : memref<!tpu.dma_semaphore, #tpu.memory_space<semaphore_mem>>) src(%dma_wait3A_54 : memref<64xi32, #tpu.memory_space<hbm>>) dst(%arg7 : memref<64xi32, #tpu.memory_space<vmem>>)
    %dma_wait3A_55 = arith.constant 1 : i32
    %dma_wait3A_56 = arith.constant 0 : i32
    %dma_wait3A_57 = tpu.memref_slice %arg5[%dma_wait3A_55, %dma_wait3A_56] : memref<2x160000xi32, #tpu.memory_space<hbm>> -> memref<1x64xi32, #tpu.memory_space<hbm>>
    %dma_wait3A_58 = tpu.memref_squeeze %dma_wait3A_57 : memref<1x64xi32, #tpu.memory_space<hbm>> -> memref<64xi32, #tpu.memory_space<hbm>>
    %dma_wait3A_59 = arith.constant 0 : i32
    %dma_wait3A_60 = tpu.memref_slice %arg5[%dma_wait3A_55, %dma_wait3A_59] : memref<2x160000xi32, #tpu.memory_space<hbm>> -> memref<1x64xi32, #tpu.memory_space<hbm>>
    %dma_wait3A_61 = tpu.memref_squeeze %dma_wait3A_60 : memref<1x64xi32, #tpu.memory_space<hbm>> -> memref<64xi32, #tpu.memory_space<hbm>>
    tpu.wait_dma2 semaphore(%arg24 : memref<!tpu.dma_semaphore, #tpu.memory_space<semaphore_mem>>) src(%dma_wait3A_61 : memref<64xi32, #tpu.memory_space<hbm>>) dst(%arg9 : memref<64xi32, #tpu.memory_space<vmem>>)
    %add3A_62 = arith.constant 0 : i32
    %add3A_63 = arith.addi %add3A, %add3A_62 : i32
    %mul3A_64 = arith.constant 64 : i32
    %mul3A_65 = arith.muli %add3A_63, %mul3A_64 : i32
    %dma_start3A_66 = arith.constant 0 : i32
    %dma_start3A_67 = arith.constant 0 : i32
    %dma_start3A_68 = tpu.memref_slice %arg2[%dma_start3A_66, %dma_start3A_67] : memref<10000x128xf32, #tpu.memory_space<hbm>> -> memref<10000x128xf32, #tpu.memory_space<hbm>>
    tpu.enqueue_indirect_dma source(%dma_start3A_68 : memref<10000x128xf32, #tpu.memory_space<hbm>>) target(%arg11 : memref<64x128xf32, #tpu.memory_space<vmem>>) offsets(%arg7 : memref<64xi32, #tpu.memory_space<vmem>>) semaphore(%arg18 : memref<!tpu.dma_semaphore, #tpu.memory_space<semaphore_mem>>)
    %dma_start3A_69 = arith.constant 0 : i32
    %dma_start3A_70 = arith.constant 0 : i32
    %dma_start3A_71 = tpu.memref_slice %arg3[%dma_start3A_69, %dma_start3A_70] : memref<10000x128xf32, #tpu.memory_space<hbm>> -> memref<10000x128xf32, #tpu.memory_space<hbm>>
    tpu.enqueue_indirect_dma source(%dma_start3A_71 : memref<10000x128xf32, #tpu.memory_space<hbm>>) target(%arg13 : memref<64x128xf32, #tpu.memory_space<vmem>>) offsets(%arg9 : memref<64xi32, #tpu.memory_space<vmem>>) semaphore(%arg20 : memref<!tpu.dma_semaphore, #tpu.memory_space<semaphore_mem>>)
    %dma_start3A_72 = arith.constant 0 : i32
    %dma_start3A_73 = tpu.memref_slice %arg4[%mul3A_65, %dma_start3A_72] : memref<160000x128xf32, #tpu.memory_space<hbm>> -> memref<64x128xf32, #tpu.memory_space<hbm>>
    %dma_start3A_74 = arith.constant 0 : i32
    %dma_start3A_75 = tpu.memref_slice %arg4[%mul3A_65, %dma_start3A_74] : memref<160000x128xf32, #tpu.memory_space<hbm>> -> memref<64x128xf32, #tpu.memory_space<hbm>>
    tpu.enqueue_dma source(%dma_start3A_75 : memref<64x128xf32, #tpu.memory_space<hbm>>) target(%arg15 : memref<64x128xf32, #tpu.memory_space<vmem>>) target_semaphore(%arg22 : memref<!tpu.dma_semaphore, #tpu.memory_space<semaphore_mem>>)
    %scan3A_76 = arith.constant 0 : i32
    %scan3A_77 = arith.constant 0 : i32
    %scan3A_78 = arith.constant 40 : i32
    %scan3A_79 = arith.addi %scan3A_77, %scan3A_78 : i32
    %scan3A_80 = arith.constant 1 : i32
    %scan3A_81 = scf.for %scan3A_87 = %scan3A_77 to %scan3A_79 step %scan3A_80 iter_args(%scan3A_88 = %scan3A_76) -> (i32)  : i32 {
      %mul3A_89 = arith.constant 2 : i32
      %mul3A_90 = arith.muli %scan3A_87, %mul3A_89 : i32
      %add3A_91 = arith.constant 0 : i32
      %add3A_92 = arith.addi %mul3A_90, %add3A_91 : i32
      %lt3A_93 = arith.cmpi slt, %add3A_92, %add3A_32 : i32
      %convert_element_type3A_94 = arith.extui %lt3A_93 : i1 to i32
      %cond3A_95 = arith.constant 0 : i32
      %cond3A_96 = arith.cmpi ne, %convert_element_type3A_94, %cond3A_95 : i32
      scf.if %cond3A_96 {
        %add3A_106 = arith.constant 1 : i32
        %add3A_107 = arith.addi %add3A_92, %add3A_106 : i32
        %lt3A_108 = arith.cmpi slt, %add3A_107, %add3A_32 : i32
        %convert_element_type3A_109 = arith.extui %lt3A_108 : i1 to i32
        %cond3A_110 = arith.constant 0 : i32
        %cond3A_111 = arith.cmpi ne, %convert_element_type3A_109, %cond3A_110 : i32
        scf.if %cond3A_111 {
          %dma_wait3A_143 = arith.constant 0 : i32
          %dma_wait3A_144 = arith.constant 0 : i32
          %dma_wait3A_145 = tpu.memref_slice %arg5[%dma_wait3A_143, %dma_wait3A_144] : memref<2x160000xi32, #tpu.memory_space<hbm>> -> memref<1x64xi32, #tpu.memory_space<hbm>>
          %dma_wait3A_146 = tpu.memref_squeeze %dma_wait3A_145 : memref<1x64xi32, #tpu.memory_space<hbm>> -> memref<64xi32, #tpu.memory_space<hbm>>
          %dma_wait3A_147 = arith.constant 0 : i32
          %dma_wait3A_148 = tpu.memref_slice %arg5[%dma_wait3A_143, %dma_wait3A_147] : memref<2x160000xi32, #tpu.memory_space<hbm>> -> memref<1x64xi32, #tpu.memory_space<hbm>>
          %dma_wait3A_149 = tpu.memref_squeeze %dma_wait3A_148 : memref<1x64xi32, #tpu.memory_space<hbm>> -> memref<64xi32, #tpu.memory_space<hbm>>
          tpu.wait_dma2 semaphore(%arg25 : memref<!tpu.dma_semaphore, #tpu.memory_space<semaphore_mem>>) src(%dma_wait3A_149 : memref<64xi32, #tpu.memory_space<hbm>>) dst(%arg8 : memref<64xi32, #tpu.memory_space<vmem>>)
          %dma_wait3A_150 = arith.constant 1 : i32
          %dma_wait3A_151 = arith.constant 0 : i32
          %dma_wait3A_152 = tpu.memref_slice %arg5[%dma_wait3A_150, %dma_wait3A_151] : memref<2x160000xi32, #tpu.memory_space<hbm>> -> memref<1x64xi32, #tpu.memory_space<hbm>>
          %dma_wait3A_153 = tpu.memref_squeeze %dma_wait3A_152 : memref<1x64xi32, #tpu.memory_space<hbm>> -> memref<64xi32, #tpu.memory_space<hbm>>
          %dma_wait3A_154 = arith.constant 0 : i32
          %dma_wait3A_155 = tpu.memref_slice %arg5[%dma_wait3A_150, %dma_wait3A_154] : memref<2x160000xi32, #tpu.memory_space<hbm>> -> memref<1x64xi32, #tpu.memory_space<hbm>>
          %dma_wait3A_156 = tpu.memref_squeeze %dma_wait3A_155 : memref<1x64xi32, #tpu.memory_space<hbm>> -> memref<64xi32, #tpu.memory_space<hbm>>
          tpu.wait_dma2 semaphore(%arg25 : memref<!tpu.dma_semaphore, #tpu.memory_space<semaphore_mem>>) src(%dma_wait3A_156 : memref<64xi32, #tpu.memory_space<hbm>>) dst(%arg10 : memref<64xi32, #tpu.memory_space<vmem>>)
          %add3A_157 = arith.constant 1 : i32
          %add3A_158 = arith.addi %add3A_92, %add3A_157 : i32
          %mul3A_159 = arith.constant 32 : i32
          %mul3A_160 = arith.muli %add3A_158, %mul3A_159 : i32
          %add3A_161 = arith.addi %add3A, %mul3A_160 : i32
          %mul3A_162 = arith.constant 64 : i32
          %mul3A_163 = arith.muli %add3A_161, %mul3A_162 : i32
          %dma_start3A_164 = arith.constant 0 : i32
          %dma_start3A_165 = arith.constant 0 : i32
          %dma_start3A_166 = tpu.memref_slice %arg2[%dma_start3A_164, %dma_start3A_165] : memref<10000x128xf32, #tpu.memory_space<hbm>> -> memref<10000x128xf32, #tpu.memory_space<hbm>>
          tpu.enqueue_indirect_dma source(%dma_start3A_166 : memref<10000x128xf32, #tpu.memory_space<hbm>>) target(%arg12 : memref<64x128xf32, #tpu.memory_space<vmem>>) offsets(%arg8 : memref<64xi32, #tpu.memory_space<vmem>>) semaphore(%arg19 : memref<!tpu.dma_semaphore, #tpu.memory_space<semaphore_mem>>)
          %dma_start3A_167 = arith.constant 0 : i32
          %dma_start3A_168 = arith.constant 0 : i32
          %dma_start3A_169 = tpu.memref_slice %arg3[%dma_start3A_167, %dma_start3A_168] : memref<10000x128xf32, #tpu.memory_space<hbm>> -> memref<10000x128xf32, #tpu.memory_space<hbm>>
          tpu.enqueue_indirect_dma source(%dma_start3A_169 : memref<10000x128xf32, #tpu.memory_space<hbm>>) target(%arg14 : memref<64x128xf32, #tpu.memory_space<vmem>>) offsets(%arg10 : memref<64xi32, #tpu.memory_space<vmem>>) semaphore(%arg21 : memref<!tpu.dma_semaphore, #tpu.memory_space<semaphore_mem>>)
          %dma_start3A_170 = arith.constant 0 : i32
          %dma_start3A_171 = tpu.memref_slice %arg4[%mul3A_163, %dma_start3A_170] : memref<160000x128xf32, #tpu.memory_space<hbm>> -> memref<64x128xf32, #tpu.memory_space<hbm>>
          %dma_start3A_172 = arith.constant 0 : i32
          %dma_start3A_173 = tpu.memref_slice %arg4[%mul3A_163, %dma_start3A_172] : memref<160000x128xf32, #tpu.memory_space<hbm>> -> memref<64x128xf32, #tpu.memory_space<hbm>>
          tpu.enqueue_dma source(%dma_start3A_173 : memref<64x128xf32, #tpu.memory_space<hbm>>) target(%arg16 : memref<64x128xf32, #tpu.memory_space<vmem>>) target_semaphore(%arg23 : memref<!tpu.dma_semaphore, #tpu.memory_space<semaphore_mem>>)
        } else {
        }
        %dma_wait3A_112 = arith.constant 0 : i32
        %dma_wait3A_113 = arith.constant 0 : i32
        %dma_wait3A_114 = tpu.memref_slice %arg2[%dma_wait3A_112, %dma_wait3A_113] : memref<10000x128xf32, #tpu.memory_space<hbm>> -> memref<64x128xf32, #tpu.memory_space<hbm>>
        %dma_wait3A_115 = arith.constant 0 : i32
        %dma_wait3A_116 = arith.constant 0 : i32
        %dma_wait3A_117 = tpu.memref_slice %arg2[%dma_wait3A_115, %dma_wait3A_116] : memref<10000x128xf32, #tpu.memory_space<hbm>> -> memref<64x128xf32, #tpu.memory_space<hbm>>
        tpu.wait_dma2 semaphore(%arg18 : memref<!tpu.dma_semaphore, #tpu.memory_space<semaphore_mem>>) src(%dma_wait3A_117 : memref<64x128xf32, #tpu.memory_space<hbm>>) dst(%arg11 : memref<64x128xf32, #tpu.memory_space<vmem>>)
        %dma_wait3A_118 = arith.constant 0 : i32
        %dma_wait3A_119 = arith.constant 0 : i32
        %dma_wait3A_120 = tpu.memref_slice %arg3[%dma_wait3A_118, %dma_wait3A_119] : memref<10000x128xf32, #tpu.memory_space<hbm>> -> memref<64x128xf32, #tpu.memory_space<hbm>>
        %dma_wait3A_121 = arith.constant 0 : i32
        %dma_wait3A_122 = arith.constant 0 : i32
        %dma_wait3A_123 = tpu.memref_slice %arg3[%dma_wait3A_121, %dma_wait3A_122] : memref<10000x128xf32, #tpu.memory_space<hbm>> -> memref<64x128xf32, #tpu.memory_space<hbm>>
        tpu.wait_dma2 semaphore(%arg20 : memref<!tpu.dma_semaphore, #tpu.memory_space<semaphore_mem>>) src(%dma_wait3A_123 : memref<64x128xf32, #tpu.memory_space<hbm>>) dst(%arg13 : memref<64x128xf32, #tpu.memory_space<vmem>>)
        %dma_wait3A_124 = arith.constant 0 : i32
        %dma_wait3A_125 = arith.constant 0 : i32
        %dma_wait3A_126 = tpu.memref_slice %arg4[%dma_wait3A_124, %dma_wait3A_125] : memref<160000x128xf32, #tpu.memory_space<hbm>> -> memref<64x128xf32, #tpu.memory_space<hbm>>
        %dma_wait3A_127 = arith.constant 0 : i32
        %dma_wait3A_128 = arith.constant 0 : i32
        %dma_wait3A_129 = tpu.memref_slice %arg4[%dma_wait3A_127, %dma_wait3A_128] : memref<160000x128xf32, #tpu.memory_space<hbm>> -> memref<64x128xf32, #tpu.memory_space<hbm>>
        tpu.wait_dma2 semaphore(%arg22 : memref<!tpu.dma_semaphore, #tpu.memory_space<semaphore_mem>>) src(%dma_wait3A_129 : memref<64x128xf32, #tpu.memory_space<hbm>>) dst(%arg15 : memref<64x128xf32, #tpu.memory_space<vmem>>)
        %scan3A_130 = arith.constant 0 : i32
        %scan3A_131 = arith.constant 0 : i32
        %scan3A_132 = arith.constant 64 : i32
        %scan3A_133 = arith.addi %scan3A_131, %scan3A_132 : i32
        %scan3A_134 = arith.constant 1 : i32
        %scan3A_135 = scf.for %scan3A_143 = %scan3A_131 to %scan3A_133 step %scan3A_134 iter_args(%scan3A_144 = %scan3A_130) -> (i32)  : i32 {
          %get3A = arith.index_cast %scan3A_143 : i32 to index
          %get3A_145 = arith.constant 0 : index
          %get3A_146 = tpu.vector_load %arg11[%get3A, %get3A_145] {strides = array<i32>} : memref<64x128xf32, #tpu.memory_space<vmem>>, vector<1x16xf32>,
          %get3A_147 = vector.shape_cast %get3A_146 : vector<1x16xf32> to vector<16xf32>
          %get3A_148 = arith.index_cast %scan3A_143 : i32 to index
          %get3A_149 = arith.constant 0 : index
          %get3A_150 = tpu.vector_load %arg13[%get3A_148, %get3A_149] {strides = array<i32>} : memref<64x128xf32, #tpu.memory_space<vmem>>, vector<1x16xf32>,
          %get3A_151 = vector.shape_cast %get3A_150 : vector<1x16xf32> to vector<16xf32>
          %add3A_152 = arith.addf %get3A_147, %get3A_151 : vector<16xf32>
          %get3A_153 = arith.index_cast %scan3A_143 : i32 to index
          %get3A_154 = arith.constant 0 : index
          %get3A_155 = tpu.vector_load %arg15[%get3A_153, %get3A_154] {strides = array<i32>} : memref<64x128xf32, #tpu.memory_space<vmem>>, vector<1x16xf32>,
          %get3A_156 = vector.shape_cast %get3A_155 : vector<1x16xf32> to vector<16xf32>
          %add3A_157 = arith.addf %add3A_152, %get3A_156 : vector<16xf32>
          %max3A = arith.constant 0.000000e+00 : f32
          %max3A_158 = vector.broadcast %max3A : f32 to vector<16xf32>
          %max3A_159 = arith.maximumf %add3A_157, %max3A_158 : vector<16xf32>
          %swap3A = arith.index_cast %scan3A_143 : i32 to index
          %swap3A_160 = arith.constant 0 : index
          %swap3A_161 = tpu.vector_load %arg15[%swap3A, %swap3A_160] {strides = array<i32>} : memref<64x128xf32, #tpu.memory_space<vmem>>, vector<1x16xf32>,
          %swap3A_162 = vector.shape_cast %swap3A_161 : vector<1x16xf32> to vector<16xf32>
          %swap3A_163 = vector.shape_cast %max3A_159 : vector<16xf32> to vector<1x16xf32>
          tpu.vector_store %arg15[%swap3A, %swap3A_160], %swap3A_163 {strides = array<i32>} : memref<64x128xf32, #tpu.memory_space<vmem>>, vector<1x16xf32>,
          %get3A_164 = arith.index_cast %scan3A_143 : i32 to index
          %get3A_165 = arith.constant 16 : index
          %get3A_166 = tpu.vector_load %arg11[%get3A_164, %get3A_165] {strides = array<i32>} : memref<64x128xf32, #tpu.memory_space<vmem>>, vector<1x16xf32>,
          %get3A_167 = vector.shape_cast %get3A_166 : vector<1x16xf32> to vector<16xf32>
          %get3A_168 = arith.index_cast %scan3A_143 : i32 to index
          %get3A_169 = arith.constant 16 : index
          %get3A_170 = tpu.vector_load %arg13[%get3A_168, %get3A_169] {strides = array<i32>} : memref<64x128xf32, #tpu.memory_space<vmem>>, vector<1x16xf32>,
          %get3A_171 = vector.shape_cast %get3A_170 : vector<1x16xf32> to vector<16xf32>
          %add3A_172 = arith.addf %get3A_167, %get3A_171 : vector<16xf32>
          %get3A_173 = arith.index_cast %scan3A_143 : i32 to index
          %get3A_174 = arith.constant 16 : index
          %get3A_175 = tpu.vector_load %arg15[%get3A_173, %get3A_174] {strides = array<i32>} : memref<64x128xf32, #tpu.memory_space<vmem>>, vector<1x16xf32>,
          %get3A_176 = vector.shape_cast %get3A_175 : vector<1x16xf32> to vector<16xf32>
          %add3A_177 = arith.addf %add3A_172, %get3A_176 : vector<16xf32>
          %max3A_178 = arith.constant 0.000000e+00 : f32
          %max3A_179 = vector.broadcast %max3A_178 : f32 to vector<16xf32>
          %max3A_180 = arith.maximumf %add3A_177, %max3A_179 : vector<16xf32>
          %swap3A_181 = arith.index_cast %scan3A_143 : i32 to index
          %swap3A_182 = arith.constant 16 : index
          %swap3A_183 = tpu.vector_load %arg15[%swap3A_181, %swap3A_182] {strides = array<i32>} : memref<64x128xf32, #tpu.memory_space<vmem>>, vector<1x16xf32>,
          %swap3A_184 = vector.shape_cast %swap3A_183 : vector<1x16xf32> to vector<16xf32>
          %swap3A_185 = vector.shape_cast %max3A_180 : vector<16xf32> to vector<1x16xf32>
          tpu.vector_store %arg15[%swap3A_181, %swap3A_182], %swap3A_185 {strides = array<i32>} : memref<64x128xf32, #tpu.memory_space<vmem>>, vector<1x16xf32>,
          %get3A_186 = arith.index_cast %scan3A_143 : i32 to index
          %get3A_187 = arith.constant 32 : index
          %get3A_188 = tpu.vector_load %arg11[%get3A_186, %get3A_187] {strides = array<i32>} : memref<64x128xf32, #tpu.memory_space<vmem>>, vector<1x16xf32>,
          %get3A_189 = vector.shape_cast %get3A_188 : vector<1x16xf32> to vector<16xf32>
          %get3A_190 = arith.index_cast %scan3A_143 : i32 to index
          %get3A_191 = arith.constant 32 : index
          %get3A_192 = tpu.vector_load %arg13[%get3A_190, %get3A_191] {strides = array<i32>} : memref<64x128xf32, #tpu.memory_space<vmem>>, vector<1x16xf32>,
          %get3A_193 = vector.shape_cast %get3A_192 : vector<1x16xf32> to vector<16xf32>
          %add3A_194 = arith.addf %get3A_189, %get3A_193 : vector<16xf32>
          %get3A_195 = arith.index_cast %scan3A_143 : i32 to index
          %get3A_196 = arith.constant 32 : index
          %get3A_197 = tpu.vector_load %arg15[%get3A_195, %get3A_196] {strides = array<i32>} : memref<64x128xf32, #tpu.memory_space<vmem>>, vector<1x16xf32>,
          %get3A_198 = vector.shape_cast %get3A_197 : vector<1x16xf32> to vector<16xf32>
          %add3A_199 = arith.addf %add3A_194, %get3A_198 : vector<16xf32>
          %max3A_200 = arith.constant 0.000000e+00 : f32
          %max3A_201 = vector.broadcast %max3A_200 : f32 to vector<16xf32>
          %max3A_202 = arith.maximumf %add3A_199, %max3A_201 : vector<16xf32>
          %swap3A_203 = arith.index_cast %scan3A_143 : i32 to index
          %swap3A_204 = arith.constant 32 : index
          %swap3A_205 = tpu.vector_load %arg15[%swap3A_203, %swap3A_204] {strides = array<i32>} : memref<64x128xf32, #tpu.memory_space<vmem>>, vector<1x16xf32>,
          %swap3A_206 = vector.shape_cast %swap3A_205 : vector<1x16xf32> to vector<16xf32>
          %swap3A_207 = vector.shape_cast %max3A_202 : vector<16xf32> to vector<1x16xf32>
          tpu.vector_store %arg15[%swap3A_203, %swap3A_204], %swap3A_207 {strides = array<i32>} : memref<64x128xf32, #tpu.memory_space<vmem>>, vector<1x16xf32>,
          %get3A_208 = arith.index_cast %scan3A_143 : i32 to index
          %get3A_209 = arith.constant 48 : index
          %get3A_210 = tpu.vector_load %arg11[%get3A_208, %get3A_209] {strides = array<i32>} : memref<64x128xf32, #tpu.memory_space<vmem>>, vector<1x16xf32>,
          %get3A_211 = vector.shape_cast %get3A_210 : vector<1x16xf32> to vector<16xf32>
          %get3A_212 = arith.index_cast %scan3A_143 : i32 to index
          %get3A_213 = arith.constant 48 : index
          %get3A_214 = tpu.vector_load %arg13[%get3A_212, %get3A_213] {strides = array<i32>} : memref<64x128xf32, #tpu.memory_space<vmem>>, vector<1x16xf32>,
          %get3A_215 = vector.shape_cast %get3A_214 : vector<1x16xf32> to vector<16xf32>
          %add3A_216 = arith.addf %get3A_211, %get3A_215 : vector<16xf32>
          %get3A_217 = arith.index_cast %scan3A_143 : i32 to index
          %get3A_218 = arith.constant 48 : index
          %get3A_219 = tpu.vector_load %arg15[%get3A_217, %get3A_218] {strides = array<i32>} : memref<64x128xf32, #tpu.memory_space<vmem>>, vector<1x16xf32>,
          %get3A_220 = vector.shape_cast %get3A_219 : vector<1x16xf32> to vector<16xf32>
          %add3A_221 = arith.addf %add3A_216, %get3A_220 : vector<16xf32>
          %max3A_222 = arith.constant 0.000000e+00 : f32
          %max3A_223 = vector.broadcast %max3A_222 : f32 to vector<16xf32>
          %max3A_224 = arith.maximumf %add3A_221, %max3A_223 : vector<16xf32>
          %swap3A_225 = arith.index_cast %scan3A_143 : i32 to index
          %swap3A_226 = arith.constant 48 : index
          %swap3A_227 = tpu.vector_load %arg15[%swap3A_225, %swap3A_226] {strides = array<i32>} : memref<64x128xf32, #tpu.memory_space<vmem>>, vector<1x16xf32>,
          %swap3A_228 = vector.shape_cast %swap3A_227 : vector<1x16xf32> to vector<16xf32>
          %swap3A_229 = vector.shape_cast %max3A_224 : vector<16xf32> to vector<1x16xf32>
          tpu.vector_store %arg15[%swap3A_225, %swap3A_226], %swap3A_229 {strides = array<i32>} : memref<64x128xf32, #tpu.memory_space<vmem>>, vector<1x16xf32>,
          %get3A_230 = arith.index_cast %scan3A_143 : i32 to index
          %get3A_231 = arith.constant 64 : index
          %get3A_232 = tpu.vector_load %arg11[%get3A_230, %get3A_231] {strides = array<i32>} : memref<64x128xf32, #tpu.memory_space<vmem>>, vector<1x16xf32>,
          %get3A_233 = vector.shape_cast %get3A_232 : vector<1x16xf32> to vector<16xf32>
          %get3A_234 = arith.index_cast %scan3A_143 : i32 to index
          %get3A_235 = arith.constant 64 : index
          %get3A_236 = tpu.vector_load %arg13[%get3A_234, %get3A_235] {strides = array<i32>} : memref<64x128xf32, #tpu.memory_space<vmem>>, vector<1x16xf32>,
          %get3A_237 = vector.shape_cast %get3A_236 : vector<1x16xf32> to vector<16xf32>
          %add3A_238 = arith.addf %get3A_233, %get3A_237 : vector<16xf32>
          %get3A_239 = arith.index_cast %scan3A_143 : i32 to index
          %get3A_240 = arith.constant 64 : index
          %get3A_241 = tpu.vector_load %arg15[%get3A_239, %get3A_240] {strides = array<i32>} : memref<64x128xf32, #tpu.memory_space<vmem>>, vector<1x16xf32>,
          %get3A_242 = vector.shape_cast %get3A_241 : vector<1x16xf32> to vector<16xf32>
          %add3A_243 = arith.addf %add3A_238, %get3A_242 : vector<16xf32>
          %max3A_244 = arith.constant 0.000000e+00 : f32
          %max3A_245 = vector.broadcast %max3A_244 : f32 to vector<16xf32>
          %max3A_246 = arith.maximumf %add3A_243, %max3A_245 : vector<16xf32>
          %swap3A_247 = arith.index_cast %scan3A_143 : i32 to index
          %swap3A_248 = arith.constant 64 : index
          %swap3A_249 = tpu.vector_load %arg15[%swap3A_247, %swap3A_248] {strides = array<i32>} : memref<64x128xf32, #tpu.memory_space<vmem>>, vector<1x16xf32>,
          %swap3A_250 = vector.shape_cast %swap3A_249 : vector<1x16xf32> to vector<16xf32>
          %swap3A_251 = vector.shape_cast %max3A_246 : vector<16xf32> to vector<1x16xf32>
          tpu.vector_store %arg15[%swap3A_247, %swap3A_248], %swap3A_251 {strides = array<i32>} : memref<64x128xf32, #tpu.memory_space<vmem>>, vector<1x16xf32>,
          %get3A_252 = arith.index_cast %scan3A_143 : i32 to index
          %get3A_253 = arith.constant 80 : index
          %get3A_254 = tpu.vector_load %arg11[%get3A_252, %get3A_253] {strides = array<i32>} : memref<64x128xf32, #tpu.memory_space<vmem>>, vector<1x16xf32>,
          %get3A_255 = vector.shape_cast %get3A_254 : vector<1x16xf32> to vector<16xf32>
          %get3A_256 = arith.index_cast %scan3A_143 : i32 to index
          %get3A_257 = arith.constant 80 : index
          %get3A_258 = tpu.vector_load %arg13[%get3A_256, %get3A_257] {strides = array<i32>} : memref<64x128xf32, #tpu.memory_space<vmem>>, vector<1x16xf32>,
          %get3A_259 = vector.shape_cast %get3A_258 : vector<1x16xf32> to vector<16xf32>
          %add3A_260 = arith.addf %get3A_255, %get3A_259 : vector<16xf32>
          %get3A_261 = arith.index_cast %scan3A_143 : i32 to index
          %get3A_262 = arith.constant 80 : index
          %get3A_263 = tpu.vector_load %arg15[%get3A_261, %get3A_262] {strides = array<i32>} : memref<64x128xf32, #tpu.memory_space<vmem>>, vector<1x16xf32>,
          %get3A_264 = vector.shape_cast %get3A_263 : vector<1x16xf32> to vector<16xf32>
          %add3A_265 = arith.addf %add3A_260, %get3A_264 : vector<16xf32>
          %max3A_266 = arith.constant 0.000000e+00 : f32
          %max3A_267 = vector.broadcast %max3A_266 : f32 to vector<16xf32>
          %max3A_268 = arith.maximumf %add3A_265, %max3A_267 : vector<16xf32>
          %swap3A_269 = arith.index_cast %scan3A_143 : i32 to index
          %swap3A_270 = arith.constant 80 : index
          %swap3A_271 = tpu.vector_load %arg15[%swap3A_269, %swap3A_270] {strides = array<i32>} : memref<64x128xf32, #tpu.memory_space<vmem>>, vector<1x16xf32>,
          %swap3A_272 = vector.shape_cast %swap3A_271 : vector<1x16xf32> to vector<16xf32>
          %swap3A_273 = vector.shape_cast %max3A_268 : vector<16xf32> to vector<1x16xf32>
          tpu.vector_store %arg15[%swap3A_269, %swap3A_270], %swap3A_273 {strides = array<i32>} : memref<64x128xf32, #tpu.memory_space<vmem>>, vector<1x16xf32>,
          %get3A_274 = arith.index_cast %scan3A_143 : i32 to index
          %get3A_275 = arith.constant 96 : index
          %get3A_276 = tpu.vector_load %arg11[%get3A_274, %get3A_275] {strides = array<i32>} : memref<64x128xf32, #tpu.memory_space<vmem>>, vector<1x16xf32>,
          %get3A_277 = vector.shape_cast %get3A_276 : vector<1x16xf32> to vector<16xf32>
          %get3A_278 = arith.index_cast %scan3A_143 : i32 to index
          %get3A_279 = arith.constant 96 : index
          %get3A_280 = tpu.vector_load %arg13[%get3A_278, %get3A_279] {strides = array<i32>} : memref<64x128xf32, #tpu.memory_space<vmem>>, vector<1x16xf32>,
          %get3A_281 = vector.shape_cast %get3A_280 : vector<1x16xf32> to vector<16xf32>
          %add3A_282 = arith.addf %get3A_277, %get3A_281 : vector<16xf32>
          %get3A_283 = arith.index_cast %scan3A_143 : i32 to index
          %get3A_284 = arith.constant 96 : index
          %get3A_285 = tpu.vector_load %arg15[%get3A_283, %get3A_284] {strides = array<i32>} : memref<64x128xf32, #tpu.memory_space<vmem>>, vector<1x16xf32>,
          %get3A_286 = vector.shape_cast %get3A_285 : vector<1x16xf32> to vector<16xf32>
          %add3A_287 = arith.addf %add3A_282, %get3A_286 : vector<16xf32>
          %max3A_288 = arith.constant 0.000000e+00 : f32
          %max3A_289 = vector.broadcast %max3A_288 : f32 to vector<16xf32>
          %max3A_290 = arith.maximumf %add3A_287, %max3A_289 : vector<16xf32>
          %swap3A_291 = arith.index_cast %scan3A_143 : i32 to index
          %swap3A_292 = arith.constant 96 : index
          %swap3A_293 = tpu.vector_load %arg15[%swap3A_291, %swap3A_292] {strides = array<i32>} : memref<64x128xf32, #tpu.memory_space<vmem>>, vector<1x16xf32>,
          %swap3A_294 = vector.shape_cast %swap3A_293 : vector<1x16xf32> to vector<16xf32>
          %swap3A_295 = vector.shape_cast %max3A_290 : vector<16xf32> to vector<1x16xf32>
          tpu.vector_store %arg15[%swap3A_291, %swap3A_292], %swap3A_295 {strides = array<i32>} : memref<64x128xf32, #tpu.memory_space<vmem>>, vector<1x16xf32>,
          %get3A_296 = arith.index_cast %scan3A_143 : i32 to index
          %get3A_297 = arith.constant 112 : index
          %get3A_298 = tpu.vector_load %arg11[%get3A_296, %get3A_297] {strides = array<i32>} : memref<64x128xf32, #tpu.memory_space<vmem>>, vector<1x16xf32>,
          %get3A_299 = vector.shape_cast %get3A_298 : vector<1x16xf32> to vector<16xf32>
          %get3A_300 = arith.index_cast %scan3A_143 : i32 to index
          %get3A_301 = arith.constant 112 : index
          %get3A_302 = tpu.vector_load %arg13[%get3A_300, %get3A_301] {strides = array<i32>} : memref<64x128xf32, #tpu.memory_space<vmem>>, vector<1x16xf32>,
          %get3A_303 = vector.shape_cast %get3A_302 : vector<1x16xf32> to vector<16xf32>
          %add3A_304 = arith.addf %get3A_299, %get3A_303 : vector<16xf32>
          %get3A_305 = arith.index_cast %scan3A_143 : i32 to index
          %get3A_306 = arith.constant 112 : index
          %get3A_307 = tpu.vector_load %arg15[%get3A_305, %get3A_306] {strides = array<i32>} : memref<64x128xf32, #tpu.memory_space<vmem>>, vector<1x16xf32>,
          %get3A_308 = vector.shape_cast %get3A_307 : vector<1x16xf32> to vector<16xf32>
          %add3A_309 = arith.addf %add3A_304, %get3A_308 : vector<16xf32>
          %max3A_310 = arith.constant 0.000000e+00 : f32
          %max3A_311 = vector.broadcast %max3A_310 : f32 to vector<16xf32>
          %max3A_312 = arith.maximumf %add3A_309, %max3A_311 : vector<16xf32>
          %swap3A_313 = arith.index_cast %scan3A_143 : i32 to index
          %swap3A_314 = arith.constant 112 : index
          %swap3A_315 = tpu.vector_load %arg15[%swap3A_313, %swap3A_314] {strides = array<i32>} : memref<64x128xf32, #tpu.memory_space<vmem>>, vector<1x16xf32>,
          %swap3A_316 = vector.shape_cast %swap3A_315 : vector<1x16xf32> to vector<16xf32>
          %swap3A_317 = vector.shape_cast %max3A_312 : vector<16xf32> to vector<1x16xf32>
          tpu.vector_store %arg15[%swap3A_313, %swap3A_314], %swap3A_317 {strides = array<i32>} : memref<64x128xf32, #tpu.memory_space<vmem>>, vector<1x16xf32>,
          %scan3A_318 = arith.constant 0 : i32
          scf.yield %scan3A_318 : i32
        }
        %scan3A_136 = arith.constant 64 : i32
        "tpu.region"() ({
          %run_scoped3A = tpu.sem_alloc : memref<!tpu.dma_semaphore, #tpu.memory_space<semaphore_mem>>
          %dma_start3A_143 = arith.constant 0 : i32
          %dma_start3A_144 = arith.constant 0 : i32
          %dma_start3A_145 = tpu.memref_slice %arg17[%dma_start3A_143, %dma_start3A_144] : memref<10112x128xf32, #tpu.memory_space<vmem_shared>> -> memref<10112x128xf32, #tpu.memory_space<vmem_shared>>
          tpu.enqueue_indirect_dma source(%arg15 : memref<64x128xf32, #tpu.memory_space<vmem>>) target(%dma_start3A_145 : memref<10112x128xf32, #tpu.memory_space<vmem_shared>>) offsets(%arg7 : memref<64xi32, #tpu.memory_space<vmem>>) semaphore(%run_scoped3A : memref<!tpu.dma_semaphore, #tpu.memory_space<semaphore_mem>>) {add = true}
          %dma_wait3A_146 = arith.constant 0 : i32
          %dma_wait3A_147 = arith.constant 0 : i32
          %dma_wait3A_148 = tpu.memref_slice %arg17[%dma_wait3A_146, %dma_wait3A_147] : memref<10112x128xf32, #tpu.memory_space<vmem_shared>> -> memref<10112x128xf32, #tpu.memory_space<vmem_shared>>
          tpu.wait_indirect_dma semaphore(%run_scoped3A : memref<!tpu.dma_semaphore, #tpu.memory_space<semaphore_mem>>) src(%arg15 : memref<64x128xf32, #tpu.memory_space<vmem>>) dst(%dma_wait3A_148 : memref<10112x128xf32, #tpu.memory_space<vmem_shared>>)
          tpu.yield
        }) : () -> ()
        %add3A_137 = arith.constant 2 : i32
        %add3A_138 = arith.addi %add3A_92, %add3A_137 : i32
        %lt3A_139 = arith.cmpi slt, %add3A_138, %add3A_32 : i32
        %convert_element_type3A_140 = arith.extui %lt3A_139 : i1 to i32
        %cond3A_141 = arith.constant 0 : i32
        %cond3A_142 = arith.cmpi ne, %convert_element_type3A_140, %cond3A_141 : i32
        scf.if %cond3A_142 {
          %add3A_143 = arith.constant 2 : i32
          %add3A_144 = arith.addi %add3A_92, %add3A_143 : i32
          %mul3A_145 = arith.constant 32 : i32
          %mul3A_146 = arith.muli %add3A_144, %mul3A_145 : i32
          %add3A_147 = arith.addi %add3A, %mul3A_146 : i32
          %mul3A_148 = arith.constant 64 : i32
          %mul3A_149 = arith.muli %add3A_147, %mul3A_148 : i32
          %dma_start3A_150 = arith.constant 0 : i32
          %dma_start3A_151 = tpu.memref_slice %arg5[%dma_start3A_150, %mul3A_149] : memref<2x160000xi32, #tpu.memory_space<hbm>> -> memref<1x64xi32, #tpu.memory_space<hbm>>
          %dma_start3A_152 = tpu.memref_squeeze %dma_start3A_151 : memref<1x64xi32, #tpu.memory_space<hbm>> -> memref<64xi32, #tpu.memory_space<hbm>>
          %dma_start3A_153 = tpu.memref_slice %arg5[%dma_start3A_150, %mul3A_149] : memref<2x160000xi32, #tpu.memory_space<hbm>> -> memref<1x64xi32, #tpu.memory_space<hbm>>
          %dma_start3A_154 = tpu.memref_squeeze %dma_start3A_153 : memref<1x64xi32, #tpu.memory_space<hbm>> -> memref<64xi32, #tpu.memory_space<hbm>>
          tpu.enqueue_dma source(%dma_start3A_154 : memref<64xi32, #tpu.memory_space<hbm>>) target(%arg7 : memref<64xi32, #tpu.memory_space<vmem>>) target_semaphore(%arg24 : memref<!tpu.dma_semaphore, #tpu.memory_space<semaphore_mem>>)
          %dma_start3A_155 = arith.constant 1 : i32
          %dma_start3A_156 = tpu.memref_slice %arg5[%dma_start3A_155, %mul3A_149] : memref<2x160000xi32, #tpu.memory_space<hbm>> -> memref<1x64xi32, #tpu.memory_space<hbm>>
          %dma_start3A_157 = tpu.memref_squeeze %dma_start3A_156 : memref<1x64xi32, #tpu.memory_space<hbm>> -> memref<64xi32, #tpu.memory_space<hbm>>
          %dma_start3A_158 = tpu.memref_slice %arg5[%dma_start3A_155, %mul3A_149] : memref<2x160000xi32, #tpu.memory_space<hbm>> -> memref<1x64xi32, #tpu.memory_space<hbm>>
          %dma_start3A_159 = tpu.memref_squeeze %dma_start3A_158 : memref<1x64xi32, #tpu.memory_space<hbm>> -> memref<64xi32, #tpu.memory_space<hbm>>
          tpu.enqueue_dma source(%dma_start3A_159 : memref<64xi32, #tpu.memory_space<hbm>>) target(%arg9 : memref<64xi32, #tpu.memory_space<vmem>>) target_semaphore(%arg24 : memref<!tpu.dma_semaphore, #tpu.memory_space<semaphore_mem>>)
        } else {
        }
      } else {
      }
      %mul3A_97 = arith.constant 2 : i32
      %mul3A_98 = arith.muli %scan3A_87, %mul3A_97 : i32
      %add3A_99 = arith.constant 1 : i32
      %add3A_100 = arith.addi %mul3A_98, %add3A_99 : i32
      %lt3A_101 = arith.cmpi slt, %add3A_100, %add3A_32 : i32
      %convert_element_type3A_102 = arith.extui %lt3A_101 : i1 to i32
      %cond3A_103 = arith.constant 0 : i32
      %cond3A_104 = arith.cmpi ne, %convert_element_type3A_102, %cond3A_103 : i32
      scf.if %cond3A_104 {
        %add3A_106 = arith.constant 1 : i32
        %add3A_107 = arith.addi %add3A_100, %add3A_106 : i32
        %lt3A_108 = arith.cmpi slt, %add3A_107, %add3A_32 : i32
        %convert_element_type3A_109 = arith.extui %lt3A_108 : i1 to i32
        %cond3A_110 = arith.constant 0 : i32
        %cond3A_111 = arith.cmpi ne, %convert_element_type3A_109, %cond3A_110 : i32
        scf.if %cond3A_111 {
          %dma_wait3A_143 = arith.constant 0 : i32
          %dma_wait3A_144 = arith.constant 0 : i32
          %dma_wait3A_145 = tpu.memref_slice %arg5[%dma_wait3A_143, %dma_wait3A_144] : memref<2x160000xi32, #tpu.memory_space<hbm>> -> memref<1x64xi32, #tpu.memory_space<hbm>>
          %dma_wait3A_146 = tpu.memref_squeeze %dma_wait3A_145 : memref<1x64xi32, #tpu.memory_space<hbm>> -> memref<64xi32, #tpu.memory_space<hbm>>
          %dma_wait3A_147 = arith.constant 0 : i32
          %dma_wait3A_148 = tpu.memref_slice %arg5[%dma_wait3A_143, %dma_wait3A_147] : memref<2x160000xi32, #tpu.memory_space<hbm>> -> memref<1x64xi32, #tpu.memory_space<hbm>>
          %dma_wait3A_149 = tpu.memref_squeeze %dma_wait3A_148 : memref<1x64xi32, #tpu.memory_space<hbm>> -> memref<64xi32, #tpu.memory_space<hbm>>
          tpu.wait_dma2 semaphore(%arg24 : memref<!tpu.dma_semaphore, #tpu.memory_space<semaphore_mem>>) src(%dma_wait3A_149 : memref<64xi32, #tpu.memory_space<hbm>>) dst(%arg7 : memref<64xi32, #tpu.memory_space<vmem>>)
          %dma_wait3A_150 = arith.constant 1 : i32
          %dma_wait3A_151 = arith.constant 0 : i32
          %dma_wait3A_152 = tpu.memref_slice %arg5[%dma_wait3A_150, %dma_wait3A_151] : memref<2x160000xi32, #tpu.memory_space<hbm>> -> memref<1x64xi32, #tpu.memory_space<hbm>>
          %dma_wait3A_153 = tpu.memref_squeeze %dma_wait3A_152 : memref<1x64xi32, #tpu.memory_space<hbm>> -> memref<64xi32, #tpu.memory_space<hbm>>
          %dma_wait3A_154 = arith.constant 0 : i32
          %dma_wait3A_155 = tpu.memref_slice %arg5[%dma_wait3A_150, %dma_wait3A_154] : memref<2x160000xi32, #tpu.memory_space<hbm>> -> memref<1x64xi32, #tpu.memory_space<hbm>>
          %dma_wait3A_156 = tpu.memref_squeeze %dma_wait3A_155 : memref<1x64xi32, #tpu.memory_space<hbm>> -> memref<64xi32, #tpu.memory_space<hbm>>
          tpu.wait_dma2 semaphore(%arg24 : memref<!tpu.dma_semaphore, #tpu.memory_space<semaphore_mem>>) src(%dma_wait3A_156 : memref<64xi32, #tpu.memory_space<hbm>>) dst(%arg9 : memref<64xi32, #tpu.memory_space<vmem>>)
          %add3A_157 = arith.constant 1 : i32
          %add3A_158 = arith.addi %add3A_100, %add3A_157 : i32
          %mul3A_159 = arith.constant 32 : i32
          %mul3A_160 = arith.muli %add3A_158, %mul3A_159 : i32
          %add3A_161 = arith.addi %add3A, %mul3A_160 : i32
          %mul3A_162 = arith.constant 64 : i32
          %mul3A_163 = arith.muli %add3A_161, %mul3A_162 : i32
          %dma_start3A_164 = arith.constant 0 : i32
          %dma_start3A_165 = arith.constant 0 : i32
          %dma_start3A_166 = tpu.memref_slice %arg2[%dma_start3A_164, %dma_start3A_165] : memref<10000x128xf32, #tpu.memory_space<hbm>> -> memref<10000x128xf32, #tpu.memory_space<hbm>>
          tpu.enqueue_indirect_dma source(%dma_start3A_166 : memref<10000x128xf32, #tpu.memory_space<hbm>>) target(%arg11 : memref<64x128xf32, #tpu.memory_space<vmem>>) offsets(%arg7 : memref<64xi32, #tpu.memory_space<vmem>>) semaphore(%arg18 : memref<!tpu.dma_semaphore, #tpu.memory_space<semaphore_mem>>)
          %dma_start3A_167 = arith.constant 0 : i32
          %dma_start3A_168 = arith.constant 0 : i32
          %dma_start3A_169 = tpu.memref_slice %arg3[%dma_start3A_167, %dma_start3A_168] : memref<10000x128xf32, #tpu.memory_space<hbm>> -> memref<10000x128xf32, #tpu.memory_space<hbm>>
          tpu.enqueue_indirect_dma source(%dma_start3A_169 : memref<10000x128xf32, #tpu.memory_space<hbm>>) target(%arg13 : memref<64x128xf32, #tpu.memory_space<vmem>>) offsets(%arg9 : memref<64xi32, #tpu.memory_space<vmem>>) semaphore(%arg20 : memref<!tpu.dma_semaphore, #tpu.memory_space<semaphore_mem>>)
          %dma_start3A_170 = arith.constant 0 : i32
          %dma_start3A_171 = tpu.memref_slice %arg4[%mul3A_163, %dma_start3A_170] : memref<160000x128xf32, #tpu.memory_space<hbm>> -> memref<64x128xf32, #tpu.memory_space<hbm>>
          %dma_start3A_172 = arith.constant 0 : i32
          %dma_start3A_173 = tpu.memref_slice %arg4[%mul3A_163, %dma_start3A_172] : memref<160000x128xf32, #tpu.memory_space<hbm>> -> memref<64x128xf32, #tpu.memory_space<hbm>>
          tpu.enqueue_dma source(%dma_start3A_173 : memref<64x128xf32, #tpu.memory_space<hbm>>) target(%arg15 : memref<64x128xf32, #tpu.memory_space<vmem>>) target_semaphore(%arg22 : memref<!tpu.dma_semaphore, #tpu.memory_space<semaphore_mem>>)
        } else {
        }
        %dma_wait3A_112 = arith.constant 0 : i32
        %dma_wait3A_113 = arith.constant 0 : i32
        %dma_wait3A_114 = tpu.memref_slice %arg2[%dma_wait3A_112, %dma_wait3A_113] : memref<10000x128xf32, #tpu.memory_space<hbm>> -> memref<64x128xf32, #tpu.memory_space<hbm>>
        %dma_wait3A_115 = arith.constant 0 : i32
        %dma_wait3A_116 = arith.constant 0 : i32
        %dma_wait3A_117 = tpu.memref_slice %arg2[%dma_wait3A_115, %dma_wait3A_116] : memref<10000x128xf32, #tpu.memory_space<hbm>> -> memref<64x128xf32, #tpu.memory_space<hbm>>
        tpu.wait_dma2 semaphore(%arg19 : memref<!tpu.dma_semaphore, #tpu.memory_space<semaphore_mem>>) src(%dma_wait3A_117 : memref<64x128xf32, #tpu.memory_space<hbm>>) dst(%arg12 : memref<64x128xf32, #tpu.memory_space<vmem>>)
        %dma_wait3A_118 = arith.constant 0 : i32
        %dma_wait3A_119 = arith.constant 0 : i32
        %dma_wait3A_120 = tpu.memref_slice %arg3[%dma_wait3A_118, %dma_wait3A_119] : memref<10000x128xf32, #tpu.memory_space<hbm>> -> memref<64x128xf32, #tpu.memory_space<hbm>>
        %dma_wait3A_121 = arith.constant 0 : i32
        %dma_wait3A_122 = arith.constant 0 : i32
        %dma_wait3A_123 = tpu.memref_slice %arg3[%dma_wait3A_121, %dma_wait3A_122] : memref<10000x128xf32, #tpu.memory_space<hbm>> -> memref<64x128xf32, #tpu.memory_space<hbm>>
        tpu.wait_dma2 semaphore(%arg21 : memref<!tpu.dma_semaphore, #tpu.memory_space<semaphore_mem>>) src(%dma_wait3A_123 : memref<64x128xf32, #tpu.memory_space<hbm>>) dst(%arg14 : memref<64x128xf32, #tpu.memory_space<vmem>>)
        %dma_wait3A_124 = arith.constant 0 : i32
        %dma_wait3A_125 = arith.constant 0 : i32
        %dma_wait3A_126 = tpu.memref_slice %arg4[%dma_wait3A_124, %dma_wait3A_125] : memref<160000x128xf32, #tpu.memory_space<hbm>> -> memref<64x128xf32, #tpu.memory_space<hbm>>
        %dma_wait3A_127 = arith.constant 0 : i32
        %dma_wait3A_128 = arith.constant 0 : i32
        %dma_wait3A_129 = tpu.memref_slice %arg4[%dma_wait3A_127, %dma_wait3A_128] : memref<160000x128xf32, #tpu.memory_space<hbm>> -> memref<64x128xf32, #tpu.memory_space<hbm>>
        tpu.wait_dma2 semaphore(%arg23 : memref<!tpu.dma_semaphore, #tpu.memory_space<semaphore_mem>>) src(%dma_wait3A_129 : memref<64x128xf32, #tpu.memory_space<hbm>>) dst(%arg16 : memref<64x128xf32, #tpu.memory_space<vmem>>)
        %scan3A_130 = arith.constant 0 : i32
        %scan3A_131 = arith.constant 0 : i32
        %scan3A_132 = arith.constant 64 : i32
        %scan3A_133 = arith.addi %scan3A_131, %scan3A_132 : i32
        %scan3A_134 = arith.constant 1 : i32
        %scan3A_135 = scf.for %scan3A_143 = %scan3A_131 to %scan3A_133 step %scan3A_134 iter_args(%scan3A_144 = %scan3A_130) -> (i32)  : i32 {
          %get3A = arith.index_cast %scan3A_143 : i32 to index
          %get3A_145 = arith.constant 0 : index
          %get3A_146 = tpu.vector_load %arg12[%get3A, %get3A_145] {strides = array<i32>} : memref<64x128xf32, #tpu.memory_space<vmem>>, vector<1x16xf32>,
          %get3A_147 = vector.shape_cast %get3A_146 : vector<1x16xf32> to vector<16xf32>
          %get3A_148 = arith.index_cast %scan3A_143 : i32 to index
          %get3A_149 = arith.constant 0 : index
          %get3A_150 = tpu.vector_load %arg14[%get3A_148, %get3A_149] {strides = array<i32>} : memref<64x128xf32, #tpu.memory_space<vmem>>, vector<1x16xf32>,
          %get3A_151 = vector.shape_cast %get3A_150 : vector<1x16xf32> to vector<16xf32>
          %add3A_152 = arith.addf %get3A_147, %get3A_151 : vector<16xf32>
          %get3A_153 = arith.index_cast %scan3A_143 : i32 to index
          %get3A_154 = arith.constant 0 : index
          %get3A_155 = tpu.vector_load %arg16[%get3A_153, %get3A_154] {strides = array<i32>} : memref<64x128xf32, #tpu.memory_space<vmem>>, vector<1x16xf32>,
          %get3A_156 = vector.shape_cast %get3A_155 : vector<1x16xf32> to vector<16xf32>
          %add3A_157 = arith.addf %add3A_152, %get3A_156 : vector<16xf32>
          %max3A = arith.constant 0.000000e+00 : f32
          %max3A_158 = vector.broadcast %max3A : f32 to vector<16xf32>
          %max3A_159 = arith.maximumf %add3A_157, %max3A_158 : vector<16xf32>
          %swap3A = arith.index_cast %scan3A_143 : i32 to index
          %swap3A_160 = arith.constant 0 : index
          %swap3A_161 = tpu.vector_load %arg16[%swap3A, %swap3A_160] {strides = array<i32>} : memref<64x128xf32, #tpu.memory_space<vmem>>, vector<1x16xf32>,
          %swap3A_162 = vector.shape_cast %swap3A_161 : vector<1x16xf32> to vector<16xf32>
          %swap3A_163 = vector.shape_cast %max3A_159 : vector<16xf32> to vector<1x16xf32>
          tpu.vector_store %arg16[%swap3A, %swap3A_160], %swap3A_163 {strides = array<i32>} : memref<64x128xf32, #tpu.memory_space<vmem>>, vector<1x16xf32>,
          %get3A_164 = arith.index_cast %scan3A_143 : i32 to index
          %get3A_165 = arith.constant 16 : index
          %get3A_166 = tpu.vector_load %arg12[%get3A_164, %get3A_165] {strides = array<i32>} : memref<64x128xf32, #tpu.memory_space<vmem>>, vector<1x16xf32>,
          %get3A_167 = vector.shape_cast %get3A_166 : vector<1x16xf32> to vector<16xf32>
          %get3A_168 = arith.index_cast %scan3A_143 : i32 to index
          %get3A_169 = arith.constant 16 : index
          %get3A_170 = tpu.vector_load %arg14[%get3A_168, %get3A_169] {strides = array<i32>} : memref<64x128xf32, #tpu.memory_space<vmem>>, vector<1x16xf32>,
          %get3A_171 = vector.shape_cast %get3A_170 : vector<1x16xf32> to vector<16xf32>
          %add3A_172 = arith.addf %get3A_167, %get3A_171 : vector<16xf32>
          %get3A_173 = arith.index_cast %scan3A_143 : i32 to index
          %get3A_174 = arith.constant 16 : index
          %get3A_175 = tpu.vector_load %arg16[%get3A_173, %get3A_174] {strides = array<i32>} : memref<64x128xf32, #tpu.memory_space<vmem>>, vector<1x16xf32>,
          %get3A_176 = vector.shape_cast %get3A_175 : vector<1x16xf32> to vector<16xf32>
          %add3A_177 = arith.addf %add3A_172, %get3A_176 : vector<16xf32>
          %max3A_178 = arith.constant 0.000000e+00 : f32
          %max3A_179 = vector.broadcast %max3A_178 : f32 to vector<16xf32>
          %max3A_180 = arith.maximumf %add3A_177, %max3A_179 : vector<16xf32>
          %swap3A_181 = arith.index_cast %scan3A_143 : i32 to index
          %swap3A_182 = arith.constant 16 : index
          %swap3A_183 = tpu.vector_load %arg16[%swap3A_181, %swap3A_182] {strides = array<i32>} : memref<64x128xf32, #tpu.memory_space<vmem>>, vector<1x16xf32>,
          %swap3A_184 = vector.shape_cast %swap3A_183 : vector<1x16xf32> to vector<16xf32>
          %swap3A_185 = vector.shape_cast %max3A_180 : vector<16xf32> to vector<1x16xf32>
          tpu.vector_store %arg16[%swap3A_181, %swap3A_182], %swap3A_185 {strides = array<i32>} : memref<64x128xf32, #tpu.memory_space<vmem>>, vector<1x16xf32>,
          %get3A_186 = arith.index_cast %scan3A_143 : i32 to index
          %get3A_187 = arith.constant 32 : index
          %get3A_188 = tpu.vector_load %arg12[%get3A_186, %get3A_187] {strides = array<i32>} : memref<64x128xf32, #tpu.memory_space<vmem>>, vector<1x16xf32>,
          %get3A_189 = vector.shape_cast %get3A_188 : vector<1x16xf32> to vector<16xf32>
          %get3A_190 = arith.index_cast %scan3A_143 : i32 to index
          %get3A_191 = arith.constant 32 : index
          %get3A_192 = tpu.vector_load %arg14[%get3A_190, %get3A_191] {strides = array<i32>} : memref<64x128xf32, #tpu.memory_space<vmem>>, vector<1x16xf32>,
          %get3A_193 = vector.shape_cast %get3A_192 : vector<1x16xf32> to vector<16xf32>
          %add3A_194 = arith.addf %get3A_189, %get3A_193 : vector<16xf32>
          %get3A_195 = arith.index_cast %scan3A_143 : i32 to index
          %get3A_196 = arith.constant 32 : index
          %get3A_197 = tpu.vector_load %arg16[%get3A_195, %get3A_196] {strides = array<i32>} : memref<64x128xf32, #tpu.memory_space<vmem>>, vector<1x16xf32>,
          %get3A_198 = vector.shape_cast %get3A_197 : vector<1x16xf32> to vector<16xf32>
          %add3A_199 = arith.addf %add3A_194, %get3A_198 : vector<16xf32>
          %max3A_200 = arith.constant 0.000000e+00 : f32
          %max3A_201 = vector.broadcast %max3A_200 : f32 to vector<16xf32>
          %max3A_202 = arith.maximumf %add3A_199, %max3A_201 : vector<16xf32>
          %swap3A_203 = arith.index_cast %scan3A_143 : i32 to index
          %swap3A_204 = arith.constant 32 : index
          %swap3A_205 = tpu.vector_load %arg16[%swap3A_203, %swap3A_204] {strides = array<i32>} : memref<64x128xf32, #tpu.memory_space<vmem>>, vector<1x16xf32>,
          %swap3A_206 = vector.shape_cast %swap3A_205 : vector<1x16xf32> to vector<16xf32>
          %swap3A_207 = vector.shape_cast %max3A_202 : vector<16xf32> to vector<1x16xf32>
          tpu.vector_store %arg16[%swap3A_203, %swap3A_204], %swap3A_207 {strides = array<i32>} : memref<64x128xf32, #tpu.memory_space<vmem>>, vector<1x16xf32>,
          %get3A_208 = arith.index_cast %scan3A_143 : i32 to index
          %get3A_209 = arith.constant 48 : index
          %get3A_210 = tpu.vector_load %arg12[%get3A_208, %get3A_209] {strides = array<i32>} : memref<64x128xf32, #tpu.memory_space<vmem>>, vector<1x16xf32>,
          %get3A_211 = vector.shape_cast %get3A_210 : vector<1x16xf32> to vector<16xf32>
          %get3A_212 = arith.index_cast %scan3A_143 : i32 to index
          %get3A_213 = arith.constant 48 : index
          %get3A_214 = tpu.vector_load %arg14[%get3A_212, %get3A_213] {strides = array<i32>} : memref<64x128xf32, #tpu.memory_space<vmem>>, vector<1x16xf32>,
          %get3A_215 = vector.shape_cast %get3A_214 : vector<1x16xf32> to vector<16xf32>
          %add3A_216 = arith.addf %get3A_211, %get3A_215 : vector<16xf32>
          %get3A_217 = arith.index_cast %scan3A_143 : i32 to index
          %get3A_218 = arith.constant 48 : index
          %get3A_219 = tpu.vector_load %arg16[%get3A_217, %get3A_218] {strides = array<i32>} : memref<64x128xf32, #tpu.memory_space<vmem>>, vector<1x16xf32>,
          %get3A_220 = vector.shape_cast %get3A_219 : vector<1x16xf32> to vector<16xf32>
          %add3A_221 = arith.addf %add3A_216, %get3A_220 : vector<16xf32>
          %max3A_222 = arith.constant 0.000000e+00 : f32
          %max3A_223 = vector.broadcast %max3A_222 : f32 to vector<16xf32>
          %max3A_224 = arith.maximumf %add3A_221, %max3A_223 : vector<16xf32>
          %swap3A_225 = arith.index_cast %scan3A_143 : i32 to index
          %swap3A_226 = arith.constant 48 : index
          %swap3A_227 = tpu.vector_load %arg16[%swap3A_225, %swap3A_226] {strides = array<i32>} : memref<64x128xf32, #tpu.memory_space<vmem>>, vector<1x16xf32>,
          %swap3A_228 = vector.shape_cast %swap3A_227 : vector<1x16xf32> to vector<16xf32>
          %swap3A_229 = vector.shape_cast %max3A_224 : vector<16xf32> to vector<1x16xf32>
          tpu.vector_store %arg16[%swap3A_225, %swap3A_226], %swap3A_229 {strides = array<i32>} : memref<64x128xf32, #tpu.memory_space<vmem>>, vector<1x16xf32>,
          %get3A_230 = arith.index_cast %scan3A_143 : i32 to index
          %get3A_231 = arith.constant 64 : index
          %get3A_232 = tpu.vector_load %arg12[%get3A_230, %get3A_231] {strides = array<i32>} : memref<64x128xf32, #tpu.memory_space<vmem>>, vector<1x16xf32>,
          %get3A_233 = vector.shape_cast %get3A_232 : vector<1x16xf32> to vector<16xf32>
          %get3A_234 = arith.index_cast %scan3A_143 : i32 to index
          %get3A_235 = arith.constant 64 : index
          %get3A_236 = tpu.vector_load %arg14[%get3A_234, %get3A_235] {strides = array<i32>} : memref<64x128xf32, #tpu.memory_space<vmem>>, vector<1x16xf32>,
          %get3A_237 = vector.shape_cast %get3A_236 : vector<1x16xf32> to vector<16xf32>
          %add3A_238 = arith.addf %get3A_233, %get3A_237 : vector<16xf32>
          %get3A_239 = arith.index_cast %scan3A_143 : i32 to index
          %get3A_240 = arith.constant 64 : index
          %get3A_241 = tpu.vector_load %arg16[%get3A_239, %get3A_240] {strides = array<i32>} : memref<64x128xf32, #tpu.memory_space<vmem>>, vector<1x16xf32>,
          %get3A_242 = vector.shape_cast %get3A_241 : vector<1x16xf32> to vector<16xf32>
          %add3A_243 = arith.addf %add3A_238, %get3A_242 : vector<16xf32>
          %max3A_244 = arith.constant 0.000000e+00 : f32
          %max3A_245 = vector.broadcast %max3A_244 : f32 to vector<16xf32>
          %max3A_246 = arith.maximumf %add3A_243, %max3A_245 : vector<16xf32>
          %swap3A_247 = arith.index_cast %scan3A_143 : i32 to index
          %swap3A_248 = arith.constant 64 : index
          %swap3A_249 = tpu.vector_load %arg16[%swap3A_247, %swap3A_248] {strides = array<i32>} : memref<64x128xf32, #tpu.memory_space<vmem>>, vector<1x16xf32>,
          %swap3A_250 = vector.shape_cast %swap3A_249 : vector<1x16xf32> to vector<16xf32>
          %swap3A_251 = vector.shape_cast %max3A_246 : vector<16xf32> to vector<1x16xf32>
          tpu.vector_store %arg16[%swap3A_247, %swap3A_248], %swap3A_251 {strides = array<i32>} : memref<64x128xf32, #tpu.memory_space<vmem>>, vector<1x16xf32>,
          %get3A_252 = arith.index_cast %scan3A_143 : i32 to index
          %get3A_253 = arith.constant 80 : index
          %get3A_254 = tpu.vector_load %arg12[%get3A_252, %get3A_253] {strides = array<i32>} : memref<64x128xf32, #tpu.memory_space<vmem>>, vector<1x16xf32>,
          %get3A_255 = vector.shape_cast %get3A_254 : vector<1x16xf32> to vector<16xf32>
          %get3A_256 = arith.index_cast %scan3A_143 : i32 to index
          %get3A_257 = arith.constant 80 : index
          %get3A_258 = tpu.vector_load %arg14[%get3A_256, %get3A_257] {strides = array<i32>} : memref<64x128xf32, #tpu.memory_space<vmem>>, vector<1x16xf32>,
          %get3A_259 = vector.shape_cast %get3A_258 : vector<1x16xf32> to vector<16xf32>
          %add3A_260 = arith.addf %get3A_255, %get3A_259 : vector<16xf32>
          %get3A_261 = arith.index_cast %scan3A_143 : i32 to index
          %get3A_262 = arith.constant 80 : index
          %get3A_263 = tpu.vector_load %arg16[%get3A_261, %get3A_262] {strides = array<i32>} : memref<64x128xf32, #tpu.memory_space<vmem>>, vector<1x16xf32>,
          %get3A_264 = vector.shape_cast %get3A_263 : vector<1x16xf32> to vector<16xf32>
          %add3A_265 = arith.addf %add3A_260, %get3A_264 : vector<16xf32>
          %max3A_266 = arith.constant 0.000000e+00 : f32
          %max3A_267 = vector.broadcast %max3A_266 : f32 to vector<16xf32>
          %max3A_268 = arith.maximumf %add3A_265, %max3A_267 : vector<16xf32>
          %swap3A_269 = arith.index_cast %scan3A_143 : i32 to index
          %swap3A_270 = arith.constant 80 : index
          %swap3A_271 = tpu.vector_load %arg16[%swap3A_269, %swap3A_270] {strides = array<i32>} : memref<64x128xf32, #tpu.memory_space<vmem>>, vector<1x16xf32>,
          %swap3A_272 = vector.shape_cast %swap3A_271 : vector<1x16xf32> to vector<16xf32>
          %swap3A_273 = vector.shape_cast %max3A_268 : vector<16xf32> to vector<1x16xf32>
          tpu.vector_store %arg16[%swap3A_269, %swap3A_270], %swap3A_273 {strides = array<i32>} : memref<64x128xf32, #tpu.memory_space<vmem>>, vector<1x16xf32>,
          %get3A_274 = arith.index_cast %scan3A_143 : i32 to index
          %get3A_275 = arith.constant 96 : index
          %get3A_276 = tpu.vector_load %arg12[%get3A_274, %get3A_275] {strides = array<i32>} : memref<64x128xf32, #tpu.memory_space<vmem>>, vector<1x16xf32>,
          %get3A_277 = vector.shape_cast %get3A_276 : vector<1x16xf32> to vector<16xf32>
          %get3A_278 = arith.index_cast %scan3A_143 : i32 to index
          %get3A_279 = arith.constant 96 : index
          %get3A_280 = tpu.vector_load %arg14[%get3A_278, %get3A_279] {strides = array<i32>} : memref<64x128xf32, #tpu.memory_space<vmem>>, vector<1x16xf32>,
          %get3A_281 = vector.shape_cast %get3A_280 : vector<1x16xf32> to vector<16xf32>
          %add3A_282 = arith.addf %get3A_277, %get3A_281 : vector<16xf32>
          %get3A_283 = arith.index_cast %scan3A_143 : i32 to index
          %get3A_284 = arith.constant 96 : index
          %get3A_285 = tpu.vector_load %arg16[%get3A_283, %get3A_284] {strides = array<i32>} : memref<64x128xf32, #tpu.memory_space<vmem>>, vector<1x16xf32>,
          %get3A_286 = vector.shape_cast %get3A_285 : vector<1x16xf32> to vector<16xf32>
          %add3A_287 = arith.addf %add3A_282, %get3A_286 : vector<16xf32>
          %max3A_288 = arith.constant 0.000000e+00 : f32
          %max3A_289 = vector.broadcast %max3A_288 : f32 to vector<16xf32>
          %max3A_290 = arith.maximumf %add3A_287, %max3A_289 : vector<16xf32>
          %swap3A_291 = arith.index_cast %scan3A_143 : i32 to index
          %swap3A_292 = arith.constant 96 : index
          %swap3A_293 = tpu.vector_load %arg16[%swap3A_291, %swap3A_292] {strides = array<i32>} : memref<64x128xf32, #tpu.memory_space<vmem>>, vector<1x16xf32>,
          %swap3A_294 = vector.shape_cast %swap3A_293 : vector<1x16xf32> to vector<16xf32>
          %swap3A_295 = vector.shape_cast %max3A_290 : vector<16xf32> to vector<1x16xf32>
          tpu.vector_store %arg16[%swap3A_291, %swap3A_292], %swap3A_295 {strides = array<i32>} : memref<64x128xf32, #tpu.memory_space<vmem>>, vector<1x16xf32>,
          %get3A_296 = arith.index_cast %scan3A_143 : i32 to index
          %get3A_297 = arith.constant 112 : index
          %get3A_298 = tpu.vector_load %arg12[%get3A_296, %get3A_297] {strides = array<i32>} : memref<64x128xf32, #tpu.memory_space<vmem>>, vector<1x16xf32>,
          %get3A_299 = vector.shape_cast %get3A_298 : vector<1x16xf32> to vector<16xf32>
          %get3A_300 = arith.index_cast %scan3A_143 : i32 to index
          %get3A_301 = arith.constant 112 : index
          %get3A_302 = tpu.vector_load %arg14[%get3A_300, %get3A_301] {strides = array<i32>} : memref<64x128xf32, #tpu.memory_space<vmem>>, vector<1x16xf32>,
          %get3A_303 = vector.shape_cast %get3A_302 : vector<1x16xf32> to vector<16xf32>
          %add3A_304 = arith.addf %get3A_299, %get3A_303 : vector<16xf32>
          %get3A_305 = arith.index_cast %scan3A_143 : i32 to index
          %get3A_306 = arith.constant 112 : index
          %get3A_307 = tpu.vector_load %arg16[%get3A_305, %get3A_306] {strides = array<i32>} : memref<64x128xf32, #tpu.memory_space<vmem>>, vector<1x16xf32>,
          %get3A_308 = vector.shape_cast %get3A_307 : vector<1x16xf32> to vector<16xf32>
          %add3A_309 = arith.addf %add3A_304, %get3A_308 : vector<16xf32>
          %max3A_310 = arith.constant 0.000000e+00 : f32
          %max3A_311 = vector.broadcast %max3A_310 : f32 to vector<16xf32>
          %max3A_312 = arith.maximumf %add3A_309, %max3A_311 : vector<16xf32>
          %swap3A_313 = arith.index_cast %scan3A_143 : i32 to index
          %swap3A_314 = arith.constant 112 : index
          %swap3A_315 = tpu.vector_load %arg16[%swap3A_313, %swap3A_314] {strides = array<i32>} : memref<64x128xf32, #tpu.memory_space<vmem>>, vector<1x16xf32>,
          %swap3A_316 = vector.shape_cast %swap3A_315 : vector<1x16xf32> to vector<16xf32>
          %swap3A_317 = vector.shape_cast %max3A_312 : vector<16xf32> to vector<1x16xf32>
          tpu.vector_store %arg16[%swap3A_313, %swap3A_314], %swap3A_317 {strides = array<i32>} : memref<64x128xf32, #tpu.memory_space<vmem>>, vector<1x16xf32>,
          %scan3A_318 = arith.constant 0 : i32
          scf.yield %scan3A_318 : i32
        }
        %scan3A_136 = arith.constant 64 : i32
        "tpu.region"() ({
          %run_scoped3A = tpu.sem_alloc : memref<!tpu.dma_semaphore, #tpu.memory_space<semaphore_mem>>
          %dma_start3A_143 = arith.constant 0 : i32
          %dma_start3A_144 = arith.constant 0 : i32
          %dma_start3A_145 = tpu.memref_slice %arg17[%dma_start3A_143, %dma_start3A_144] : memref<10112x128xf32, #tpu.memory_space<vmem_shared>> -> memref<10112x128xf32, #tpu.memory_space<vmem_shared>>
          tpu.enqueue_indirect_dma source(%arg16 : memref<64x128xf32, #tpu.memory_space<vmem>>) target(%dma_start3A_145 : memref<10112x128xf32, #tpu.memory_space<vmem_shared>>) offsets(%arg8 : memref<64xi32, #tpu.memory_space<vmem>>) semaphore(%run_scoped3A : memref<!tpu.dma_semaphore, #tpu.memory_space<semaphore_mem>>) {add = true}
          %dma_wait3A_146 = arith.constant 0 : i32
          %dma_wait3A_147 = arith.constant 0 : i32
          %dma_wait3A_148 = tpu.memref_slice %arg17[%dma_wait3A_146, %dma_wait3A_147] : memref<10112x128xf32, #tpu.memory_space<vmem_shared>> -> memref<10112x128xf32, #tpu.memory_space<vmem_shared>>
          tpu.wait_indirect_dma semaphore(%run_scoped3A : memref<!tpu.dma_semaphore, #tpu.memory_space<semaphore_mem>>) src(%arg16 : memref<64x128xf32, #tpu.memory_space<vmem>>) dst(%dma_wait3A_148 : memref<10112x128xf32, #tpu.memory_space<vmem_shared>>)
          tpu.yield
        }) : () -> ()
        %add3A_137 = arith.constant 2 : i32
        %add3A_138 = arith.addi %add3A_100, %add3A_137 : i32
        %lt3A_139 = arith.cmpi slt, %add3A_138, %add3A_32 : i32
        %convert_element_type3A_140 = arith.extui %lt3A_139 : i1 to i32
        %cond3A_141 = arith.constant 0 : i32
        %cond3A_142 = arith.cmpi ne, %convert_element_type3A_140, %cond3A_141 : i32
        scf.if %cond3A_142 {
          %add3A_143 = arith.constant 2 : i32
          %add3A_144 = arith.addi %add3A_100, %add3A_143 : i32
          %mul3A_145 = arith.constant 32 : i32
          %mul3A_146 = arith.muli %add3A_144, %mul3A_145 : i32
          %add3A_147 = arith.addi %add3A, %mul3A_146 : i32
          %mul3A_148 = arith.constant 64 : i32
          %mul3A_149 = arith.muli %add3A_147, %mul3A_148 : i32
          %dma_start3A_150 = arith.constant 0 : i32
          %dma_start3A_151 = tpu.memref_slice %arg5[%dma_start3A_150, %mul3A_149] : memref<2x160000xi32, #tpu.memory_space<hbm>> -> memref<1x64xi32, #tpu.memory_space<hbm>>
          %dma_start3A_152 = tpu.memref_squeeze %dma_start3A_151 : memref<1x64xi32, #tpu.memory_space<hbm>> -> memref<64xi32, #tpu.memory_space<hbm>>
          %dma_start3A_153 = tpu.memref_slice %arg5[%dma_start3A_150, %mul3A_149] : memref<2x160000xi32, #tpu.memory_space<hbm>> -> memref<1x64xi32, #tpu.memory_space<hbm>>
          %dma_start3A_154 = tpu.memref_squeeze %dma_start3A_153 : memref<1x64xi32, #tpu.memory_space<hbm>> -> memref<64xi32, #tpu.memory_space<hbm>>
          tpu.enqueue_dma source(%dma_start3A_154 : memref<64xi32, #tpu.memory_space<hbm>>) target(%arg8 : memref<64xi32, #tpu.memory_space<vmem>>) target_semaphore(%arg25 : memref<!tpu.dma_semaphore, #tpu.memory_space<semaphore_mem>>)
          %dma_start3A_155 = arith.constant 1 : i32
          %dma_start3A_156 = tpu.memref_slice %arg5[%dma_start3A_155, %mul3A_149] : memref<2x160000xi32, #tpu.memory_space<hbm>> -> memref<1x64xi32, #tpu.memory_space<hbm>>
          %dma_start3A_157 = tpu.memref_squeeze %dma_start3A_156 : memref<1x64xi32, #tpu.memory_space<hbm>> -> memref<64xi32, #tpu.memory_space<hbm>>
          %dma_start3A_158 = tpu.memref_slice %arg5[%dma_start3A_155, %mul3A_149] : memref<2x160000xi32, #tpu.memory_space<hbm>> -> memref<1x64xi32, #tpu.memory_space<hbm>>
          %dma_start3A_159 = tpu.memref_squeeze %dma_start3A_158 : memref<1x64xi32, #tpu.memory_space<hbm>> -> memref<64xi32, #tpu.memory_space<hbm>>
          tpu.enqueue_dma source(%dma_start3A_159 : memref<64xi32, #tpu.memory_space<hbm>>) target(%arg10 : memref<64xi32, #tpu.memory_space<vmem>>) target_semaphore(%arg25 : memref<!tpu.dma_semaphore, #tpu.memory_space<semaphore_mem>>)
        } else {
        }
      } else {
      }
      %scan3A_105 = arith.constant 0 : i32
      scf.yield %scan3A_105 : i32
    }
    %scan3A_82 = arith.constant 40 : i32
    %barrier3A_83 = arith.constant 0 : index
    tpu.barrier barrier_id(%barrier3A_83)
    %mul3A_84 = arith.constant 10112 : i32
    %mul3A_85 = arith.muli %arg0, %mul3A_84 : i32
    %add3A_86 = arith.addi %mul3A_85, %mul3A_9 : i32
    "tpu.region"() ({
      %run_scoped3A = tpu.sem_alloc : memref<!tpu.dma_semaphore, #tpu.memory_space<semaphore_mem>>
      %dma_start3A_87 = arith.constant 0 : i32
      %dma_start3A_88 = tpu.memref_slice %arg6[%add3A_86, %dma_start3A_87] : memref<20224x128xf32, #tpu.memory_space<hbm>> -> memref<632x128xf32, #tpu.memory_space<hbm>>
      %dma_start3A_89 = arith.constant 0 : i32
      %dma_start3A_90 = tpu.memref_slice %arg17[%mul3A_9, %dma_start3A_89] : memref<10112x128xf32, #tpu.memory_space<vmem_shared>> -> memref<632x128xf32, #tpu.memory_space<vmem_shared>>
      tpu.enqueue_dma source(%dma_start3A_90 : memref<632x128xf32, #tpu.memory_space<vmem_shared>>) target(%dma_start3A_88 : memref<632x128xf32, #tpu.memory_space<hbm>>) target_semaphore(%run_scoped3A : memref<!tpu.dma_semaphore, #tpu.memory_space<semaphore_mem>>)
      %dma_wait3A_91 = arith.constant 0 : i32
      %dma_wait3A_92 = tpu.memref_slice %arg6[%add3A_86, %dma_wait3A_91] : memref<20224x128xf32, #tpu.memory_space<hbm>> -> memref<632x128xf32, #tpu.memory_space<hbm>>
      %dma_wait3A_93 = arith.constant 0 : i32
      %dma_wait3A_94 = tpu.memref_slice %arg17[%mul3A_9, %dma_wait3A_93] : memref<10112x128xf32, #tpu.memory_space<vmem_shared>> -> memref<632x128xf32, #tpu.memory_space<vmem_shared>>
      tpu.wait_dma2 semaphore(%run_scoped3A : memref<!tpu.dma_semaphore, #tpu.memory_space<semaphore_mem>>) src(%dma_wait3A_94 : memref<632x128xf32, #tpu.memory_space<vmem_shared>>) dst(%dma_wait3A_92 : memref<632x128xf32, #tpu.memory_space<hbm>>)
      tpu.yield
    }) : () -> ()
    return
  }
}

#map = affine_map<(d0, d1) -> (0, 0)>
module attributes {stable_mosaic.version = 14 : i64} {
  func.func @_sc_body(%arg0: i32, %arg1: i32, %arg2: memref<10000x128xf32, #tpu.memory_space<hbm>>, %arg3: memref<10000x128xf32, #tpu.memory_space<hbm>>, %arg4: memref<160000x128xf32, #tpu.memory_space<hbm>>, %arg5: memref<2x160000xi32, #tpu.memory_space<hbm>>, %arg6: memref<20224x128xf32, #tpu.memory_space<hbm>>, %arg7: memref<64xi32, #tpu.memory_space<vmem>>, %arg8: memref<64xi32, #tpu.memory_space<vmem>>, %arg9: memref<64xi32, #tpu.memory_space<vmem>>, %arg10: memref<64xi32, #tpu.memory_space<vmem>>, %arg11: memref<64x128xf32, #tpu.memory_space<vmem>>, %arg12: memref<64x128xf32, #tpu.memory_space<vmem>>, %arg13: memref<64x128xf32, #tpu.memory_space<vmem>>, %arg14: memref<64x128xf32, #tpu.memory_space<vmem>>, %arg15: memref<64x128xf32, #tpu.memory_space<vmem>>, %arg16: memref<64x128xf32, #tpu.memory_space<vmem>>, %arg17: memref<10112x128xf32, #tpu.memory_space<vmem_shared>>, %arg18: memref<!tpu.dma_semaphore, #tpu.memory_space<semaphore_mem>>, %arg19: memref<!tpu.dma_semaphore, #tpu.memory_space<semaphore_mem>>, %arg20: memref<!tpu.dma_semaphore, #tpu.memory_space<semaphore_mem>>, %arg21: memref<!tpu.dma_semaphore, #tpu.memory_space<semaphore_mem>>, %arg22: memref<!tpu.dma_semaphore, #tpu.memory_space<semaphore_mem>>, %arg23: memref<!tpu.dma_semaphore, #tpu.memory_space<semaphore_mem>>, %arg24: memref<!tpu.dma_semaphore, #tpu.memory_space<semaphore_mem>>, %arg25: memref<!tpu.dma_semaphore, #tpu.memory_space<semaphore_mem>>) attributes {dimension_semantics = [#tpu.dimension_semantics<core_parallel>, #tpu.dimension_semantics<subcore_parallel>], iteration_bounds = array<i64: 2, 16>, scalar_prefetch = 0 : i64, scratch_operands = 19 : i64, tpu.core_type = #tpu.core_type<sc_vector_subcore>, window_params = [{transform_indices = #map}, {transform_indices = #map}, {transform_indices = #map}, {transform_indices = #map}, {transform_indices = #map}]} {
    %mul3A = arith.constant 2 : i32
    %mul3A_0 = arith.muli %arg1, %mul3A : i32
    %add3A = arith.addi %mul3A_0, %arg0 : i32
    %broadcast_in_dim3A = arith.constant 0.000000e+00 : f32
    %broadcast_in_dim3A_1 = vector.broadcast %broadcast_in_dim3A : f32 to vector<16xf32>
    %scan3A = arith.constant 0 : i32
    %scan3A_2 = arith.constant 0 : i32
    %scan3A_3 = arith.constant 64 : i32
    %scan3A_4 = arith.addi %scan3A_2, %scan3A_3 : i32
    %scan3A_5 = arith.constant 1 : i32
    %scan3A_6 = scf.for %scan3A_87 = %scan3A_2 to %scan3A_4 step %scan3A_5 iter_args(%scan3A_88 = %scan3A) -> (i32)  : i32 {
      %swap3A = arith.index_cast %scan3A_87 : i32 to index
      %swap3A_89 = arith.constant 0 : index
      %swap3A_90 = tpu.vector_load %arg15[%swap3A, %swap3A_89] {strides = array<i32>} : memref<64x128xf32, #tpu.memory_space<vmem>>, vector<1x16xf32>,
      %swap3A_91 = vector.shape_cast %swap3A_90 : vector<1x16xf32> to vector<16xf32>
      %swap3A_92 = vector.shape_cast %broadcast_in_dim3A_1 : vector<16xf32> to vector<1x16xf32>
      tpu.vector_store %arg15[%swap3A, %swap3A_89], %swap3A_92 {strides = array<i32>} : memref<64x128xf32, #tpu.memory_space<vmem>>, vector<1x16xf32>,
      %swap3A_93 = arith.index_cast %scan3A_87 : i32 to index
      %swap3A_94 = arith.constant 16 : index
      %swap3A_95 = tpu.vector_load %arg15[%swap3A_93, %swap3A_94] {strides = array<i32>} : memref<64x128xf32, #tpu.memory_space<vmem>>, vector<1x16xf32>,
      %swap3A_96 = vector.shape_cast %swap3A_95 : vector<1x16xf32> to vector<16xf32>
      %swap3A_97 = vector.shape_cast %broadcast_in_dim3A_1 : vector<16xf32> to vector<1x16xf32>
      tpu.vector_store %arg15[%swap3A_93, %swap3A_94], %swap3A_97 {strides = array<i32>} : memref<64x128xf32, #tpu.memory_space<vmem>>, vector<1x16xf32>,
      %swap3A_98 = arith.index_cast %scan3A_87 : i32 to index
      %swap3A_99 = arith.constant 32 : index
      %swap3A_100 = tpu.vector_load %arg15[%swap3A_98, %swap3A_99] {strides = array<i32>} : memref<64x128xf32, #tpu.memory_space<vmem>>, vector<1x16xf32>,
      %swap3A_101 = vector.shape_cast %swap3A_100 : vector<1x16xf32> to vector<16xf32>
      %swap3A_102 = vector.shape_cast %broadcast_in_dim3A_1 : vector<16xf32> to vector<1x16xf32>
      tpu.vector_store %arg15[%swap3A_98, %swap3A_99], %swap3A_102 {strides = array<i32>} : memref<64x128xf32, #tpu.memory_space<vmem>>, vector<1x16xf32>,
      %swap3A_103 = arith.index_cast %scan3A_87 : i32 to index
      %swap3A_104 = arith.constant 48 : index
      %swap3A_105 = tpu.vector_load %arg15[%swap3A_103, %swap3A_104] {strides = array<i32>} : memref<64x128xf32, #tpu.memory_space<vmem>>, vector<1x16xf32>,
      %swap3A_106 = vector.shape_cast %swap3A_105 : vector<1x16xf32> to vector<16xf32>
      %swap3A_107 = vector.shape_cast %broadcast_in_dim3A_1 : vector<16xf32> to vector<1x16xf32>
      tpu.vector_store %arg15[%swap3A_103, %swap3A_104], %swap3A_107 {strides = array<i32>} : memref<64x128xf32, #tpu.memory_space<vmem>>, vector<1x16xf32>,
      %swap3A_108 = arith.index_cast %scan3A_87 : i32 to index
      %swap3A_109 = arith.constant 64 : index
      %swap3A_110 = tpu.vector_load %arg15[%swap3A_108, %swap3A_109] {strides = array<i32>} : memref<64x128xf32, #tpu.memory_space<vmem>>, vector<1x16xf32>,
      %swap3A_111 = vector.shape_cast %swap3A_110 : vector<1x16xf32> to vector<16xf32>
      %swap3A_112 = vector.shape_cast %broadcast_in_dim3A_1 : vector<16xf32> to vector<1x16xf32>
      tpu.vector_store %arg15[%swap3A_108, %swap3A_109], %swap3A_112 {strides = array<i32>} : memref<64x128xf32, #tpu.memory_space<vmem>>, vector<1x16xf32>,
      %swap3A_113 = arith.index_cast %scan3A_87 : i32 to index
      %swap3A_114 = arith.constant 80 : index
      %swap3A_115 = tpu.vector_load %arg15[%swap3A_113, %swap3A_114] {strides = array<i32>} : memref<64x128xf32, #tpu.memory_space<vmem>>, vector<1x16xf32>,
      %swap3A_116 = vector.shape_cast %swap3A_115 : vector<1x16xf32> to vector<16xf32>
      %swap3A_117 = vector.shape_cast %broadcast_in_dim3A_1 : vector<16xf32> to vector<1x16xf32>
      tpu.vector_store %arg15[%swap3A_113, %swap3A_114], %swap3A_117 {strides = array<i32>} : memref<64x128xf32, #tpu.memory_space<vmem>>, vector<1x16xf32>,
      %swap3A_118 = arith.index_cast %scan3A_87 : i32 to index
      %swap3A_119 = arith.constant 96 : index
      %swap3A_120 = tpu.vector_load %arg15[%swap3A_118, %swap3A_119] {strides = array<i32>} : memref<64x128xf32, #tpu.memory_space<vmem>>, vector<1x16xf32>,
      %swap3A_121 = vector.shape_cast %swap3A_120 : vector<1x16xf32> to vector<16xf32>
      %swap3A_122 = vector.shape_cast %broadcast_in_dim3A_1 : vector<16xf32> to vector<1x16xf32>
      tpu.vector_store %arg15[%swap3A_118, %swap3A_119], %swap3A_122 {strides = array<i32>} : memref<64x128xf32, #tpu.memory_space<vmem>>, vector<1x16xf32>,
      %swap3A_123 = arith.index_cast %scan3A_87 : i32 to index
      %swap3A_124 = arith.constant 112 : index
      %swap3A_125 = tpu.vector_load %arg15[%swap3A_123, %swap3A_124] {strides = array<i32>} : memref<64x128xf32, #tpu.memory_space<vmem>>, vector<1x16xf32>,
      %swap3A_126 = vector.shape_cast %swap3A_125 : vector<1x16xf32> to vector<16xf32>
      %swap3A_127 = vector.shape_cast %broadcast_in_dim3A_1 : vector<16xf32> to vector<1x16xf32>
      tpu.vector_store %arg15[%swap3A_123, %swap3A_124], %swap3A_127 {strides = array<i32>} : memref<64x128xf32, #tpu.memory_space<vmem>>, vector<1x16xf32>,
      %scan3A_128 = arith.constant 0 : i32
      scf.yield %scan3A_128 : i32
    }
    %scan3A_7 = arith.constant 64 : i32
    %mul3A_8 = arith.constant 632 : i32
    %mul3A_9 = arith.muli %arg1, %mul3A_8 : i32
    %add3A_10 = arith.constant 0 : i32
    %add3A_11 = arith.addi %mul3A_9, %add3A_10 : i32
    "tpu.region"() ({
      %run_scoped3A = tpu.sem_alloc : memref<!tpu.dma_semaphore, #tpu.memory_space<semaphore_mem>>
      %dma_start3A_87 = arith.constant 0 : i32
      %dma_start3A_88 = tpu.memref_slice %arg17[%add3A_11, %dma_start3A_87] : memref<10112x128xf32, #tpu.memory_space<vmem_shared>> -> memref<64x128xf32, #tpu.memory_space<vmem_shared>>
      %dma_start3A_89 = arith.constant 0 : i32
      %dma_start3A_90 = tpu.memref_slice %arg17[%add3A_11, %dma_start3A_89] : memref<10112x128xf32, #tpu.memory_space<vmem_shared>> -> memref<64x128xf32, #tpu.memory_space<vmem_shared>>
      tpu.enqueue_dma source(%arg15 : memref<64x128xf32, #tpu.memory_space<vmem>>) target(%dma_start3A_90 : memref<64x128xf32, #tpu.memory_space<vmem_shared>>) target_semaphore(%run_scoped3A : memref<!tpu.dma_semaphore, #tpu.memory_space<semaphore_mem>>)
      %dma_wait3A_91 = arith.constant 0 : i32
      %dma_wait3A_92 = tpu.memref_slice %arg17[%add3A_11, %dma_wait3A_91] : memref<10112x128xf32, #tpu.memory_space<vmem_shared>> -> memref<64x128xf32, #tpu.memory_space<vmem_shared>>
      %dma_wait3A_93 = arith.constant 0 : i32
      %dma_wait3A_94 = tpu.memref_slice %arg17[%add3A_11, %dma_wait3A_93] : memref<10112x128xf32, #tpu.memory_space<vmem_shared>> -> memref<64x128xf32, #tpu.memory_space<vmem_shared>>
      tpu.wait_dma2 semaphore(%run_scoped3A : memref<!tpu.dma_semaphore, #tpu.memory_space<semaphore_mem>>) src(%arg15 : memref<64x128xf32, #tpu.memory_space<vmem>>) dst(%dma_wait3A_94 : memref<64x128xf32, #tpu.memory_space<vmem_shared>>)
      tpu.yield
    }) : () -> ()
    %add3A_12 = arith.constant 64 : i32
    %add3A_13 = arith.addi %mul3A_9, %add3A_12 : i32
    "tpu.region"() ({
      %run_scoped3A = tpu.sem_alloc : memref<!tpu.dma_semaphore, #tpu.memory_space<semaphore_mem>>
      %dma_start3A_87 = arith.constant 0 : i32
      %dma_start3A_88 = tpu.memref_slice %arg17[%add3A_13, %dma_start3A_87] : memref<10112x128xf32, #tpu.memory_space<vmem_shared>> -> memref<64x128xf32, #tpu.memory_space<vmem_shared>>
      %dma_start3A_89 = arith.constant 0 : i32
      %dma_start3A_90 = tpu.memref_slice %arg17[%add3A_13, %dma_start3A_89] : memref<10112x128xf32, #tpu.memory_space<vmem_shared>> -> memref<64x128xf32, #tpu.memory_space<vmem_shared>>
      tpu.enqueue_dma source(%arg15 : memref<64x128xf32, #tpu.memory_space<vmem>>) target(%dma_start3A_90 : memref<64x128xf32, #tpu.memory_space<vmem_shared>>) target_semaphore(%run_scoped3A : memref<!tpu.dma_semaphore, #tpu.memory_space<semaphore_mem>>)
      %dma_wait3A_91 = arith.constant 0 : i32
      %dma_wait3A_92 = tpu.memref_slice %arg17[%add3A_13, %dma_wait3A_91] : memref<10112x128xf32, #tpu.memory_space<vmem_shared>> -> memref<64x128xf32, #tpu.memory_space<vmem_shared>>
      %dma_wait3A_93 = arith.constant 0 : i32
      %dma_wait3A_94 = tpu.memref_slice %arg17[%add3A_13, %dma_wait3A_93] : memref<10112x128xf32, #tpu.memory_space<vmem_shared>> -> memref<64x128xf32, #tpu.memory_space<vmem_shared>>
      tpu.wait_dma2 semaphore(%run_scoped3A : memref<!tpu.dma_semaphore, #tpu.memory_space<semaphore_mem>>) src(%arg15 : memref<64x128xf32, #tpu.memory_space<vmem>>) dst(%dma_wait3A_94 : memref<64x128xf32, #tpu.memory_space<vmem_shared>>)
      tpu.yield
    }) : () -> ()
    %add3A_14 = arith.constant 128 : i32
    %add3A_15 = arith.addi %mul3A_9, %add3A_14 : i32
    "tpu.region"() ({
      %run_scoped3A = tpu.sem_alloc : memref<!tpu.dma_semaphore, #tpu.memory_space<semaphore_mem>>
      %dma_start3A_87 = arith.constant 0 : i32
      %dma_start3A_88 = tpu.memref_slice %arg17[%add3A_15, %dma_start3A_87] : memref<10112x128xf32, #tpu.memory_space<vmem_shared>> -> memref<64x128xf32, #tpu.memory_space<vmem_shared>>
      %dma_start3A_89 = arith.constant 0 : i32
      %dma_start3A_90 = tpu.memref_slice %arg17[%add3A_15, %dma_start3A_89] : memref<10112x128xf32, #tpu.memory_space<vmem_shared>> -> memref<64x128xf32, #tpu.memory_space<vmem_shared>>
      tpu.enqueue_dma source(%arg15 : memref<64x128xf32, #tpu.memory_space<vmem>>) target(%dma_start3A_90 : memref<64x128xf32, #tpu.memory_space<vmem_shared>>) target_semaphore(%run_scoped3A : memref<!tpu.dma_semaphore, #tpu.memory_space<semaphore_mem>>)
      %dma_wait3A_91 = arith.constant 0 : i32
      %dma_wait3A_92 = tpu.memref_slice %arg17[%add3A_15, %dma_wait3A_91] : memref<10112x128xf32, #tpu.memory_space<vmem_shared>> -> memref<64x128xf32, #tpu.memory_space<vmem_shared>>
      %dma_wait3A_93 = arith.constant 0 : i32
      %dma_wait3A_94 = tpu.memref_slice %arg17[%add3A_15, %dma_wait3A_93] : memref<10112x128xf32, #tpu.memory_space<vmem_shared>> -> memref<64x128xf32, #tpu.memory_space<vmem_shared>>
      tpu.wait_dma2 semaphore(%run_scoped3A : memref<!tpu.dma_semaphore, #tpu.memory_space<semaphore_mem>>) src(%arg15 : memref<64x128xf32, #tpu.memory_space<vmem>>) dst(%dma_wait3A_94 : memref<64x128xf32, #tpu.memory_space<vmem_shared>>)
      tpu.yield
    }) : () -> ()
    %add3A_16 = arith.constant 192 : i32
    %add3A_17 = arith.addi %mul3A_9, %add3A_16 : i32
    "tpu.region"() ({
      %run_scoped3A = tpu.sem_alloc : memref<!tpu.dma_semaphore, #tpu.memory_space<semaphore_mem>>
      %dma_start3A_87 = arith.constant 0 : i32
      %dma_start3A_88 = tpu.memref_slice %arg17[%add3A_17, %dma_start3A_87] : memref<10112x128xf32, #tpu.memory_space<vmem_shared>> -> memref<64x128xf32, #tpu.memory_space<vmem_shared>>
      %dma_start3A_89 = arith.constant 0 : i32
      %dma_start3A_90 = tpu.memref_slice %arg17[%add3A_17, %dma_start3A_89] : memref<10112x128xf32, #tpu.memory_space<vmem_shared>> -> memref<64x128xf32, #tpu.memory_space<vmem_shared>>
      tpu.enqueue_dma source(%arg15 : memref<64x128xf32, #tpu.memory_space<vmem>>) target(%dma_start3A_90 : memref<64x128xf32, #tpu.memory_space<vmem_shared>>) target_semaphore(%run_scoped3A : memref<!tpu.dma_semaphore, #tpu.memory_space<semaphore_mem>>)
      %dma_wait3A_91 = arith.constant 0 : i32
      %dma_wait3A_92 = tpu.memref_slice %arg17[%add3A_17, %dma_wait3A_91] : memref<10112x128xf32, #tpu.memory_space<vmem_shared>> -> memref<64x128xf32, #tpu.memory_space<vmem_shared>>
      %dma_wait3A_93 = arith.constant 0 : i32
      %dma_wait3A_94 = tpu.memref_slice %arg17[%add3A_17, %dma_wait3A_93] : memref<10112x128xf32, #tpu.memory_space<vmem_shared>> -> memref<64x128xf32, #tpu.memory_space<vmem_shared>>
      tpu.wait_dma2 semaphore(%run_scoped3A : memref<!tpu.dma_semaphore, #tpu.memory_space<semaphore_mem>>) src(%arg15 : memref<64x128xf32, #tpu.memory_space<vmem>>) dst(%dma_wait3A_94 : memref<64x128xf32, #tpu.memory_space<vmem_shared>>)
      tpu.yield
    }) : () -> ()
    %add3A_18 = arith.constant 256 : i32
    %add3A_19 = arith.addi %mul3A_9, %add3A_18 : i32
    "tpu.region"() ({
      %run_scoped3A = tpu.sem_alloc : memref<!tpu.dma_semaphore, #tpu.memory_space<semaphore_mem>>
      %dma_start3A_87 = arith.constant 0 : i32
      %dma_start3A_88 = tpu.memref_slice %arg17[%add3A_19, %dma_start3A_87] : memref<10112x128xf32, #tpu.memory_space<vmem_shared>> -> memref<64x128xf32, #tpu.memory_space<vmem_shared>>
      %dma_start3A_89 = arith.constant 0 : i32
      %dma_start3A_90 = tpu.memref_slice %arg17[%add3A_19, %dma_start3A_89] : memref<10112x128xf32, #tpu.memory_space<vmem_shared>> -> memref<64x128xf32, #tpu.memory_space<vmem_shared>>
      tpu.enqueue_dma source(%arg15 : memref<64x128xf32, #tpu.memory_space<vmem>>) target(%dma_start3A_90 : memref<64x128xf32, #tpu.memory_space<vmem_shared>>) target_semaphore(%run_scoped3A : memref<!tpu.dma_semaphore, #tpu.memory_space<semaphore_mem>>)
      %dma_wait3A_91 = arith.constant 0 : i32
      %dma_wait3A_92 = tpu.memref_slice %arg17[%add3A_19, %dma_wait3A_91] : memref<10112x128xf32, #tpu.memory_space<vmem_shared>> -> memref<64x128xf32, #tpu.memory_space<vmem_shared>>
      %dma_wait3A_93 = arith.constant 0 : i32
      %dma_wait3A_94 = tpu.memref_slice %arg17[%add3A_19, %dma_wait3A_93] : memref<10112x128xf32, #tpu.memory_space<vmem_shared>> -> memref<64x128xf32, #tpu.memory_space<vmem_shared>>
      tpu.wait_dma2 semaphore(%run_scoped3A : memref<!tpu.dma_semaphore, #tpu.memory_space<semaphore_mem>>) src(%arg15 : memref<64x128xf32, #tpu.memory_space<vmem>>) dst(%dma_wait3A_94 : memref<64x128xf32, #tpu.memory_space<vmem_shared>>)
      tpu.yield
    }) : () -> ()
    %add3A_20 = arith.constant 320 : i32
    %add3A_21 = arith.addi %mul3A_9, %add3A_20 : i32
    "tpu.region"() ({
      %run_scoped3A = tpu.sem_alloc : memref<!tpu.dma_semaphore, #tpu.memory_space<semaphore_mem>>
      %dma_start3A_87 = arith.constant 0 : i32
      %dma_start3A_88 = tpu.memref_slice %arg17[%add3A_21, %dma_start3A_87] : memref<10112x128xf32, #tpu.memory_space<vmem_shared>> -> memref<64x128xf32, #tpu.memory_space<vmem_shared>>
      %dma_start3A_89 = arith.constant 0 : i32
      %dma_start3A_90 = tpu.memref_slice %arg17[%add3A_21, %dma_start3A_89] : memref<10112x128xf32, #tpu.memory_space<vmem_shared>> -> memref<64x128xf32, #tpu.memory_space<vmem_shared>>
      tpu.enqueue_dma source(%arg15 : memref<64x128xf32, #tpu.memory_space<vmem>>) target(%dma_start3A_90 : memref<64x128xf32, #tpu.memory_space<vmem_shared>>) target_semaphore(%run_scoped3A : memref<!tpu.dma_semaphore, #tpu.memory_space<semaphore_mem>>)
      %dma_wait3A_91 = arith.constant 0 : i32
      %dma_wait3A_92 = tpu.memref_slice %arg17[%add3A_21, %dma_wait3A_91] : memref<10112x128xf32, #tpu.memory_space<vmem_shared>> -> memref<64x128xf32, #tpu.memory_space<vmem_shared>>
      %dma_wait3A_93 = arith.constant 0 : i32
      %dma_wait3A_94 = tpu.memref_slice %arg17[%add3A_21, %dma_wait3A_93] : memref<10112x128xf32, #tpu.memory_space<vmem_shared>> -> memref<64x128xf32, #tpu.memory_space<vmem_shared>>
      tpu.wait_dma2 semaphore(%run_scoped3A : memref<!tpu.dma_semaphore, #tpu.memory_space<semaphore_mem>>) src(%arg15 : memref<64x128xf32, #tpu.memory_space<vmem>>) dst(%dma_wait3A_94 : memref<64x128xf32, #tpu.memory_space<vmem_shared>>)
      tpu.yield
    }) : () -> ()
    %add3A_22 = arith.constant 384 : i32
    %add3A_23 = arith.addi %mul3A_9, %add3A_22 : i32
    "tpu.region"() ({
      %run_scoped3A = tpu.sem_alloc : memref<!tpu.dma_semaphore, #tpu.memory_space<semaphore_mem>>
      %dma_start3A_87 = arith.constant 0 : i32
      %dma_start3A_88 = tpu.memref_slice %arg17[%add3A_23, %dma_start3A_87] : memref<10112x128xf32, #tpu.memory_space<vmem_shared>> -> memref<64x128xf32, #tpu.memory_space<vmem_shared>>
      %dma_start3A_89 = arith.constant 0 : i32
      %dma_start3A_90 = tpu.memref_slice %arg17[%add3A_23, %dma_start3A_89] : memref<10112x128xf32, #tpu.memory_space<vmem_shared>> -> memref<64x128xf32, #tpu.memory_space<vmem_shared>>
      tpu.enqueue_dma source(%arg15 : memref<64x128xf32, #tpu.memory_space<vmem>>) target(%dma_start3A_90 : memref<64x128xf32, #tpu.memory_space<vmem_shared>>) target_semaphore(%run_scoped3A : memref<!tpu.dma_semaphore, #tpu.memory_space<semaphore_mem>>)
      %dma_wait3A_91 = arith.constant 0 : i32
      %dma_wait3A_92 = tpu.memref_slice %arg17[%add3A_23, %dma_wait3A_91] : memref<10112x128xf32, #tpu.memory_space<vmem_shared>> -> memref<64x128xf32, #tpu.memory_space<vmem_shared>>
      %dma_wait3A_93 = arith.constant 0 : i32
      %dma_wait3A_94 = tpu.memref_slice %arg17[%add3A_23, %dma_wait3A_93] : memref<10112x128xf32, #tpu.memory_space<vmem_shared>> -> memref<64x128xf32, #tpu.memory_space<vmem_shared>>
      tpu.wait_dma2 semaphore(%run_scoped3A : memref<!tpu.dma_semaphore, #tpu.memory_space<semaphore_mem>>) src(%arg15 : memref<64x128xf32, #tpu.memory_space<vmem>>) dst(%dma_wait3A_94 : memref<64x128xf32, #tpu.memory_space<vmem_shared>>)
      tpu.yield
    }) : () -> ()
    %add3A_24 = arith.constant 448 : i32
    %add3A_25 = arith.addi %mul3A_9, %add3A_24 : i32
    "tpu.region"() ({
      %run_scoped3A = tpu.sem_alloc : memref<!tpu.dma_semaphore, #tpu.memory_space<semaphore_mem>>
      %dma_start3A_87 = arith.constant 0 : i32
      %dma_start3A_88 = tpu.memref_slice %arg17[%add3A_25, %dma_start3A_87] : memref<10112x128xf32, #tpu.memory_space<vmem_shared>> -> memref<64x128xf32, #tpu.memory_space<vmem_shared>>
      %dma_start3A_89 = arith.constant 0 : i32
      %dma_start3A_90 = tpu.memref_slice %arg17[%add3A_25, %dma_start3A_89] : memref<10112x128xf32, #tpu.memory_space<vmem_shared>> -> memref<64x128xf32, #tpu.memory_space<vmem_shared>>
      tpu.enqueue_dma source(%arg15 : memref<64x128xf32, #tpu.memory_space<vmem>>) target(%dma_start3A_90 : memref<64x128xf32, #tpu.memory_space<vmem_shared>>) target_semaphore(%run_scoped3A : memref<!tpu.dma_semaphore, #tpu.memory_space<semaphore_mem>>)
      %dma_wait3A_91 = arith.constant 0 : i32
      %dma_wait3A_92 = tpu.memref_slice %arg17[%add3A_25, %dma_wait3A_91] : memref<10112x128xf32, #tpu.memory_space<vmem_shared>> -> memref<64x128xf32, #tpu.memory_space<vmem_shared>>
      %dma_wait3A_93 = arith.constant 0 : i32
      %dma_wait3A_94 = tpu.memref_slice %arg17[%add3A_25, %dma_wait3A_93] : memref<10112x128xf32, #tpu.memory_space<vmem_shared>> -> memref<64x128xf32, #tpu.memory_space<vmem_shared>>
      tpu.wait_dma2 semaphore(%run_scoped3A : memref<!tpu.dma_semaphore, #tpu.memory_space<semaphore_mem>>) src(%arg15 : memref<64x128xf32, #tpu.memory_space<vmem>>) dst(%dma_wait3A_94 : memref<64x128xf32, #tpu.memory_space<vmem_shared>>)
      tpu.yield
    }) : () -> ()
    %add3A_26 = arith.constant 512 : i32
    %add3A_27 = arith.addi %mul3A_9, %add3A_26 : i32
    "tpu.region"() ({
      %run_scoped3A = tpu.sem_alloc : memref<!tpu.dma_semaphore, #tpu.memory_space<semaphore_mem>>
      %dma_start3A_87 = arith.constant 0 : i32
      %dma_start3A_88 = tpu.memref_slice %arg17[%add3A_27, %dma_start3A_87] : memref<10112x128xf32, #tpu.memory_space<vmem_shared>> -> memref<64x128xf32, #tpu.memory_space<vmem_shared>>
      %dma_start3A_89 = arith.constant 0 : i32
      %dma_start3A_90 = tpu.memref_slice %arg17[%add3A_27, %dma_start3A_89] : memref<10112x128xf32, #tpu.memory_space<vmem_shared>> -> memref<64x128xf32, #tpu.memory_space<vmem_shared>>
      tpu.enqueue_dma source(%arg15 : memref<64x128xf32, #tpu.memory_space<vmem>>) target(%dma_start3A_90 : memref<64x128xf32, #tpu.memory_space<vmem_shared>>) target_semaphore(%run_scoped3A : memref<!tpu.dma_semaphore, #tpu.memory_space<semaphore_mem>>)
      %dma_wait3A_91 = arith.constant 0 : i32
      %dma_wait3A_92 = tpu.memref_slice %arg17[%add3A_27, %dma_wait3A_91] : memref<10112x128xf32, #tpu.memory_space<vmem_shared>> -> memref<64x128xf32, #tpu.memory_space<vmem_shared>>
      %dma_wait3A_93 = arith.constant 0 : i32
      %dma_wait3A_94 = tpu.memref_slice %arg17[%add3A_27, %dma_wait3A_93] : memref<10112x128xf32, #tpu.memory_space<vmem_shared>> -> memref<64x128xf32, #tpu.memory_space<vmem_shared>>
      tpu.wait_dma2 semaphore(%run_scoped3A : memref<!tpu.dma_semaphore, #tpu.memory_space<semaphore_mem>>) src(%arg15 : memref<64x128xf32, #tpu.memory_space<vmem>>) dst(%dma_wait3A_94 : memref<64x128xf32, #tpu.memory_space<vmem_shared>>)
      tpu.yield
    }) : () -> ()
    %add3A_28 = arith.constant 576 : i32
    %add3A_29 = arith.addi %mul3A_9, %add3A_28 : i32
    "tpu.region"() ({
      %run_scoped3A = tpu.sem_alloc : memref<!tpu.dma_semaphore, #tpu.memory_space<semaphore_mem>>
      %dma_start3A_87 = arith.constant 0 : i32
      %dma_start3A_88 = arith.constant 0 : i32
      %dma_start3A_89 = tpu.memref_slice %arg15[%dma_start3A_87, %dma_start3A_88] : memref<64x128xf32, #tpu.memory_space<vmem>> -> memref<56x128xf32, #tpu.memory_space<vmem>>
      %dma_start3A_90 = arith.constant 0 : i32
      %dma_start3A_91 = tpu.memref_slice %arg17[%add3A_29, %dma_start3A_90] : memref<10112x128xf32, #tpu.memory_space<vmem_shared>> -> memref<56x128xf32, #tpu.memory_space<vmem_shared>>
      %dma_start3A_92 = arith.constant 0 : i32
      %dma_start3A_93 = tpu.memref_slice %arg17[%add3A_29, %dma_start3A_92] : memref<10112x128xf32, #tpu.memory_space<vmem_shared>> -> memref<56x128xf32, #tpu.memory_space<vmem_shared>>
      %dma_start3A_94 = arith.constant 0 : i32
      %dma_start3A_95 = arith.constant 0 : i32
      %dma_start3A_96 = tpu.memref_slice %arg15[%dma_start3A_94, %dma_start3A_95] : memref<64x128xf32, #tpu.memory_space<vmem>> -> memref<56x128xf32, #tpu.memory_space<vmem>>
      tpu.enqueue_dma source(%dma_start3A_96 : memref<56x128xf32, #tpu.memory_space<vmem>>) target(%dma_start3A_93 : memref<56x128xf32, #tpu.memory_space<vmem_shared>>) target_semaphore(%run_scoped3A : memref<!tpu.dma_semaphore, #tpu.memory_space<semaphore_mem>>)
      %dma_wait3A_97 = arith.constant 0 : i32
      %dma_wait3A_98 = arith.constant 0 : i32
      %dma_wait3A_99 = tpu.memref_slice %arg15[%dma_wait3A_97, %dma_wait3A_98] : memref<64x128xf32, #tpu.memory_space<vmem>> -> memref<56x128xf32, #tpu.memory_space<vmem>>
      %dma_wait3A_100 = arith.constant 0 : i32
      %dma_wait3A_101 = tpu.memref_slice %arg17[%add3A_29, %dma_wait3A_100] : memref<10112x128xf32, #tpu.memory_space<vmem_shared>> -> memref<56x128xf32, #tpu.memory_space<vmem_shared>>
      %dma_wait3A_102 = arith.constant 0 : i32
      %dma_wait3A_103 = tpu.memref_slice %arg17[%add3A_29, %dma_wait3A_102] : memref<10112x128xf32, #tpu.memory_space<vmem_shared>> -> memref<56x128xf32, #tpu.memory_space<vmem_shared>>
      %dma_wait3A_104 = arith.constant 0 : i32
      %dma_wait3A_105 = arith.constant 0 : i32
      %dma_wait3A_106 = tpu.memref_slice %arg15[%dma_wait3A_104, %dma_wait3A_105] : memref<64x128xf32, #tpu.memory_space<vmem>> -> memref<56x128xf32, #tpu.memory_space<vmem>>
      tpu.wait_dma2 semaphore(%run_scoped3A : memref<!tpu.dma_semaphore, #tpu.memory_space<semaphore_mem>>) src(%dma_wait3A_106 : memref<56x128xf32, #tpu.memory_space<vmem>>) dst(%dma_wait3A_103 : memref<56x128xf32, #tpu.memory_space<vmem_shared>>)
      tpu.yield
    }) : () -> ()
    %barrier3A = arith.constant 0 : index
    tpu.barrier barrier_id(%barrier3A)
    %lt3A = arith.constant 4 : i32
    %lt3A_30 = arith.cmpi slt, %add3A, %lt3A : i32
    %convert_element_type3A = arith.extui %lt3A_30 : i1 to i32
    %add3A_31 = arith.constant 78 : i32
    %add3A_32 = arith.addi %add3A_31, %convert_element_type3A : i32
    %add3A_33 = arith.constant 0 : i32
    %add3A_34 = arith.addi %add3A, %add3A_33 : i32
    %mul3A_35 = arith.constant 64 : i32
    %mul3A_36 = arith.muli %add3A_34, %mul3A_35 : i32
    %dma_start3A = arith.constant 0 : i32
    %dma_start3A_37 = tpu.memref_slice %arg5[%dma_start3A, %mul3A_36] : memref<2x160000xi32, #tpu.memory_space<hbm>> -> memref<1x64xi32, #tpu.memory_space<hbm>>
    %dma_start3A_38 = tpu.memref_squeeze %dma_start3A_37 : memref<1x64xi32, #tpu.memory_space<hbm>> -> memref<64xi32, #tpu.memory_space<hbm>>
    %dma_start3A_39 = tpu.memref_slice %arg5[%dma_start3A, %mul3A_36] : memref<2x160000xi32, #tpu.memory_space<hbm>> -> memref<1x64xi32, #tpu.memory_space<hbm>>
    %dma_start3A_40 = tpu.memref_squeeze %dma_start3A_39 : memref<1x64xi32, #tpu.memory_space<hbm>> -> memref<64xi32, #tpu.memory_space<hbm>>
    tpu.enqueue_dma source(%dma_start3A_40 : memref<64xi32, #tpu.memory_space<hbm>>) target(%arg7 : memref<64xi32, #tpu.memory_space<vmem>>) target_semaphore(%arg24 : memref<!tpu.dma_semaphore, #tpu.memory_space<semaphore_mem>>)
    %dma_start3A_41 = arith.constant 1 : i32
    %dma_start3A_42 = tpu.memref_slice %arg5[%dma_start3A_41, %mul3A_36] : memref<2x160000xi32, #tpu.memory_space<hbm>> -> memref<1x64xi32, #tpu.memory_space<hbm>>
    %dma_start3A_43 = tpu.memref_squeeze %dma_start3A_42 : memref<1x64xi32, #tpu.memory_space<hbm>> -> memref<64xi32, #tpu.memory_space<hbm>>
    %dma_start3A_44 = tpu.memref_slice %arg5[%dma_start3A_41, %mul3A_36] : memref<2x160000xi32, #tpu.memory_space<hbm>> -> memref<1x64xi32, #tpu.memory_space<hbm>>
    %dma_start3A_45 = tpu.memref_squeeze %dma_start3A_44 : memref<1x64xi32, #tpu.memory_space<hbm>> -> memref<64xi32, #tpu.memory_space<hbm>>
    tpu.enqueue_dma source(%dma_start3A_45 : memref<64xi32, #tpu.memory_space<hbm>>) target(%arg9 : memref<64xi32, #tpu.memory_space<vmem>>) target_semaphore(%arg24 : memref<!tpu.dma_semaphore, #tpu.memory_space<semaphore_mem>>)
    %gt3A = arith.constant 1 : i32
    %gt3A_46 = arith.cmpi sgt, %add3A_32, %gt3A : i32
    %convert_element_type3A_47 = arith.extui %gt3A_46 : i1 to i32
    %cond3A = arith.constant 0 : i32
    %cond3A_48 = arith.cmpi ne, %convert_element_type3A_47, %cond3A : i32
    scf.if %cond3A_48 {
      %add3A_87 = arith.constant 32 : i32
      %add3A_88 = arith.addi %add3A, %add3A_87 : i32
      %mul3A_89 = arith.constant 64 : i32
      %mul3A_90 = arith.muli %add3A_88, %mul3A_89 : i32
      %dma_start3A_91 = arith.constant 0 : i32
      %dma_start3A_92 = tpu.memref_slice %arg5[%dma_start3A_91, %mul3A_90] : memref<2x160000xi32, #tpu.memory_space<hbm>> -> memref<1x64xi32, #tpu.memory_space<hbm>>
      %dma_start3A_93 = tpu.memref_squeeze %dma_start3A_92 : memref<1x64xi32, #tpu.memory_space<hbm>> -> memref<64xi32, #tpu.memory_space<hbm>>
      %dma_start3A_94 = tpu.memref_slice %arg5[%dma_start3A_91, %mul3A_90] : memref<2x160000xi32, #tpu.memory_space<hbm>> -> memref<1x64xi32, #tpu.memory_space<hbm>>
      %dma_start3A_95 = tpu.memref_squeeze %dma_start3A_94 : memref<1x64xi32, #tpu.memory_space<hbm>> -> memref<64xi32, #tpu.memory_space<hbm>>
      tpu.enqueue_dma source(%dma_start3A_95 : memref<64xi32, #tpu.memory_space<hbm>>) target(%arg8 : memref<64xi32, #tpu.memory_space<vmem>>) target_semaphore(%arg25 : memref<!tpu.dma_semaphore, #tpu.memory_space<semaphore_mem>>)
      %dma_start3A_96 = arith.constant 1 : i32
      %dma_start3A_97 = tpu.memref_slice %arg5[%dma_start3A_96, %mul3A_90] : memref<2x160000xi32, #tpu.memory_space<hbm>> -> memref<1x64xi32, #tpu.memory_space<hbm>>
      %dma_start3A_98 = tpu.memref_squeeze %dma_start3A_97 : memref<1x64xi32, #tpu.memory_space<hbm>> -> memref<64xi32, #tpu.memory_space<hbm>>
      %dma_start3A_99 = tpu.memref_slice %arg5[%dma_start3A_96, %mul3A_90] : memref<2x160000xi32, #tpu.memory_space<hbm>> -> memref<1x64xi32, #tpu.memory_space<hbm>>
      %dma_start3A_100 = tpu.memref_squeeze %dma_start3A_99 : memref<1x64xi32, #tpu.memory_space<hbm>> -> memref<64xi32, #tpu.memory_space<hbm>>
      tpu.enqueue_dma source(%dma_start3A_100 : memref<64xi32, #tpu.memory_space<hbm>>) target(%arg10 : memref<64xi32, #tpu.memory_space<vmem>>) target_semaphore(%arg25 : memref<!tpu.dma_semaphore, #tpu.memory_space<semaphore_mem>>)
    } else {
    }
    %dma_wait3A = arith.constant 0 : i32
    %dma_wait3A_49 = arith.constant 0 : i32
    %dma_wait3A_50 = tpu.memref_slice %arg5[%dma_wait3A, %dma_wait3A_49] : memref<2x160000xi32, #tpu.memory_space<hbm>> -> memref<1x64xi32, #tpu.memory_space<hbm>>
    %dma_wait3A_51 = tpu.memref_squeeze %dma_wait3A_50 : memref<1x64xi32, #tpu.memory_space<hbm>> -> memref<64xi32, #tpu.memory_space<hbm>>
    %dma_wait3A_52 = arith.constant 0 : i32
    %dma_wait3A_53 = tpu.memref_slice %arg5[%dma_wait3A, %dma_wait3A_52] : memref<2x160000xi32, #tpu.memory_space<hbm>> -> memref<1x64xi32, #tpu.memory_space<hbm>>
    %dma_wait3A_54 = tpu.memref_squeeze %dma_wait3A_53 : memref<1x64xi32, #tpu.memory_space<hbm>> -> memref<64xi32, #tpu.memory_space<hbm>>
    tpu.wait_dma2 semaphore(%arg24 : memref<!tpu.dma_semaphore, #tpu.memory_space<semaphore_mem>>) src(%dma_wait3A_54 : memref<64xi32, #tpu.memory_space<hbm>>) dst(%arg7 : memref<64xi32, #tpu.memory_space<vmem>>)
    %dma_wait3A_55 = arith.constant 1 : i32
    %dma_wait3A_56 = arith.constant 0 : i32
    %dma_wait3A_57 = tpu.memref_slice %arg5[%dma_wait3A_55, %dma_wait3A_56] : memref<2x160000xi32, #tpu.memory_space<hbm>> -> memref<1x64xi32, #tpu.memory_space<hbm>>
    %dma_wait3A_58 = tpu.memref_squeeze %dma_wait3A_57 : memref<1x64xi32, #tpu.memory_space<hbm>> -> memref<64xi32, #tpu.memory_space<hbm>>
    %dma_wait3A_59 = arith.constant 0 : i32
    %dma_wait3A_60 = tpu.memref_slice %arg5[%dma_wait3A_55, %dma_wait3A_59] : memref<2x160000xi32, #tpu.memory_space<hbm>> -> memref<1x64xi32, #tpu.memory_space<hbm>>
    %dma_wait3A_61 = tpu.memref_squeeze %dma_wait3A_60 : memref<1x64xi32, #tpu.memory_space<hbm>> -> memref<64xi32, #tpu.memory_space<hbm>>
    tpu.wait_dma2 semaphore(%arg24 : memref<!tpu.dma_semaphore, #tpu.memory_space<semaphore_mem>>) src(%dma_wait3A_61 : memref<64xi32, #tpu.memory_space<hbm>>) dst(%arg9 : memref<64xi32, #tpu.memory_space<vmem>>)
    %add3A_62 = arith.constant 0 : i32
    %add3A_63 = arith.addi %add3A, %add3A_62 : i32
    %mul3A_64 = arith.constant 64 : i32
    %mul3A_65 = arith.muli %add3A_63, %mul3A_64 : i32
    %dma_start3A_66 = arith.constant 0 : i32
    %dma_start3A_67 = arith.constant 0 : i32
    %dma_start3A_68 = tpu.memref_slice %arg2[%dma_start3A_66, %dma_start3A_67] : memref<10000x128xf32, #tpu.memory_space<hbm>> -> memref<10000x128xf32, #tpu.memory_space<hbm>>
    tpu.enqueue_indirect_dma source(%dma_start3A_68 : memref<10000x128xf32, #tpu.memory_space<hbm>>) target(%arg11 : memref<64x128xf32, #tpu.memory_space<vmem>>) offsets(%arg7 : memref<64xi32, #tpu.memory_space<vmem>>) semaphore(%arg18 : memref<!tpu.dma_semaphore, #tpu.memory_space<semaphore_mem>>)
    %dma_start3A_69 = arith.constant 0 : i32
    %dma_start3A_70 = arith.constant 0 : i32
    %dma_start3A_71 = tpu.memref_slice %arg3[%dma_start3A_69, %dma_start3A_70] : memref<10000x128xf32, #tpu.memory_space<hbm>> -> memref<10000x128xf32, #tpu.memory_space<hbm>>
    tpu.enqueue_indirect_dma source(%dma_start3A_71 : memref<10000x128xf32, #tpu.memory_space<hbm>>) target(%arg13 : memref<64x128xf32, #tpu.memory_space<vmem>>) offsets(%arg9 : memref<64xi32, #tpu.memory_space<vmem>>) semaphore(%arg20 : memref<!tpu.dma_semaphore, #tpu.memory_space<semaphore_mem>>)
    %dma_start3A_72 = arith.constant 0 : i32
    %dma_start3A_73 = tpu.memref_slice %arg4[%mul3A_65, %dma_start3A_72] : memref<160000x128xf32, #tpu.memory_space<hbm>> -> memref<64x128xf32, #tpu.memory_space<hbm>>
    %dma_start3A_74 = arith.constant 0 : i32
    %dma_start3A_75 = tpu.memref_slice %arg4[%mul3A_65, %dma_start3A_74] : memref<160000x128xf32, #tpu.memory_space<hbm>> -> memref<64x128xf32, #tpu.memory_space<hbm>>
    tpu.enqueue_dma source(%dma_start3A_75 : memref<64x128xf32, #tpu.memory_space<hbm>>) target(%arg15 : memref<64x128xf32, #tpu.memory_space<vmem>>) target_semaphore(%arg22 : memref<!tpu.dma_semaphore, #tpu.memory_space<semaphore_mem>>)
    %scan3A_76 = arith.constant 0 : i32
    %scan3A_77 = arith.constant 0 : i32
    %scan3A_78 = arith.constant 40 : i32
    %scan3A_79 = arith.addi %scan3A_77, %scan3A_78 : i32
    %scan3A_80 = arith.constant 1 : i32
    %scan3A_81 = scf.for %scan3A_87 = %scan3A_77 to %scan3A_79 step %scan3A_80 iter_args(%scan3A_88 = %scan3A_76) -> (i32)  : i32 {
      %mul3A_89 = arith.constant 2 : i32
      %mul3A_90 = arith.muli %scan3A_87, %mul3A_89 : i32
      %add3A_91 = arith.constant 0 : i32
      %add3A_92 = arith.addi %mul3A_90, %add3A_91 : i32
      %lt3A_93 = arith.cmpi slt, %add3A_92, %add3A_32 : i32
      %convert_element_type3A_94 = arith.extui %lt3A_93 : i1 to i32
      %cond3A_95 = arith.constant 0 : i32
      %cond3A_96 = arith.cmpi ne, %convert_element_type3A_94, %cond3A_95 : i32
      scf.if %cond3A_96 {
        %add3A_106 = arith.constant 1 : i32
        %add3A_107 = arith.addi %add3A_92, %add3A_106 : i32
        %lt3A_108 = arith.cmpi slt, %add3A_107, %add3A_32 : i32
        %convert_element_type3A_109 = arith.extui %lt3A_108 : i1 to i32
        %cond3A_110 = arith.constant 0 : i32
        %cond3A_111 = arith.cmpi ne, %convert_element_type3A_109, %cond3A_110 : i32
        scf.if %cond3A_111 {
          %dma_wait3A_143 = arith.constant 0 : i32
          %dma_wait3A_144 = arith.constant 0 : i32
          %dma_wait3A_145 = tpu.memref_slice %arg5[%dma_wait3A_143, %dma_wait3A_144] : memref<2x160000xi32, #tpu.memory_space<hbm>> -> memref<1x64xi32, #tpu.memory_space<hbm>>
          %dma_wait3A_146 = tpu.memref_squeeze %dma_wait3A_145 : memref<1x64xi32, #tpu.memory_space<hbm>> -> memref<64xi32, #tpu.memory_space<hbm>>
          %dma_wait3A_147 = arith.constant 0 : i32
          %dma_wait3A_148 = tpu.memref_slice %arg5[%dma_wait3A_143, %dma_wait3A_147] : memref<2x160000xi32, #tpu.memory_space<hbm>> -> memref<1x64xi32, #tpu.memory_space<hbm>>
          %dma_wait3A_149 = tpu.memref_squeeze %dma_wait3A_148 : memref<1x64xi32, #tpu.memory_space<hbm>> -> memref<64xi32, #tpu.memory_space<hbm>>
          tpu.wait_dma2 semaphore(%arg25 : memref<!tpu.dma_semaphore, #tpu.memory_space<semaphore_mem>>) src(%dma_wait3A_149 : memref<64xi32, #tpu.memory_space<hbm>>) dst(%arg8 : memref<64xi32, #tpu.memory_space<vmem>>)
          %dma_wait3A_150 = arith.constant 1 : i32
          %dma_wait3A_151 = arith.constant 0 : i32
          %dma_wait3A_152 = tpu.memref_slice %arg5[%dma_wait3A_150, %dma_wait3A_151] : memref<2x160000xi32, #tpu.memory_space<hbm>> -> memref<1x64xi32, #tpu.memory_space<hbm>>
          %dma_wait3A_153 = tpu.memref_squeeze %dma_wait3A_152 : memref<1x64xi32, #tpu.memory_space<hbm>> -> memref<64xi32, #tpu.memory_space<hbm>>
          %dma_wait3A_154 = arith.constant 0 : i32
          %dma_wait3A_155 = tpu.memref_slice %arg5[%dma_wait3A_150, %dma_wait3A_154] : memref<2x160000xi32, #tpu.memory_space<hbm>> -> memref<1x64xi32, #tpu.memory_space<hbm>>
          %dma_wait3A_156 = tpu.memref_squeeze %dma_wait3A_155 : memref<1x64xi32, #tpu.memory_space<hbm>> -> memref<64xi32, #tpu.memory_space<hbm>>
          tpu.wait_dma2 semaphore(%arg25 : memref<!tpu.dma_semaphore, #tpu.memory_space<semaphore_mem>>) src(%dma_wait3A_156 : memref<64xi32, #tpu.memory_space<hbm>>) dst(%arg10 : memref<64xi32, #tpu.memory_space<vmem>>)
          %add3A_157 = arith.constant 1 : i32
          %add3A_158 = arith.addi %add3A_92, %add3A_157 : i32
          %mul3A_159 = arith.constant 32 : i32
          %mul3A_160 = arith.muli %add3A_158, %mul3A_159 : i32
          %add3A_161 = arith.addi %add3A, %mul3A_160 : i32
          %mul3A_162 = arith.constant 64 : i32
          %mul3A_163 = arith.muli %add3A_161, %mul3A_162 : i32
          %dma_start3A_164 = arith.constant 0 : i32
          %dma_start3A_165 = arith.constant 0 : i32
          %dma_start3A_166 = tpu.memref_slice %arg2[%dma_start3A_164, %dma_start3A_165] : memref<10000x128xf32, #tpu.memory_space<hbm>> -> memref<10000x128xf32, #tpu.memory_space<hbm>>
          tpu.enqueue_indirect_dma source(%dma_start3A_166 : memref<10000x128xf32, #tpu.memory_space<hbm>>) target(%arg12 : memref<64x128xf32, #tpu.memory_space<vmem>>) offsets(%arg8 : memref<64xi32, #tpu.memory_space<vmem>>) semaphore(%arg19 : memref<!tpu.dma_semaphore, #tpu.memory_space<semaphore_mem>>)
          %dma_start3A_167 = arith.constant 0 : i32
          %dma_start3A_168 = arith.constant 0 : i32
          %dma_start3A_169 = tpu.memref_slice %arg3[%dma_start3A_167, %dma_start3A_168] : memref<10000x128xf32, #tpu.memory_space<hbm>> -> memref<10000x128xf32, #tpu.memory_space<hbm>>
          tpu.enqueue_indirect_dma source(%dma_start3A_169 : memref<10000x128xf32, #tpu.memory_space<hbm>>) target(%arg14 : memref<64x128xf32, #tpu.memory_space<vmem>>) offsets(%arg10 : memref<64xi32, #tpu.memory_space<vmem>>) semaphore(%arg21 : memref<!tpu.dma_semaphore, #tpu.memory_space<semaphore_mem>>)
          %dma_start3A_170 = arith.constant 0 : i32
          %dma_start3A_171 = tpu.memref_slice %arg4[%mul3A_163, %dma_start3A_170] : memref<160000x128xf32, #tpu.memory_space<hbm>> -> memref<64x128xf32, #tpu.memory_space<hbm>>
          %dma_start3A_172 = arith.constant 0 : i32
          %dma_start3A_173 = tpu.memref_slice %arg4[%mul3A_163, %dma_start3A_172] : memref<160000x128xf32, #tpu.memory_space<hbm>> -> memref<64x128xf32, #tpu.memory_space<hbm>>
          tpu.enqueue_dma source(%dma_start3A_173 : memref<64x128xf32, #tpu.memory_space<hbm>>) target(%arg16 : memref<64x128xf32, #tpu.memory_space<vmem>>) target_semaphore(%arg23 : memref<!tpu.dma_semaphore, #tpu.memory_space<semaphore_mem>>)
        } else {
        }
        %dma_wait3A_112 = arith.constant 0 : i32
        %dma_wait3A_113 = arith.constant 0 : i32
        %dma_wait3A_114 = tpu.memref_slice %arg2[%dma_wait3A_112, %dma_wait3A_113] : memref<10000x128xf32, #tpu.memory_space<hbm>> -> memref<64x128xf32, #tpu.memory_space<hbm>>
        %dma_wait3A_115 = arith.constant 0 : i32
        %dma_wait3A_116 = arith.constant 0 : i32
        %dma_wait3A_117 = tpu.memref_slice %arg2[%dma_wait3A_115, %dma_wait3A_116] : memref<10000x128xf32, #tpu.memory_space<hbm>> -> memref<64x128xf32, #tpu.memory_space<hbm>>
        tpu.wait_dma2 semaphore(%arg18 : memref<!tpu.dma_semaphore, #tpu.memory_space<semaphore_mem>>) src(%dma_wait3A_117 : memref<64x128xf32, #tpu.memory_space<hbm>>) dst(%arg11 : memref<64x128xf32, #tpu.memory_space<vmem>>)
        %dma_wait3A_118 = arith.constant 0 : i32
        %dma_wait3A_119 = arith.constant 0 : i32
        %dma_wait3A_120 = tpu.memref_slice %arg3[%dma_wait3A_118, %dma_wait3A_119] : memref<10000x128xf32, #tpu.memory_space<hbm>> -> memref<64x128xf32, #tpu.memory_space<hbm>>
        %dma_wait3A_121 = arith.constant 0 : i32
        %dma_wait3A_122 = arith.constant 0 : i32
        %dma_wait3A_123 = tpu.memref_slice %arg3[%dma_wait3A_121, %dma_wait3A_122] : memref<10000x128xf32, #tpu.memory_space<hbm>> -> memref<64x128xf32, #tpu.memory_space<hbm>>
        tpu.wait_dma2 semaphore(%arg20 : memref<!tpu.dma_semaphore, #tpu.memory_space<semaphore_mem>>) src(%dma_wait3A_123 : memref<64x128xf32, #tpu.memory_space<hbm>>) dst(%arg13 : memref<64x128xf32, #tpu.memory_space<vmem>>)
        %dma_wait3A_124 = arith.constant 0 : i32
        %dma_wait3A_125 = arith.constant 0 : i32
        %dma_wait3A_126 = tpu.memref_slice %arg4[%dma_wait3A_124, %dma_wait3A_125] : memref<160000x128xf32, #tpu.memory_space<hbm>> -> memref<64x128xf32, #tpu.memory_space<hbm>>
        %dma_wait3A_127 = arith.constant 0 : i32
        %dma_wait3A_128 = arith.constant 0 : i32
        %dma_wait3A_129 = tpu.memref_slice %arg4[%dma_wait3A_127, %dma_wait3A_128] : memref<160000x128xf32, #tpu.memory_space<hbm>> -> memref<64x128xf32, #tpu.memory_space<hbm>>
        tpu.wait_dma2 semaphore(%arg22 : memref<!tpu.dma_semaphore, #tpu.memory_space<semaphore_mem>>) src(%dma_wait3A_129 : memref<64x128xf32, #tpu.memory_space<hbm>>) dst(%arg15 : memref<64x128xf32, #tpu.memory_space<vmem>>)
        %scan3A_130 = arith.constant 0 : i32
        %scan3A_131 = arith.constant 0 : i32
        %scan3A_132 = arith.constant 64 : i32
        %scan3A_133 = arith.addi %scan3A_131, %scan3A_132 : i32
        %scan3A_134 = arith.constant 1 : i32
        %scan3A_135 = scf.for %scan3A_143 = %scan3A_131 to %scan3A_133 step %scan3A_134 iter_args(%scan3A_144 = %scan3A_130) -> (i32)  : i32 {
          %get3A = arith.index_cast %scan3A_143 : i32 to index
          %get3A_145 = arith.constant 0 : index
          %get3A_146 = tpu.vector_load %arg11[%get3A, %get3A_145] {strides = array<i32>} : memref<64x128xf32, #tpu.memory_space<vmem>>, vector<1x16xf32>,
          %get3A_147 = vector.shape_cast %get3A_146 : vector<1x16xf32> to vector<16xf32>
          %get3A_148 = arith.index_cast %scan3A_143 : i32 to index
          %get3A_149 = arith.constant 0 : index
          %get3A_150 = tpu.vector_load %arg13[%get3A_148, %get3A_149] {strides = array<i32>} : memref<64x128xf32, #tpu.memory_space<vmem>>, vector<1x16xf32>,
          %get3A_151 = vector.shape_cast %get3A_150 : vector<1x16xf32> to vector<16xf32>
          %add3A_152 = arith.addf %get3A_147, %get3A_151 : vector<16xf32>
          %get3A_153 = arith.index_cast %scan3A_143 : i32 to index
          %get3A_154 = arith.constant 0 : index
          %get3A_155 = tpu.vector_load %arg15[%get3A_153, %get3A_154] {strides = array<i32>} : memref<64x128xf32, #tpu.memory_space<vmem>>, vector<1x16xf32>,
          %get3A_156 = vector.shape_cast %get3A_155 : vector<1x16xf32> to vector<16xf32>
          %add3A_157 = arith.addf %add3A_152, %get3A_156 : vector<16xf32>
          %max3A = arith.constant 0.000000e+00 : f32
          %max3A_158 = vector.broadcast %max3A : f32 to vector<16xf32>
          %max3A_159 = arith.maximumf %add3A_157, %max3A_158 : vector<16xf32>
          %swap3A = arith.index_cast %scan3A_143 : i32 to index
          %swap3A_160 = arith.constant 0 : index
          %swap3A_161 = tpu.vector_load %arg15[%swap3A, %swap3A_160] {strides = array<i32>} : memref<64x128xf32, #tpu.memory_space<vmem>>, vector<1x16xf32>,
          %swap3A_162 = vector.shape_cast %swap3A_161 : vector<1x16xf32> to vector<16xf32>
          %swap3A_163 = vector.shape_cast %max3A_159 : vector<16xf32> to vector<1x16xf32>
          tpu.vector_store %arg15[%swap3A, %swap3A_160], %swap3A_163 {strides = array<i32>} : memref<64x128xf32, #tpu.memory_space<vmem>>, vector<1x16xf32>,
          %get3A_164 = arith.index_cast %scan3A_143 : i32 to index
          %get3A_165 = arith.constant 16 : index
          %get3A_166 = tpu.vector_load %arg11[%get3A_164, %get3A_165] {strides = array<i32>} : memref<64x128xf32, #tpu.memory_space<vmem>>, vector<1x16xf32>,
          %get3A_167 = vector.shape_cast %get3A_166 : vector<1x16xf32> to vector<16xf32>
          %get3A_168 = arith.index_cast %scan3A_143 : i32 to index
          %get3A_169 = arith.constant 16 : index
          %get3A_170 = tpu.vector_load %arg13[%get3A_168, %get3A_169] {strides = array<i32>} : memref<64x128xf32, #tpu.memory_space<vmem>>, vector<1x16xf32>,
          %get3A_171 = vector.shape_cast %get3A_170 : vector<1x16xf32> to vector<16xf32>
          %add3A_172 = arith.addf %get3A_167, %get3A_171 : vector<16xf32>
          %get3A_173 = arith.index_cast %scan3A_143 : i32 to index
          %get3A_174 = arith.constant 16 : index
          %get3A_175 = tpu.vector_load %arg15[%get3A_173, %get3A_174] {strides = array<i32>} : memref<64x128xf32, #tpu.memory_space<vmem>>, vector<1x16xf32>,
          %get3A_176 = vector.shape_cast %get3A_175 : vector<1x16xf32> to vector<16xf32>
          %add3A_177 = arith.addf %add3A_172, %get3A_176 : vector<16xf32>
          %max3A_178 = arith.constant 0.000000e+00 : f32
          %max3A_179 = vector.broadcast %max3A_178 : f32 to vector<16xf32>
          %max3A_180 = arith.maximumf %add3A_177, %max3A_179 : vector<16xf32>
          %swap3A_181 = arith.index_cast %scan3A_143 : i32 to index
          %swap3A_182 = arith.constant 16 : index
          %swap3A_183 = tpu.vector_load %arg15[%swap3A_181, %swap3A_182] {strides = array<i32>} : memref<64x128xf32, #tpu.memory_space<vmem>>, vector<1x16xf32>,
          %swap3A_184 = vector.shape_cast %swap3A_183 : vector<1x16xf32> to vector<16xf32>
          %swap3A_185 = vector.shape_cast %max3A_180 : vector<16xf32> to vector<1x16xf32>
          tpu.vector_store %arg15[%swap3A_181, %swap3A_182], %swap3A_185 {strides = array<i32>} : memref<64x128xf32, #tpu.memory_space<vmem>>, vector<1x16xf32>,
          %get3A_186 = arith.index_cast %scan3A_143 : i32 to index
          %get3A_187 = arith.constant 32 : index
          %get3A_188 = tpu.vector_load %arg11[%get3A_186, %get3A_187] {strides = array<i32>} : memref<64x128xf32, #tpu.memory_space<vmem>>, vector<1x16xf32>,
          %get3A_189 = vector.shape_cast %get3A_188 : vector<1x16xf32> to vector<16xf32>
          %get3A_190 = arith.index_cast %scan3A_143 : i32 to index
          %get3A_191 = arith.constant 32 : index
          %get3A_192 = tpu.vector_load %arg13[%get3A_190, %get3A_191] {strides = array<i32>} : memref<64x128xf32, #tpu.memory_space<vmem>>, vector<1x16xf32>,
          %get3A_193 = vector.shape_cast %get3A_192 : vector<1x16xf32> to vector<16xf32>
          %add3A_194 = arith.addf %get3A_189, %get3A_193 : vector<16xf32>
          %get3A_195 = arith.index_cast %scan3A_143 : i32 to index
          %get3A_196 = arith.constant 32 : index
          %get3A_197 = tpu.vector_load %arg15[%get3A_195, %get3A_196] {strides = array<i32>} : memref<64x128xf32, #tpu.memory_space<vmem>>, vector<1x16xf32>,
          %get3A_198 = vector.shape_cast %get3A_197 : vector<1x16xf32> to vector<16xf32>
          %add3A_199 = arith.addf %add3A_194, %get3A_198 : vector<16xf32>
          %max3A_200 = arith.constant 0.000000e+00 : f32
          %max3A_201 = vector.broadcast %max3A_200 : f32 to vector<16xf32>
          %max3A_202 = arith.maximumf %add3A_199, %max3A_201 : vector<16xf32>
          %swap3A_203 = arith.index_cast %scan3A_143 : i32 to index
          %swap3A_204 = arith.constant 32 : index
          %swap3A_205 = tpu.vector_load %arg15[%swap3A_203, %swap3A_204] {strides = array<i32>} : memref<64x128xf32, #tpu.memory_space<vmem>>, vector<1x16xf32>,
          %swap3A_206 = vector.shape_cast %swap3A_205 : vector<1x16xf32> to vector<16xf32>
          %swap3A_207 = vector.shape_cast %max3A_202 : vector<16xf32> to vector<1x16xf32>
          tpu.vector_store %arg15[%swap3A_203, %swap3A_204], %swap3A_207 {strides = array<i32>} : memref<64x128xf32, #tpu.memory_space<vmem>>, vector<1x16xf32>,
          %get3A_208 = arith.index_cast %scan3A_143 : i32 to index
          %get3A_209 = arith.constant 48 : index
          %get3A_210 = tpu.vector_load %arg11[%get3A_208, %get3A_209] {strides = array<i32>} : memref<64x128xf32, #tpu.memory_space<vmem>>, vector<1x16xf32>,
          %get3A_211 = vector.shape_cast %get3A_210 : vector<1x16xf32> to vector<16xf32>
          %get3A_212 = arith.index_cast %scan3A_143 : i32 to index
          %get3A_213 = arith.constant 48 : index
          %get3A_214 = tpu.vector_load %arg13[%get3A_212, %get3A_213] {strides = array<i32>} : memref<64x128xf32, #tpu.memory_space<vmem>>, vector<1x16xf32>,
          %get3A_215 = vector.shape_cast %get3A_214 : vector<1x16xf32> to vector<16xf32>
          %add3A_216 = arith.addf %get3A_211, %get3A_215 : vector<16xf32>
          %get3A_217 = arith.index_cast %scan3A_143 : i32 to index
          %get3A_218 = arith.constant 48 : index
          %get3A_219 = tpu.vector_load %arg15[%get3A_217, %get3A_218] {strides = array<i32>} : memref<64x128xf32, #tpu.memory_space<vmem>>, vector<1x16xf32>,
          %get3A_220 = vector.shape_cast %get3A_219 : vector<1x16xf32> to vector<16xf32>
          %add3A_221 = arith.addf %add3A_216, %get3A_220 : vector<16xf32>
          %max3A_222 = arith.constant 0.000000e+00 : f32
          %max3A_223 = vector.broadcast %max3A_222 : f32 to vector<16xf32>
          %max3A_224 = arith.maximumf %add3A_221, %max3A_223 : vector<16xf32>
          %swap3A_225 = arith.index_cast %scan3A_143 : i32 to index
          %swap3A_226 = arith.constant 48 : index
          %swap3A_227 = tpu.vector_load %arg15[%swap3A_225, %swap3A_226] {strides = array<i32>} : memref<64x128xf32, #tpu.memory_space<vmem>>, vector<1x16xf32>,
          %swap3A_228 = vector.shape_cast %swap3A_227 : vector<1x16xf32> to vector<16xf32>
          %swap3A_229 = vector.shape_cast %max3A_224 : vector<16xf32> to vector<1x16xf32>
          tpu.vector_store %arg15[%swap3A_225, %swap3A_226], %swap3A_229 {strides = array<i32>} : memref<64x128xf32, #tpu.memory_space<vmem>>, vector<1x16xf32>,
          %get3A_230 = arith.index_cast %scan3A_143 : i32 to index
          %get3A_231 = arith.constant 64 : index
          %get3A_232 = tpu.vector_load %arg11[%get3A_230, %get3A_231] {strides = array<i32>} : memref<64x128xf32, #tpu.memory_space<vmem>>, vector<1x16xf32>,
          %get3A_233 = vector.shape_cast %get3A_232 : vector<1x16xf32> to vector<16xf32>
          %get3A_234 = arith.index_cast %scan3A_143 : i32 to index
          %get3A_235 = arith.constant 64 : index
          %get3A_236 = tpu.vector_load %arg13[%get3A_234, %get3A_235] {strides = array<i32>} : memref<64x128xf32, #tpu.memory_space<vmem>>, vector<1x16xf32>,
          %get3A_237 = vector.shape_cast %get3A_236 : vector<1x16xf32> to vector<16xf32>
          %add3A_238 = arith.addf %get3A_233, %get3A_237 : vector<16xf32>
          %get3A_239 = arith.index_cast %scan3A_143 : i32 to index
          %get3A_240 = arith.constant 64 : index
          %get3A_241 = tpu.vector_load %arg15[%get3A_239, %get3A_240] {strides = array<i32>} : memref<64x128xf32, #tpu.memory_space<vmem>>, vector<1x16xf32>,
          %get3A_242 = vector.shape_cast %get3A_241 : vector<1x16xf32> to vector<16xf32>
          %add3A_243 = arith.addf %add3A_238, %get3A_242 : vector<16xf32>
          %max3A_244 = arith.constant 0.000000e+00 : f32
          %max3A_245 = vector.broadcast %max3A_244 : f32 to vector<16xf32>
          %max3A_246 = arith.maximumf %add3A_243, %max3A_245 : vector<16xf32>
          %swap3A_247 = arith.index_cast %scan3A_143 : i32 to index
          %swap3A_248 = arith.constant 64 : index
          %swap3A_249 = tpu.vector_load %arg15[%swap3A_247, %swap3A_248] {strides = array<i32>} : memref<64x128xf32, #tpu.memory_space<vmem>>, vector<1x16xf32>,
          %swap3A_250 = vector.shape_cast %swap3A_249 : vector<1x16xf32> to vector<16xf32>
          %swap3A_251 = vector.shape_cast %max3A_246 : vector<16xf32> to vector<1x16xf32>
          tpu.vector_store %arg15[%swap3A_247, %swap3A_248], %swap3A_251 {strides = array<i32>} : memref<64x128xf32, #tpu.memory_space<vmem>>, vector<1x16xf32>,
          %get3A_252 = arith.index_cast %scan3A_143 : i32 to index
          %get3A_253 = arith.constant 80 : index
          %get3A_254 = tpu.vector_load %arg11[%get3A_252, %get3A_253] {strides = array<i32>} : memref<64x128xf32, #tpu.memory_space<vmem>>, vector<1x16xf32>,
          %get3A_255 = vector.shape_cast %get3A_254 : vector<1x16xf32> to vector<16xf32>
          %get3A_256 = arith.index_cast %scan3A_143 : i32 to index
          %get3A_257 = arith.constant 80 : index
          %get3A_258 = tpu.vector_load %arg13[%get3A_256, %get3A_257] {strides = array<i32>} : memref<64x128xf32, #tpu.memory_space<vmem>>, vector<1x16xf32>,
          %get3A_259 = vector.shape_cast %get3A_258 : vector<1x16xf32> to vector<16xf32>
          %add3A_260 = arith.addf %get3A_255, %get3A_259 : vector<16xf32>
          %get3A_261 = arith.index_cast %scan3A_143 : i32 to index
          %get3A_262 = arith.constant 80 : index
          %get3A_263 = tpu.vector_load %arg15[%get3A_261, %get3A_262] {strides = array<i32>} : memref<64x128xf32, #tpu.memory_space<vmem>>, vector<1x16xf32>,
          %get3A_264 = vector.shape_cast %get3A_263 : vector<1x16xf32> to vector<16xf32>
          %add3A_265 = arith.addf %add3A_260, %get3A_264 : vector<16xf32>
          %max3A_266 = arith.constant 0.000000e+00 : f32
          %max3A_267 = vector.broadcast %max3A_266 : f32 to vector<16xf32>
          %max3A_268 = arith.maximumf %add3A_265, %max3A_267 : vector<16xf32>
          %swap3A_269 = arith.index_cast %scan3A_143 : i32 to index
          %swap3A_270 = arith.constant 80 : index
          %swap3A_271 = tpu.vector_load %arg15[%swap3A_269, %swap3A_270] {strides = array<i32>} : memref<64x128xf32, #tpu.memory_space<vmem>>, vector<1x16xf32>,
          %swap3A_272 = vector.shape_cast %swap3A_271 : vector<1x16xf32> to vector<16xf32>
          %swap3A_273 = vector.shape_cast %max3A_268 : vector<16xf32> to vector<1x16xf32>
          tpu.vector_store %arg15[%swap3A_269, %swap3A_270], %swap3A_273 {strides = array<i32>} : memref<64x128xf32, #tpu.memory_space<vmem>>, vector<1x16xf32>,
          %get3A_274 = arith.index_cast %scan3A_143 : i32 to index
          %get3A_275 = arith.constant 96 : index
          %get3A_276 = tpu.vector_load %arg11[%get3A_274, %get3A_275] {strides = array<i32>} : memref<64x128xf32, #tpu.memory_space<vmem>>, vector<1x16xf32>,
          %get3A_277 = vector.shape_cast %get3A_276 : vector<1x16xf32> to vector<16xf32>
          %get3A_278 = arith.index_cast %scan3A_143 : i32 to index
          %get3A_279 = arith.constant 96 : index
          %get3A_280 = tpu.vector_load %arg13[%get3A_278, %get3A_279] {strides = array<i32>} : memref<64x128xf32, #tpu.memory_space<vmem>>, vector<1x16xf32>,
          %get3A_281 = vector.shape_cast %get3A_280 : vector<1x16xf32> to vector<16xf32>
          %add3A_282 = arith.addf %get3A_277, %get3A_281 : vector<16xf32>
          %get3A_283 = arith.index_cast %scan3A_143 : i32 to index
          %get3A_284 = arith.constant 96 : index
          %get3A_285 = tpu.vector_load %arg15[%get3A_283, %get3A_284] {strides = array<i32>} : memref<64x128xf32, #tpu.memory_space<vmem>>, vector<1x16xf32>,
          %get3A_286 = vector.shape_cast %get3A_285 : vector<1x16xf32> to vector<16xf32>
          %add3A_287 = arith.addf %add3A_282, %get3A_286 : vector<16xf32>
          %max3A_288 = arith.constant 0.000000e+00 : f32
          %max3A_289 = vector.broadcast %max3A_288 : f32 to vector<16xf32>
          %max3A_290 = arith.maximumf %add3A_287, %max3A_289 : vector<16xf32>
          %swap3A_291 = arith.index_cast %scan3A_143 : i32 to index
          %swap3A_292 = arith.constant 96 : index
          %swap3A_293 = tpu.vector_load %arg15[%swap3A_291, %swap3A_292] {strides = array<i32>} : memref<64x128xf32, #tpu.memory_space<vmem>>, vector<1x16xf32>,
          %swap3A_294 = vector.shape_cast %swap3A_293 : vector<1x16xf32> to vector<16xf32>
          %swap3A_295 = vector.shape_cast %max3A_290 : vector<16xf32> to vector<1x16xf32>
          tpu.vector_store %arg15[%swap3A_291, %swap3A_292], %swap3A_295 {strides = array<i32>} : memref<64x128xf32, #tpu.memory_space<vmem>>, vector<1x16xf32>,
          %get3A_296 = arith.index_cast %scan3A_143 : i32 to index
          %get3A_297 = arith.constant 112 : index
          %get3A_298 = tpu.vector_load %arg11[%get3A_296, %get3A_297] {strides = array<i32>} : memref<64x128xf32, #tpu.memory_space<vmem>>, vector<1x16xf32>,
          %get3A_299 = vector.shape_cast %get3A_298 : vector<1x16xf32> to vector<16xf32>
          %get3A_300 = arith.index_cast %scan3A_143 : i32 to index
          %get3A_301 = arith.constant 112 : index
          %get3A_302 = tpu.vector_load %arg13[%get3A_300, %get3A_301] {strides = array<i32>} : memref<64x128xf32, #tpu.memory_space<vmem>>, vector<1x16xf32>,
          %get3A_303 = vector.shape_cast %get3A_302 : vector<1x16xf32> to vector<16xf32>
          %add3A_304 = arith.addf %get3A_299, %get3A_303 : vector<16xf32>
          %get3A_305 = arith.index_cast %scan3A_143 : i32 to index
          %get3A_306 = arith.constant 112 : index
          %get3A_307 = tpu.vector_load %arg15[%get3A_305, %get3A_306] {strides = array<i32>} : memref<64x128xf32, #tpu.memory_space<vmem>>, vector<1x16xf32>,
          %get3A_308 = vector.shape_cast %get3A_307 : vector<1x16xf32> to vector<16xf32>
          %add3A_309 = arith.addf %add3A_304, %get3A_308 : vector<16xf32>
          %max3A_310 = arith.constant 0.000000e+00 : f32
          %max3A_311 = vector.broadcast %max3A_310 : f32 to vector<16xf32>
          %max3A_312 = arith.maximumf %add3A_309, %max3A_311 : vector<16xf32>
          %swap3A_313 = arith.index_cast %scan3A_143 : i32 to index
          %swap3A_314 = arith.constant 112 : index
          %swap3A_315 = tpu.vector_load %arg15[%swap3A_313, %swap3A_314] {strides = array<i32>} : memref<64x128xf32, #tpu.memory_space<vmem>>, vector<1x16xf32>,
          %swap3A_316 = vector.shape_cast %swap3A_315 : vector<1x16xf32> to vector<16xf32>
          %swap3A_317 = vector.shape_cast %max3A_312 : vector<16xf32> to vector<1x16xf32>
          tpu.vector_store %arg15[%swap3A_313, %swap3A_314], %swap3A_317 {strides = array<i32>} : memref<64x128xf32, #tpu.memory_space<vmem>>, vector<1x16xf32>,
          %scan3A_318 = arith.constant 0 : i32
          scf.yield %scan3A_318 : i32
        }
        %scan3A_136 = arith.constant 64 : i32
        "tpu.region"() ({
          %run_scoped3A = tpu.sem_alloc : memref<!tpu.dma_semaphore, #tpu.memory_space<semaphore_mem>>
          %dma_start3A_143 = arith.constant 0 : i32
          %dma_start3A_144 = arith.constant 0 : i32
          %dma_start3A_145 = tpu.memref_slice %arg17[%dma_start3A_143, %dma_start3A_144] : memref<10112x128xf32, #tpu.memory_space<vmem_shared>> -> memref<10112x128xf32, #tpu.memory_space<vmem_shared>>
          tpu.enqueue_indirect_dma source(%arg15 : memref<64x128xf32, #tpu.memory_space<vmem>>) target(%dma_start3A_145 : memref<10112x128xf32, #tpu.memory_space<vmem_shared>>) offsets(%arg7 : memref<64xi32, #tpu.memory_space<vmem>>) semaphore(%run_scoped3A : memref<!tpu.dma_semaphore, #tpu.memory_space<semaphore_mem>>) {add = true}
          %dma_wait3A_146 = arith.constant 0 : i32
          %dma_wait3A_147 = arith.constant 0 : i32
          %dma_wait3A_148 = tpu.memref_slice %arg17[%dma_wait3A_146, %dma_wait3A_147] : memref<10112x128xf32, #tpu.memory_space<vmem_shared>> -> memref<10112x128xf32, #tpu.memory_space<vmem_shared>>
          tpu.wait_indirect_dma semaphore(%run_scoped3A : memref<!tpu.dma_semaphore, #tpu.memory_space<semaphore_mem>>) src(%arg15 : memref<64x128xf32, #tpu.memory_space<vmem>>) dst(%dma_wait3A_148 : memref<10112x128xf32, #tpu.memory_space<vmem_shared>>)
          tpu.yield
        }) : () -> ()
        %add3A_137 = arith.constant 2 : i32
        %add3A_138 = arith.addi %add3A_92, %add3A_137 : i32
        %lt3A_139 = arith.cmpi slt, %add3A_138, %add3A_32 : i32
        %convert_element_type3A_140 = arith.extui %lt3A_139 : i1 to i32
        %cond3A_141 = arith.constant 0 : i32
        %cond3A_142 = arith.cmpi ne, %convert_element_type3A_140, %cond3A_141 : i32
        scf.if %cond3A_142 {
          %add3A_143 = arith.constant 2 : i32
          %add3A_144 = arith.addi %add3A_92, %add3A_143 : i32
          %mul3A_145 = arith.constant 32 : i32
          %mul3A_146 = arith.muli %add3A_144, %mul3A_145 : i32
          %add3A_147 = arith.addi %add3A, %mul3A_146 : i32
          %mul3A_148 = arith.constant 64 : i32
          %mul3A_149 = arith.muli %add3A_147, %mul3A_148 : i32
          %dma_start3A_150 = arith.constant 0 : i32
          %dma_start3A_151 = tpu.memref_slice %arg5[%dma_start3A_150, %mul3A_149] : memref<2x160000xi32, #tpu.memory_space<hbm>> -> memref<1x64xi32, #tpu.memory_space<hbm>>
          %dma_start3A_152 = tpu.memref_squeeze %dma_start3A_151 : memref<1x64xi32, #tpu.memory_space<hbm>> -> memref<64xi32, #tpu.memory_space<hbm>>
          %dma_start3A_153 = tpu.memref_slice %arg5[%dma_start3A_150, %mul3A_149] : memref<2x160000xi32, #tpu.memory_space<hbm>> -> memref<1x64xi32, #tpu.memory_space<hbm>>
          %dma_start3A_154 = tpu.memref_squeeze %dma_start3A_153 : memref<1x64xi32, #tpu.memory_space<hbm>> -> memref<64xi32, #tpu.memory_space<hbm>>
          tpu.enqueue_dma source(%dma_start3A_154 : memref<64xi32, #tpu.memory_space<hbm>>) target(%arg7 : memref<64xi32, #tpu.memory_space<vmem>>) target_semaphore(%arg24 : memref<!tpu.dma_semaphore, #tpu.memory_space<semaphore_mem>>)
          %dma_start3A_155 = arith.constant 1 : i32
          %dma_start3A_156 = tpu.memref_slice %arg5[%dma_start3A_155, %mul3A_149] : memref<2x160000xi32, #tpu.memory_space<hbm>> -> memref<1x64xi32, #tpu.memory_space<hbm>>
          %dma_start3A_157 = tpu.memref_squeeze %dma_start3A_156 : memref<1x64xi32, #tpu.memory_space<hbm>> -> memref<64xi32, #tpu.memory_space<hbm>>
          %dma_start3A_158 = tpu.memref_slice %arg5[%dma_start3A_155, %mul3A_149] : memref<2x160000xi32, #tpu.memory_space<hbm>> -> memref<1x64xi32, #tpu.memory_space<hbm>>
          %dma_start3A_159 = tpu.memref_squeeze %dma_start3A_158 : memref<1x64xi32, #tpu.memory_space<hbm>> -> memref<64xi32, #tpu.memory_space<hbm>>
          tpu.enqueue_dma source(%dma_start3A_159 : memref<64xi32, #tpu.memory_space<hbm>>) target(%arg9 : memref<64xi32, #tpu.memory_space<vmem>>) target_semaphore(%arg24 : memref<!tpu.dma_semaphore, #tpu.memory_space<semaphore_mem>>)
        } else {
        }
      } else {
      }
      %mul3A_97 = arith.constant 2 : i32
      %mul3A_98 = arith.muli %scan3A_87, %mul3A_97 : i32
      %add3A_99 = arith.constant 1 : i32
      %add3A_100 = arith.addi %mul3A_98, %add3A_99 : i32
      %lt3A_101 = arith.cmpi slt, %add3A_100, %add3A_32 : i32
      %convert_element_type3A_102 = arith.extui %lt3A_101 : i1 to i32
      %cond3A_103 = arith.constant 0 : i32
      %cond3A_104 = arith.cmpi ne, %convert_element_type3A_102, %cond3A_103 : i32
      scf.if %cond3A_104 {
        %add3A_106 = arith.constant 1 : i32
        %add3A_107 = arith.addi %add3A_100, %add3A_106 : i32
        %lt3A_108 = arith.cmpi slt, %add3A_107, %add3A_32 : i32
        %convert_element_type3A_109 = arith.extui %lt3A_108 : i1 to i32
        %cond3A_110 = arith.constant 0 : i32
        %cond3A_111 = arith.cmpi ne, %convert_element_type3A_109, %cond3A_110 : i32
        scf.if %cond3A_111 {
          %dma_wait3A_143 = arith.constant 0 : i32
          %dma_wait3A_144 = arith.constant 0 : i32
          %dma_wait3A_145 = tpu.memref_slice %arg5[%dma_wait3A_143, %dma_wait3A_144] : memref<2x160000xi32, #tpu.memory_space<hbm>> -> memref<1x64xi32, #tpu.memory_space<hbm>>
          %dma_wait3A_146 = tpu.memref_squeeze %dma_wait3A_145 : memref<1x64xi32, #tpu.memory_space<hbm>> -> memref<64xi32, #tpu.memory_space<hbm>>
          %dma_wait3A_147 = arith.constant 0 : i32
          %dma_wait3A_148 = tpu.memref_slice %arg5[%dma_wait3A_143, %dma_wait3A_147] : memref<2x160000xi32, #tpu.memory_space<hbm>> -> memref<1x64xi32, #tpu.memory_space<hbm>>
          %dma_wait3A_149 = tpu.memref_squeeze %dma_wait3A_148 : memref<1x64xi32, #tpu.memory_space<hbm>> -> memref<64xi32, #tpu.memory_space<hbm>>
          tpu.wait_dma2 semaphore(%arg24 : memref<!tpu.dma_semaphore, #tpu.memory_space<semaphore_mem>>) src(%dma_wait3A_149 : memref<64xi32, #tpu.memory_space<hbm>>) dst(%arg7 : memref<64xi32, #tpu.memory_space<vmem>>)
          %dma_wait3A_150 = arith.constant 1 : i32
          %dma_wait3A_151 = arith.constant 0 : i32
          %dma_wait3A_152 = tpu.memref_slice %arg5[%dma_wait3A_150, %dma_wait3A_151] : memref<2x160000xi32, #tpu.memory_space<hbm>> -> memref<1x64xi32, #tpu.memory_space<hbm>>
          %dma_wait3A_153 = tpu.memref_squeeze %dma_wait3A_152 : memref<1x64xi32, #tpu.memory_space<hbm>> -> memref<64xi32, #tpu.memory_space<hbm>>
          %dma_wait3A_154 = arith.constant 0 : i32
          %dma_wait3A_155 = tpu.memref_slice %arg5[%dma_wait3A_150, %dma_wait3A_154] : memref<2x160000xi32, #tpu.memory_space<hbm>> -> memref<1x64xi32, #tpu.memory_space<hbm>>
          %dma_wait3A_156 = tpu.memref_squeeze %dma_wait3A_155 : memref<1x64xi32, #tpu.memory_space<hbm>> -> memref<64xi32, #tpu.memory_space<hbm>>
          tpu.wait_dma2 semaphore(%arg24 : memref<!tpu.dma_semaphore, #tpu.memory_space<semaphore_mem>>) src(%dma_wait3A_156 : memref<64xi32, #tpu.memory_space<hbm>>) dst(%arg9 : memref<64xi32, #tpu.memory_space<vmem>>)
          %add3A_157 = arith.constant 1 : i32
          %add3A_158 = arith.addi %add3A_100, %add3A_157 : i32
          %mul3A_159 = arith.constant 32 : i32
          %mul3A_160 = arith.muli %add3A_158, %mul3A_159 : i32
          %add3A_161 = arith.addi %add3A, %mul3A_160 : i32
          %mul3A_162 = arith.constant 64 : i32
          %mul3A_163 = arith.muli %add3A_161, %mul3A_162 : i32
          %dma_start3A_164 = arith.constant 0 : i32
          %dma_start3A_165 = arith.constant 0 : i32
          %dma_start3A_166 = tpu.memref_slice %arg2[%dma_start3A_164, %dma_start3A_165] : memref<10000x128xf32, #tpu.memory_space<hbm>> -> memref<10000x128xf32, #tpu.memory_space<hbm>>
          tpu.enqueue_indirect_dma source(%dma_start3A_166 : memref<10000x128xf32, #tpu.memory_space<hbm>>) target(%arg11 : memref<64x128xf32, #tpu.memory_space<vmem>>) offsets(%arg7 : memref<64xi32, #tpu.memory_space<vmem>>) semaphore(%arg18 : memref<!tpu.dma_semaphore, #tpu.memory_space<semaphore_mem>>)
          %dma_start3A_167 = arith.constant 0 : i32
          %dma_start3A_168 = arith.constant 0 : i32
          %dma_start3A_169 = tpu.memref_slice %arg3[%dma_start3A_167, %dma_start3A_168] : memref<10000x128xf32, #tpu.memory_space<hbm>> -> memref<10000x128xf32, #tpu.memory_space<hbm>>
          tpu.enqueue_indirect_dma source(%dma_start3A_169 : memref<10000x128xf32, #tpu.memory_space<hbm>>) target(%arg13 : memref<64x128xf32, #tpu.memory_space<vmem>>) offsets(%arg9 : memref<64xi32, #tpu.memory_space<vmem>>) semaphore(%arg20 : memref<!tpu.dma_semaphore, #tpu.memory_space<semaphore_mem>>)
          %dma_start3A_170 = arith.constant 0 : i32
          %dma_start3A_171 = tpu.memref_slice %arg4[%mul3A_163, %dma_start3A_170] : memref<160000x128xf32, #tpu.memory_space<hbm>> -> memref<64x128xf32, #tpu.memory_space<hbm>>
          %dma_start3A_172 = arith.constant 0 : i32
          %dma_start3A_173 = tpu.memref_slice %arg4[%mul3A_163, %dma_start3A_172] : memref<160000x128xf32, #tpu.memory_space<hbm>> -> memref<64x128xf32, #tpu.memory_space<hbm>>
          tpu.enqueue_dma source(%dma_start3A_173 : memref<64x128xf32, #tpu.memory_space<hbm>>) target(%arg15 : memref<64x128xf32, #tpu.memory_space<vmem>>) target_semaphore(%arg22 : memref<!tpu.dma_semaphore, #tpu.memory_space<semaphore_mem>>)
        } else {
        }
        %dma_wait3A_112 = arith.constant 0 : i32
        %dma_wait3A_113 = arith.constant 0 : i32
        %dma_wait3A_114 = tpu.memref_slice %arg2[%dma_wait3A_112, %dma_wait3A_113] : memref<10000x128xf32, #tpu.memory_space<hbm>> -> memref<64x128xf32, #tpu.memory_space<hbm>>
        %dma_wait3A_115 = arith.constant 0 : i32
        %dma_wait3A_116 = arith.constant 0 : i32
        %dma_wait3A_117 = tpu.memref_slice %arg2[%dma_wait3A_115, %dma_wait3A_116] : memref<10000x128xf32, #tpu.memory_space<hbm>> -> memref<64x128xf32, #tpu.memory_space<hbm>>
        tpu.wait_dma2 semaphore(%arg19 : memref<!tpu.dma_semaphore, #tpu.memory_space<semaphore_mem>>) src(%dma_wait3A_117 : memref<64x128xf32, #tpu.memory_space<hbm>>) dst(%arg12 : memref<64x128xf32, #tpu.memory_space<vmem>>)
        %dma_wait3A_118 = arith.constant 0 : i32
        %dma_wait3A_119 = arith.constant 0 : i32
        %dma_wait3A_120 = tpu.memref_slice %arg3[%dma_wait3A_118, %dma_wait3A_119] : memref<10000x128xf32, #tpu.memory_space<hbm>> -> memref<64x128xf32, #tpu.memory_space<hbm>>
        %dma_wait3A_121 = arith.constant 0 : i32
        %dma_wait3A_122 = arith.constant 0 : i32
        %dma_wait3A_123 = tpu.memref_slice %arg3[%dma_wait3A_121, %dma_wait3A_122] : memref<10000x128xf32, #tpu.memory_space<hbm>> -> memref<64x128xf32, #tpu.memory_space<hbm>>
        tpu.wait_dma2 semaphore(%arg21 : memref<!tpu.dma_semaphore, #tpu.memory_space<semaphore_mem>>) src(%dma_wait3A_123 : memref<64x128xf32, #tpu.memory_space<hbm>>) dst(%arg14 : memref<64x128xf32, #tpu.memory_space<vmem>>)
        %dma_wait3A_124 = arith.constant 0 : i32
        %dma_wait3A_125 = arith.constant 0 : i32
        %dma_wait3A_126 = tpu.memref_slice %arg4[%dma_wait3A_124, %dma_wait3A_125] : memref<160000x128xf32, #tpu.memory_space<hbm>> -> memref<64x128xf32, #tpu.memory_space<hbm>>
        %dma_wait3A_127 = arith.constant 0 : i32
        %dma_wait3A_128 = arith.constant 0 : i32
        %dma_wait3A_129 = tpu.memref_slice %arg4[%dma_wait3A_127, %dma_wait3A_128] : memref<160000x128xf32, #tpu.memory_space<hbm>> -> memref<64x128xf32, #tpu.memory_space<hbm>>
        tpu.wait_dma2 semaphore(%arg23 : memref<!tpu.dma_semaphore, #tpu.memory_space<semaphore_mem>>) src(%dma_wait3A_129 : memref<64x128xf32, #tpu.memory_space<hbm>>) dst(%arg16 : memref<64x128xf32, #tpu.memory_space<vmem>>)
        %scan3A_130 = arith.constant 0 : i32
        %scan3A_131 = arith.constant 0 : i32
        %scan3A_132 = arith.constant 64 : i32
        %scan3A_133 = arith.addi %scan3A_131, %scan3A_132 : i32
        %scan3A_134 = arith.constant 1 : i32
        %scan3A_135 = scf.for %scan3A_143 = %scan3A_131 to %scan3A_133 step %scan3A_134 iter_args(%scan3A_144 = %scan3A_130) -> (i32)  : i32 {
          %get3A = arith.index_cast %scan3A_143 : i32 to index
          %get3A_145 = arith.constant 0 : index
          %get3A_146 = tpu.vector_load %arg12[%get3A, %get3A_145] {strides = array<i32>} : memref<64x128xf32, #tpu.memory_space<vmem>>, vector<1x16xf32>,
          %get3A_147 = vector.shape_cast %get3A_146 : vector<1x16xf32> to vector<16xf32>
          %get3A_148 = arith.index_cast %scan3A_143 : i32 to index
          %get3A_149 = arith.constant 0 : index
          %get3A_150 = tpu.vector_load %arg14[%get3A_148, %get3A_149] {strides = array<i32>} : memref<64x128xf32, #tpu.memory_space<vmem>>, vector<1x16xf32>,
          %get3A_151 = vector.shape_cast %get3A_150 : vector<1x16xf32> to vector<16xf32>
          %add3A_152 = arith.addf %get3A_147, %get3A_151 : vector<16xf32>
          %get3A_153 = arith.index_cast %scan3A_143 : i32 to index
          %get3A_154 = arith.constant 0 : index
          %get3A_155 = tpu.vector_load %arg16[%get3A_153, %get3A_154] {strides = array<i32>} : memref<64x128xf32, #tpu.memory_space<vmem>>, vector<1x16xf32>,
          %get3A_156 = vector.shape_cast %get3A_155 : vector<1x16xf32> to vector<16xf32>
          %add3A_157 = arith.addf %add3A_152, %get3A_156 : vector<16xf32>
          %max3A = arith.constant 0.000000e+00 : f32
          %max3A_158 = vector.broadcast %max3A : f32 to vector<16xf32>
          %max3A_159 = arith.maximumf %add3A_157, %max3A_158 : vector<16xf32>
          %swap3A = arith.index_cast %scan3A_143 : i32 to index
          %swap3A_160 = arith.constant 0 : index
          %swap3A_161 = tpu.vector_load %arg16[%swap3A, %swap3A_160] {strides = array<i32>} : memref<64x128xf32, #tpu.memory_space<vmem>>, vector<1x16xf32>,
          %swap3A_162 = vector.shape_cast %swap3A_161 : vector<1x16xf32> to vector<16xf32>
          %swap3A_163 = vector.shape_cast %max3A_159 : vector<16xf32> to vector<1x16xf32>
          tpu.vector_store %arg16[%swap3A, %swap3A_160], %swap3A_163 {strides = array<i32>} : memref<64x128xf32, #tpu.memory_space<vmem>>, vector<1x16xf32>,
          %get3A_164 = arith.index_cast %scan3A_143 : i32 to index
          %get3A_165 = arith.constant 16 : index
          %get3A_166 = tpu.vector_load %arg12[%get3A_164, %get3A_165] {strides = array<i32>} : memref<64x128xf32, #tpu.memory_space<vmem>>, vector<1x16xf32>,
          %get3A_167 = vector.shape_cast %get3A_166 : vector<1x16xf32> to vector<16xf32>
          %get3A_168 = arith.index_cast %scan3A_143 : i32 to index
          %get3A_169 = arith.constant 16 : index
          %get3A_170 = tpu.vector_load %arg14[%get3A_168, %get3A_169] {strides = array<i32>} : memref<64x128xf32, #tpu.memory_space<vmem>>, vector<1x16xf32>,
          %get3A_171 = vector.shape_cast %get3A_170 : vector<1x16xf32> to vector<16xf32>
          %add3A_172 = arith.addf %get3A_167, %get3A_171 : vector<16xf32>
          %get3A_173 = arith.index_cast %scan3A_143 : i32 to index
          %get3A_174 = arith.constant 16 : index
          %get3A_175 = tpu.vector_load %arg16[%get3A_173, %get3A_174] {strides = array<i32>} : memref<64x128xf32, #tpu.memory_space<vmem>>, vector<1x16xf32>,
          %get3A_176 = vector.shape_cast %get3A_175 : vector<1x16xf32> to vector<16xf32>
          %add3A_177 = arith.addf %add3A_172, %get3A_176 : vector<16xf32>
          %max3A_178 = arith.constant 0.000000e+00 : f32
          %max3A_179 = vector.broadcast %max3A_178 : f32 to vector<16xf32>
          %max3A_180 = arith.maximumf %add3A_177, %max3A_179 : vector<16xf32>
          %swap3A_181 = arith.index_cast %scan3A_143 : i32 to index
          %swap3A_182 = arith.constant 16 : index
          %swap3A_183 = tpu.vector_load %arg16[%swap3A_181, %swap3A_182] {strides = array<i32>} : memref<64x128xf32, #tpu.memory_space<vmem>>, vector<1x16xf32>,
          %swap3A_184 = vector.shape_cast %swap3A_183 : vector<1x16xf32> to vector<16xf32>
          %swap3A_185 = vector.shape_cast %max3A_180 : vector<16xf32> to vector<1x16xf32>
          tpu.vector_store %arg16[%swap3A_181, %swap3A_182], %swap3A_185 {strides = array<i32>} : memref<64x128xf32, #tpu.memory_space<vmem>>, vector<1x16xf32>,
          %get3A_186 = arith.index_cast %scan3A_143 : i32 to index
          %get3A_187 = arith.constant 32 : index
          %get3A_188 = tpu.vector_load %arg12[%get3A_186, %get3A_187] {strides = array<i32>} : memref<64x128xf32, #tpu.memory_space<vmem>>, vector<1x16xf32>,
          %get3A_189 = vector.shape_cast %get3A_188 : vector<1x16xf32> to vector<16xf32>
          %get3A_190 = arith.index_cast %scan3A_143 : i32 to index
          %get3A_191 = arith.constant 32 : index
          %get3A_192 = tpu.vector_load %arg14[%get3A_190, %get3A_191] {strides = array<i32>} : memref<64x128xf32, #tpu.memory_space<vmem>>, vector<1x16xf32>,
          %get3A_193 = vector.shape_cast %get3A_192 : vector<1x16xf32> to vector<16xf32>
          %add3A_194 = arith.addf %get3A_189, %get3A_193 : vector<16xf32>
          %get3A_195 = arith.index_cast %scan3A_143 : i32 to index
          %get3A_196 = arith.constant 32 : index
          %get3A_197 = tpu.vector_load %arg16[%get3A_195, %get3A_196] {strides = array<i32>} : memref<64x128xf32, #tpu.memory_space<vmem>>, vector<1x16xf32>,
          %get3A_198 = vector.shape_cast %get3A_197 : vector<1x16xf32> to vector<16xf32>
          %add3A_199 = arith.addf %add3A_194, %get3A_198 : vector<16xf32>
          %max3A_200 = arith.constant 0.000000e+00 : f32
          %max3A_201 = vector.broadcast %max3A_200 : f32 to vector<16xf32>
          %max3A_202 = arith.maximumf %add3A_199, %max3A_201 : vector<16xf32>
          %swap3A_203 = arith.index_cast %scan3A_143 : i32 to index
          %swap3A_204 = arith.constant 32 : index
          %swap3A_205 = tpu.vector_load %arg16[%swap3A_203, %swap3A_204] {strides = array<i32>} : memref<64x128xf32, #tpu.memory_space<vmem>>, vector<1x16xf32>,
          %swap3A_206 = vector.shape_cast %swap3A_205 : vector<1x16xf32> to vector<16xf32>
          %swap3A_207 = vector.shape_cast %max3A_202 : vector<16xf32> to vector<1x16xf32>
          tpu.vector_store %arg16[%swap3A_203, %swap3A_204], %swap3A_207 {strides = array<i32>} : memref<64x128xf32, #tpu.memory_space<vmem>>, vector<1x16xf32>,
          %get3A_208 = arith.index_cast %scan3A_143 : i32 to index
          %get3A_209 = arith.constant 48 : index
          %get3A_210 = tpu.vector_load %arg12[%get3A_208, %get3A_209] {strides = array<i32>} : memref<64x128xf32, #tpu.memory_space<vmem>>, vector<1x16xf32>,
          %get3A_211 = vector.shape_cast %get3A_210 : vector<1x16xf32> to vector<16xf32>
          %get3A_212 = arith.index_cast %scan3A_143 : i32 to index
          %get3A_213 = arith.constant 48 : index
          %get3A_214 = tpu.vector_load %arg14[%get3A_212, %get3A_213] {strides = array<i32>} : memref<64x128xf32, #tpu.memory_space<vmem>>, vector<1x16xf32>,
          %get3A_215 = vector.shape_cast %get3A_214 : vector<1x16xf32> to vector<16xf32>
          %add3A_216 = arith.addf %get3A_211, %get3A_215 : vector<16xf32>
          %get3A_217 = arith.index_cast %scan3A_143 : i32 to index
          %get3A_218 = arith.constant 48 : index
          %get3A_219 = tpu.vector_load %arg16[%get3A_217, %get3A_218] {strides = array<i32>} : memref<64x128xf32, #tpu.memory_space<vmem>>, vector<1x16xf32>,
          %get3A_220 = vector.shape_cast %get3A_219 : vector<1x16xf32> to vector<16xf32>
          %add3A_221 = arith.addf %add3A_216, %get3A_220 : vector<16xf32>
          %max3A_222 = arith.constant 0.000000e+00 : f32
          %max3A_223 = vector.broadcast %max3A_222 : f32 to vector<16xf32>
          %max3A_224 = arith.maximumf %add3A_221, %max3A_223 : vector<16xf32>
          %swap3A_225 = arith.index_cast %scan3A_143 : i32 to index
          %swap3A_226 = arith.constant 48 : index
          %swap3A_227 = tpu.vector_load %arg16[%swap3A_225, %swap3A_226] {strides = array<i32>} : memref<64x128xf32, #tpu.memory_space<vmem>>, vector<1x16xf32>,
          %swap3A_228 = vector.shape_cast %swap3A_227 : vector<1x16xf32> to vector<16xf32>
          %swap3A_229 = vector.shape_cast %max3A_224 : vector<16xf32> to vector<1x16xf32>
          tpu.vector_store %arg16[%swap3A_225, %swap3A_226], %swap3A_229 {strides = array<i32>} : memref<64x128xf32, #tpu.memory_space<vmem>>, vector<1x16xf32>,
          %get3A_230 = arith.index_cast %scan3A_143 : i32 to index
          %get3A_231 = arith.constant 64 : index
          %get3A_232 = tpu.vector_load %arg12[%get3A_230, %get3A_231] {strides = array<i32>} : memref<64x128xf32, #tpu.memory_space<vmem>>, vector<1x16xf32>,
          %get3A_233 = vector.shape_cast %get3A_232 : vector<1x16xf32> to vector<16xf32>
          %get3A_234 = arith.index_cast %scan3A_143 : i32 to index
          %get3A_235 = arith.constant 64 : index
          %get3A_236 = tpu.vector_load %arg14[%get3A_234, %get3A_235] {strides = array<i32>} : memref<64x128xf32, #tpu.memory_space<vmem>>, vector<1x16xf32>,
          %get3A_237 = vector.shape_cast %get3A_236 : vector<1x16xf32> to vector<16xf32>
          %add3A_238 = arith.addf %get3A_233, %get3A_237 : vector<16xf32>
          %get3A_239 = arith.index_cast %scan3A_143 : i32 to index
          %get3A_240 = arith.constant 64 : index
          %get3A_241 = tpu.vector_load %arg16[%get3A_239, %get3A_240] {strides = array<i32>} : memref<64x128xf32, #tpu.memory_space<vmem>>, vector<1x16xf32>,
          %get3A_242 = vector.shape_cast %get3A_241 : vector<1x16xf32> to vector<16xf32>
          %add3A_243 = arith.addf %add3A_238, %get3A_242 : vector<16xf32>
          %max3A_244 = arith.constant 0.000000e+00 : f32
          %max3A_245 = vector.broadcast %max3A_244 : f32 to vector<16xf32>
          %max3A_246 = arith.maximumf %add3A_243, %max3A_245 : vector<16xf32>
          %swap3A_247 = arith.index_cast %scan3A_143 : i32 to index
          %swap3A_248 = arith.constant 64 : index
          %swap3A_249 = tpu.vector_load %arg16[%swap3A_247, %swap3A_248] {strides = array<i32>} : memref<64x128xf32, #tpu.memory_space<vmem>>, vector<1x16xf32>,
          %swap3A_250 = vector.shape_cast %swap3A_249 : vector<1x16xf32> to vector<16xf32>
          %swap3A_251 = vector.shape_cast %max3A_246 : vector<16xf32> to vector<1x16xf32>
          tpu.vector_store %arg16[%swap3A_247, %swap3A_248], %swap3A_251 {strides = array<i32>} : memref<64x128xf32, #tpu.memory_space<vmem>>, vector<1x16xf32>,
          %get3A_252 = arith.index_cast %scan3A_143 : i32 to index
          %get3A_253 = arith.constant 80 : index
          %get3A_254 = tpu.vector_load %arg12[%get3A_252, %get3A_253] {strides = array<i32>} : memref<64x128xf32, #tpu.memory_space<vmem>>, vector<1x16xf32>,
          %get3A_255 = vector.shape_cast %get3A_254 : vector<1x16xf32> to vector<16xf32>
          %get3A_256 = arith.index_cast %scan3A_143 : i32 to index
          %get3A_257 = arith.constant 80 : index
          %get3A_258 = tpu.vector_load %arg14[%get3A_256, %get3A_257] {strides = array<i32>} : memref<64x128xf32, #tpu.memory_space<vmem>>, vector<1x16xf32>,
          %get3A_259 = vector.shape_cast %get3A_258 : vector<1x16xf32> to vector<16xf32>
          %add3A_260 = arith.addf %get3A_255, %get3A_259 : vector<16xf32>
          %get3A_261 = arith.index_cast %scan3A_143 : i32 to index
          %get3A_262 = arith.constant 80 : index
          %get3A_263 = tpu.vector_load %arg16[%get3A_261, %get3A_262] {strides = array<i32>} : memref<64x128xf32, #tpu.memory_space<vmem>>, vector<1x16xf32>,
          %get3A_264 = vector.shape_cast %get3A_263 : vector<1x16xf32> to vector<16xf32>
          %add3A_265 = arith.addf %add3A_260, %get3A_264 : vector<16xf32>
          %max3A_266 = arith.constant 0.000000e+00 : f32
          %max3A_267 = vector.broadcast %max3A_266 : f32 to vector<16xf32>
          %max3A_268 = arith.maximumf %add3A_265, %max3A_267 : vector<16xf32>
          %swap3A_269 = arith.index_cast %scan3A_143 : i32 to index
          %swap3A_270 = arith.constant 80 : index
          %swap3A_271 = tpu.vector_load %arg16[%swap3A_269, %swap3A_270] {strides = array<i32>} : memref<64x128xf32, #tpu.memory_space<vmem>>, vector<1x16xf32>,
          %swap3A_272 = vector.shape_cast %swap3A_271 : vector<1x16xf32> to vector<16xf32>
          %swap3A_273 = vector.shape_cast %max3A_268 : vector<16xf32> to vector<1x16xf32>
          tpu.vector_store %arg16[%swap3A_269, %swap3A_270], %swap3A_273 {strides = array<i32>} : memref<64x128xf32, #tpu.memory_space<vmem>>, vector<1x16xf32>,
          %get3A_274 = arith.index_cast %scan3A_143 : i32 to index
          %get3A_275 = arith.constant 96 : index
          %get3A_276 = tpu.vector_load %arg12[%get3A_274, %get3A_275] {strides = array<i32>} : memref<64x128xf32, #tpu.memory_space<vmem>>, vector<1x16xf32>,
          %get3A_277 = vector.shape_cast %get3A_276 : vector<1x16xf32> to vector<16xf32>
          %get3A_278 = arith.index_cast %scan3A_143 : i32 to index
          %get3A_279 = arith.constant 96 : index
          %get3A_280 = tpu.vector_load %arg14[%get3A_278, %get3A_279] {strides = array<i32>} : memref<64x128xf32, #tpu.memory_space<vmem>>, vector<1x16xf32>,
          %get3A_281 = vector.shape_cast %get3A_280 : vector<1x16xf32> to vector<16xf32>
          %add3A_282 = arith.addf %get3A_277, %get3A_281 : vector<16xf32>
          %get3A_283 = arith.index_cast %scan3A_143 : i32 to index
          %get3A_284 = arith.constant 96 : index
          %get3A_285 = tpu.vector_load %arg16[%get3A_283, %get3A_284] {strides = array<i32>} : memref<64x128xf32, #tpu.memory_space<vmem>>, vector<1x16xf32>,
          %get3A_286 = vector.shape_cast %get3A_285 : vector<1x16xf32> to vector<16xf32>
          %add3A_287 = arith.addf %add3A_282, %get3A_286 : vector<16xf32>
          %max3A_288 = arith.constant 0.000000e+00 : f32
          %max3A_289 = vector.broadcast %max3A_288 : f32 to vector<16xf32>
          %max3A_290 = arith.maximumf %add3A_287, %max3A_289 : vector<16xf32>
          %swap3A_291 = arith.index_cast %scan3A_143 : i32 to index
          %swap3A_292 = arith.constant 96 : index
          %swap3A_293 = tpu.vector_load %arg16[%swap3A_291, %swap3A_292] {strides = array<i32>} : memref<64x128xf32, #tpu.memory_space<vmem>>, vector<1x16xf32>,
          %swap3A_294 = vector.shape_cast %swap3A_293 : vector<1x16xf32> to vector<16xf32>
          %swap3A_295 = vector.shape_cast %max3A_290 : vector<16xf32> to vector<1x16xf32>
          tpu.vector_store %arg16[%swap3A_291, %swap3A_292], %swap3A_295 {strides = array<i32>} : memref<64x128xf32, #tpu.memory_space<vmem>>, vector<1x16xf32>,
          %get3A_296 = arith.index_cast %scan3A_143 : i32 to index
          %get3A_297 = arith.constant 112 : index
          %get3A_298 = tpu.vector_load %arg12[%get3A_296, %get3A_297] {strides = array<i32>} : memref<64x128xf32, #tpu.memory_space<vmem>>, vector<1x16xf32>,
          %get3A_299 = vector.shape_cast %get3A_298 : vector<1x16xf32> to vector<16xf32>
          %get3A_300 = arith.index_cast %scan3A_143 : i32 to index
          %get3A_301 = arith.constant 112 : index
          %get3A_302 = tpu.vector_load %arg14[%get3A_300, %get3A_301] {strides = array<i32>} : memref<64x128xf32, #tpu.memory_space<vmem>>, vector<1x16xf32>,
          %get3A_303 = vector.shape_cast %get3A_302 : vector<1x16xf32> to vector<16xf32>
          %add3A_304 = arith.addf %get3A_299, %get3A_303 : vector<16xf32>
          %get3A_305 = arith.index_cast %scan3A_143 : i32 to index
          %get3A_306 = arith.constant 112 : index
          %get3A_307 = tpu.vector_load %arg16[%get3A_305, %get3A_306] {strides = array<i32>} : memref<64x128xf32, #tpu.memory_space<vmem>>, vector<1x16xf32>,
          %get3A_308 = vector.shape_cast %get3A_307 : vector<1x16xf32> to vector<16xf32>
          %add3A_309 = arith.addf %add3A_304, %get3A_308 : vector<16xf32>
          %max3A_310 = arith.constant 0.000000e+00 : f32
          %max3A_311 = vector.broadcast %max3A_310 : f32 to vector<16xf32>
          %max3A_312 = arith.maximumf %add3A_309, %max3A_311 : vector<16xf32>
          %swap3A_313 = arith.index_cast %scan3A_143 : i32 to index
          %swap3A_314 = arith.constant 112 : index
          %swap3A_315 = tpu.vector_load %arg16[%swap3A_313, %swap3A_314] {strides = array<i32>} : memref<64x128xf32, #tpu.memory_space<vmem>>, vector<1x16xf32>,
          %swap3A_316 = vector.shape_cast %swap3A_315 : vector<1x16xf32> to vector<16xf32>
          %swap3A_317 = vector.shape_cast %max3A_312 : vector<16xf32> to vector<1x16xf32>
          tpu.vector_store %arg16[%swap3A_313, %swap3A_314], %swap3A_317 {strides = array<i32>} : memref<64x128xf32, #tpu.memory_space<vmem>>, vector<1x16xf32>,
          %scan3A_318 = arith.constant 0 : i32
          scf.yield %scan3A_318 : i32
        }
        %scan3A_136 = arith.constant 64 : i32
        "tpu.region"() ({
          %run_scoped3A = tpu.sem_alloc : memref<!tpu.dma_semaphore, #tpu.memory_space<semaphore_mem>>
          %dma_start3A_143 = arith.constant 0 : i32
          %dma_start3A_144 = arith.constant 0 : i32
          %dma_start3A_145 = tpu.memref_slice %arg17[%dma_start3A_143, %dma_start3A_144] : memref<10112x128xf32, #tpu.memory_space<vmem_shared>> -> memref<10112x128xf32, #tpu.memory_space<vmem_shared>>
          tpu.enqueue_indirect_dma source(%arg16 : memref<64x128xf32, #tpu.memory_space<vmem>>) target(%dma_start3A_145 : memref<10112x128xf32, #tpu.memory_space<vmem_shared>>) offsets(%arg8 : memref<64xi32, #tpu.memory_space<vmem>>) semaphore(%run_scoped3A : memref<!tpu.dma_semaphore, #tpu.memory_space<semaphore_mem>>) {add = true}
          %dma_wait3A_146 = arith.constant 0 : i32
          %dma_wait3A_147 = arith.constant 0 : i32
          %dma_wait3A_148 = tpu.memref_slice %arg17[%dma_wait3A_146, %dma_wait3A_147] : memref<10112x128xf32, #tpu.memory_space<vmem_shared>> -> memref<10112x128xf32, #tpu.memory_space<vmem_shared>>
          tpu.wait_indirect_dma semaphore(%run_scoped3A : memref<!tpu.dma_semaphore, #tpu.memory_space<semaphore_mem>>) src(%arg16 : memref<64x128xf32, #tpu.memory_space<vmem>>) dst(%dma_wait3A_148 : memref<10112x128xf32, #tpu.memory_space<vmem_shared>>)
          tpu.yield
        }) : () -> ()
        %add3A_137 = arith.constant 2 : i32
        %add3A_138 = arith.addi %add3A_100, %add3A_137 : i32
        %lt3A_139 = arith.cmpi slt, %add3A_138, %add3A_32 : i32
        %convert_element_type3A_140 = arith.extui %lt3A_139 : i1 to i32
        %cond3A_141 = arith.constant 0 : i32
        %cond3A_142 = arith.cmpi ne, %convert_element_type3A_140, %cond3A_141 : i32
        scf.if %cond3A_142 {
          %add3A_143 = arith.constant 2 : i32
          %add3A_144 = arith.addi %add3A_100, %add3A_143 : i32
          %mul3A_145 = arith.constant 32 : i32
          %mul3A_146 = arith.muli %add3A_144, %mul3A_145 : i32
          %add3A_147 = arith.addi %add3A, %mul3A_146 : i32
          %mul3A_148 = arith.constant 64 : i32
          %mul3A_149 = arith.muli %add3A_147, %mul3A_148 : i32
          %dma_start3A_150 = arith.constant 0 : i32
          %dma_start3A_151 = tpu.memref_slice %arg5[%dma_start3A_150, %mul3A_149] : memref<2x160000xi32, #tpu.memory_space<hbm>> -> memref<1x64xi32, #tpu.memory_space<hbm>>
          %dma_start3A_152 = tpu.memref_squeeze %dma_start3A_151 : memref<1x64xi32, #tpu.memory_space<hbm>> -> memref<64xi32, #tpu.memory_space<hbm>>
          %dma_start3A_153 = tpu.memref_slice %arg5[%dma_start3A_150, %mul3A_149] : memref<2x160000xi32, #tpu.memory_space<hbm>> -> memref<1x64xi32, #tpu.memory_space<hbm>>
          %dma_start3A_154 = tpu.memref_squeeze %dma_start3A_153 : memref<1x64xi32, #tpu.memory_space<hbm>> -> memref<64xi32, #tpu.memory_space<hbm>>
          tpu.enqueue_dma source(%dma_start3A_154 : memref<64xi32, #tpu.memory_space<hbm>>) target(%arg8 : memref<64xi32, #tpu.memory_space<vmem>>) target_semaphore(%arg25 : memref<!tpu.dma_semaphore, #tpu.memory_space<semaphore_mem>>)
          %dma_start3A_155 = arith.constant 1 : i32
          %dma_start3A_156 = tpu.memref_slice %arg5[%dma_start3A_155, %mul3A_149] : memref<2x160000xi32, #tpu.memory_space<hbm>> -> memref<1x64xi32, #tpu.memory_space<hbm>>
          %dma_start3A_157 = tpu.memref_squeeze %dma_start3A_156 : memref<1x64xi32, #tpu.memory_space<hbm>> -> memref<64xi32, #tpu.memory_space<hbm>>
          %dma_start3A_158 = tpu.memref_slice %arg5[%dma_start3A_155, %mul3A_149] : memref<2x160000xi32, #tpu.memory_space<hbm>> -> memref<1x64xi32, #tpu.memory_space<hbm>>
          %dma_start3A_159 = tpu.memref_squeeze %dma_start3A_158 : memref<1x64xi32, #tpu.memory_space<hbm>> -> memref<64xi32, #tpu.memory_space<hbm>>
          tpu.enqueue_dma source(%dma_start3A_159 : memref<64xi32, #tpu.memory_space<hbm>>) target(%arg10 : memref<64xi32, #tpu.memory_space<vmem>>) target_semaphore(%arg25 : memref<!tpu.dma_semaphore, #tpu.memory_space<semaphore_mem>>)
        } else {
        }
      } else {
      }
      %scan3A_105 = arith.constant 0 : i32
      scf.yield %scan3A_105 : i32
    }
    %scan3A_82 = arith.constant 40 : i32
    %barrier3A_83 = arith.constant 0 : index
    tpu.barrier barrier_id(%barrier3A_83)
    %mul3A_84 = arith.constant 10112 : i32
    %mul3A_85 = arith.muli %arg0, %mul3A_84 : i32
    %add3A_86 = arith.addi %mul3A_85, %mul3A_9 : i32
    "tpu.region"() ({
      %run_scoped3A = tpu.sem_alloc : memref<!tpu.dma_semaphore, #tpu.memory_space<semaphore_mem>>
      %dma_start3A_87 = arith.constant 0 : i32
      %dma_start3A_88 = tpu.memref_slice %arg6[%add3A_86, %dma_start3A_87] : memref<20224x128xf32, #tpu.memory_space<hbm>> -> memref<632x128xf32, #tpu.memory_space<hbm>>
      %dma_start3A_89 = arith.constant 0 : i32
      %dma_start3A_90 = tpu.memref_slice %arg17[%mul3A_9, %dma_start3A_89] : memref<10112x128xf32, #tpu.memory_space<vmem_shared>> -> memref<632x128xf32, #tpu.memory_space<vmem_shared>>
      tpu.enqueue_dma source(%dma_start3A_90 : memref<632x128xf32, #tpu.memory_space<vmem_shared>>) target(%dma_start3A_88 : memref<632x128xf32, #tpu.memory_space<hbm>>) target_semaphore(%run_scoped3A : memref<!tpu.dma_semaphore, #tpu.memory_space<semaphore_mem>>)
      %dma_wait3A_91 = arith.constant 0 : i32
      %dma_wait3A_92 = tpu.memref_slice %arg6[%add3A_86, %dma_wait3A_91] : memref<20224x128xf32, #tpu.memory_space<hbm>> -> memref<632x128xf32, #tpu.memory_space<hbm>>
      %dma_wait3A_93 = arith.constant 0 : i32
      %dma_wait3A_94 = tpu.memref_slice %arg17[%mul3A_9, %dma_wait3A_93] : memref<10112x128xf32, #tpu.memory_space<vmem_shared>> -> memref<632x128xf32, #tpu.memory_space<vmem_shared>>
      tpu.wait_dma2 semaphore(%run_scoped3A : memref<!tpu.dma_semaphore, #tpu.memory_space<semaphore_mem>>) src(%dma_wait3A_94 : memref<632x128xf32, #tpu.memory_space<vmem_shared>>) dst(%dma_wait3A_92 : memref<632x128xf32, #tpu.memory_space<hbm>>)
      tpu.yield
    }) : () -> ()
    return
  }
}

module attributes {stable_mosaic.version = 14 : i64} {
  func.func @_pre_edge_body(%arg0: i32, %arg1: memref<8000x16xf32, #tpu.memory_space<vmem>>, %arg2: memref<16x128xf32, #tpu.memory_space<vmem>>, %arg3: memref<8000x128xf32, #tpu.memory_space<vmem>>) attributes {dimension_semantics = [#tpu.dimension_semantics<arbitrary>], iteration_bounds = array<i64: 20>, scalar_prefetch = 0 : i64, scratch_operands = 0 : i64, tpu.core_type = #tpu.core_type<tc>, window_params = [{transform_indices = @transform_0, window_bounds = array<i64: 8000, 16>}, {pipeline_mode = #tpu.pipeline_mode<synchronous>, transform_indices = @transform_1, window_bounds = array<i64: 16, 128>}, {transform_indices = @transform_2, window_bounds = array<i64: 8000, 128>}]} {
    %get3A = arith.constant 0 : index
    %get3A_0 = arith.constant 0 : index
    %get3A_1 = vector.load %arg1[%get3A, %get3A_0] : memref<8000x16xf32, #tpu.memory_space<vmem>>, vector<8000x16xf32>
    %convert_element_type3A = arith.truncf %get3A_1 : vector<8000x16xf32> to vector<8000x16xbf16>
    %get3A_2 = arith.constant 0 : index
    %get3A_3 = arith.constant 0 : index
    %get3A_4 = vector.load %arg2[%get3A_2, %get3A_3] : memref<16x128xf32, #tpu.memory_space<vmem>>, vector<16x128xf32>
    %convert_element_type3A_5 = arith.truncf %get3A_4 : vector<16x128xf32> to vector<16x128xbf16>
    %dot_general3A = arith.constant dense<0.000000e+00> : vector<8000x128xf32>
    %dot_general3A_6 = tpu.matmul %convert_element_type3A, %convert_element_type3A_5, %dot_general3A {dimension_numbers = #tpu.dot_dimension_numbers<[1], [0], [0], [1], [0, 0, 1, 1], [], []>, transpose_lhs_hint = false} : vector<8000x16xbf16>, vector<16x128xbf16>, vector<8000x128xf32> -> vector<8000x128xf32>
    %swap3A = arith.constant 0 : index
    %swap3A_7 = arith.constant 0 : index
    %swap3A_8 = vector.load %arg3[%swap3A, %swap3A_7] : memref<8000x128xf32, #tpu.memory_space<vmem>>, vector<8000x128xf32>
    tpu.vector_store %arg3[%swap3A, %swap3A_7], %dot_general3A_6 {strides = array<i32>} : memref<8000x128xf32, #tpu.memory_space<vmem>>, vector<8000x128xf32>,
    return
  }
  func.func @transform_0(%arg0: i32) -> (i32, i32) {
    %c0_i32 = arith.constant 0 : i32
    %c0_i32_0 = arith.constant 0 : i32
    return %arg0, %c0_i32 : i32, i32
  }
  func.func @transform_1(%arg0: i32) -> (i32, i32) {
    %c0_i32 = arith.constant 0 : i32
    %c0_i32_0 = arith.constant 0 : i32
    %c0_i32_1 = arith.constant 0 : i32
    return %c0_i32, %c0_i32_0 : i32, i32
  }
  func.func @transform_2(%arg0: i32) -> (i32, i32) {
    %c0_i32 = arith.constant 0 : i32
    %c0_i32_0 = arith.constant 0 : i32
    return %arg0, %c0_i32 : i32, i32
  }
}

module attributes {stable_mosaic.version = 14 : i64} {
  func.func @_pre_node_body(%arg0: memref<10000x128xf32, #tpu.memory_space<vmem>>, %arg1: memref<128x128xf32, #tpu.memory_space<vmem>>, %arg2: memref<128x128xf32, #tpu.memory_space<vmem>>, %arg3: memref<1x128xf32, #tpu.memory_space<vmem>>, %arg4: memref<10000x128xf32, #tpu.memory_space<vmem>>, %arg5: memref<10000x128xf32, #tpu.memory_space<vmem>>) attributes {dimension_semantics = [], scalar_prefetch = 0 : i64, scratch_operands = 0 : i64, tpu.core_type = #tpu.core_type<tc>} {
    %get3A = arith.constant 0 : index
    %get3A_0 = arith.constant 0 : index
    %get3A_1 = vector.load %arg0[%get3A, %get3A_0] : memref<10000x128xf32, #tpu.memory_space<vmem>>, vector<10000x128xf32>
    %get3A_2 = arith.constant 0 : index
    %get3A_3 = arith.constant 0 : index
    %get3A_4 = vector.load %arg1[%get3A_2, %get3A_3] : memref<128x128xf32, #tpu.memory_space<vmem>>, vector<128x128xf32>
    %dot_general3A = arith.constant dense<0.000000e+00> : vector<10000x128xf32>
    %dot_general3A_5 = tpu.matmul %get3A_1, %get3A_4, %dot_general3A {dimension_numbers = #tpu.dot_dimension_numbers<[1], [0], [0], [1], [0, 0, 1, 1], [], []>, transpose_lhs_hint = false} : vector<10000x128xf32>, vector<128x128xf32>, vector<10000x128xf32> -> vector<10000x128xf32>
    %get3A_6 = arith.constant 0 : index
    %get3A_7 = arith.constant 0 : index
    %get3A_8 = vector.load %arg3[%get3A_6, %get3A_7] : memref<1x128xf32, #tpu.memory_space<vmem>>, vector<1x128xf32>
    %add3A = vector.broadcast %get3A_8 : vector<1x128xf32> to vector<10000x128xf32>
    %add3A_9 = arith.addf %dot_general3A_5, %add3A : vector<10000x128xf32>
    %swap3A = arith.constant 0 : index
    %swap3A_10 = arith.constant 0 : index
    %swap3A_11 = vector.load %arg4[%swap3A, %swap3A_10] : memref<10000x128xf32, #tpu.memory_space<vmem>>, vector<10000x128xf32>
    tpu.vector_store %arg4[%swap3A, %swap3A_10], %add3A_9 {strides = array<i32>} : memref<10000x128xf32, #tpu.memory_space<vmem>>, vector<10000x128xf32>,
    %get3A_12 = arith.constant 0 : index
    %get3A_13 = arith.constant 0 : index
    %get3A_14 = vector.load %arg2[%get3A_12, %get3A_13] : memref<128x128xf32, #tpu.memory_space<vmem>>, vector<128x128xf32>
    %dot_general3A_15 = arith.constant dense<0.000000e+00> : vector<10000x128xf32>
    %dot_general3A_16 = tpu.matmul %get3A_1, %get3A_14, %dot_general3A_15 {dimension_numbers = #tpu.dot_dimension_numbers<[1], [0], [0], [1], [0, 0, 1, 1], [], []>, transpose_lhs_hint = false} : vector<10000x128xf32>, vector<128x128xf32>, vector<10000x128xf32> -> vector<10000x128xf32>
    %swap3A_17 = arith.constant 0 : index
    %swap3A_18 = arith.constant 0 : index
    %swap3A_19 = vector.load %arg5[%swap3A_17, %swap3A_18] : memref<10000x128xf32, #tpu.memory_space<vmem>>, vector<10000x128xf32>
    tpu.vector_store %arg5[%swap3A_17, %swap3A_18], %dot_general3A_16 {strides = array<i32>} : memref<10000x128xf32, #tpu.memory_space<vmem>>, vector<10000x128xf32>,
    return
  }
}

module attributes {stable_mosaic.version = 14 : i64} {
  func.func @_post_body(%arg0: memref<10000x128xf32, #tpu.memory_space<vmem>>, %arg1: memref<20224x128xf32, #tpu.memory_space<vmem>>, %arg2: memref<20224x128xf32, #tpu.memory_space<vmem>>, %arg3: memref<128x128xf32, #tpu.memory_space<vmem>>, %arg4: memref<128x128xf32, #tpu.memory_space<vmem>>, %arg5: memref<1x128xf32, #tpu.memory_space<vmem>>, %arg6: memref<10000x128xf32, #tpu.memory_space<vmem>>) attributes {dimension_semantics = [], scalar_prefetch = 0 : i64, scratch_operands = 0 : i64, tpu.core_type = #tpu.core_type<tc>} {
    %get3A = arith.constant 0 : index
    %get3A_0 = arith.constant 0 : index
    %get3A_1 = vector.load %arg0[%get3A, %get3A_0] : memref<10000x128xf32, #tpu.memory_space<vmem>>, vector<10000x128xf32>
    %get3A_2 = arith.constant 0 : index
    %get3A_3 = arith.constant 0 : index
    %get3A_4 = vector.load %arg1[%get3A_2, %get3A_3] : memref<20224x128xf32, #tpu.memory_space<vmem>>, vector<10000x128xf32>
    %get3A_5 = arith.constant 10112 : index
    %get3A_6 = arith.constant 0 : index
    %get3A_7 = vector.load %arg1[%get3A_5, %get3A_6] : memref<20224x128xf32, #tpu.memory_space<vmem>>, vector<10000x128xf32>
    %add3A = arith.addf %get3A_4, %get3A_7 : vector<10000x128xf32>
    %get3A_8 = arith.constant 0 : index
    %get3A_9 = arith.constant 0 : index
    %get3A_10 = vector.load %arg2[%get3A_8, %get3A_9] : memref<20224x128xf32, #tpu.memory_space<vmem>>, vector<10000x128xf32>
    %add3A_11 = arith.addf %add3A, %get3A_10 : vector<10000x128xf32>
    %get3A_12 = arith.constant 10112 : index
    %get3A_13 = arith.constant 0 : index
    %get3A_14 = vector.load %arg2[%get3A_12, %get3A_13] : memref<20224x128xf32, #tpu.memory_space<vmem>>, vector<10000x128xf32>
    %add3A_15 = arith.addf %add3A_11, %get3A_14 : vector<10000x128xf32>
    %get3A_16 = arith.constant 0 : index
    %get3A_17 = arith.constant 0 : index
    %get3A_18 = vector.load %arg5[%get3A_16, %get3A_17] : memref<1x128xf32, #tpu.memory_space<vmem>>, vector<1x128xf32>
    %add3A_19 = vector.broadcast %get3A_18 : vector<1x128xf32> to vector<10000x128xf32>
    %add3A_20 = arith.addf %get3A_1, %add3A_19 : vector<10000x128xf32>
    %get3A_21 = arith.constant 0 : index
    %get3A_22 = arith.constant 0 : index
    %get3A_23 = vector.load %arg3[%get3A_21, %get3A_22] : memref<128x128xf32, #tpu.memory_space<vmem>>, vector<128x128xf32>
    %dot_general3A = arith.constant dense<0.000000e+00> : vector<10000x128xf32>
    %dot_general3A_24 = tpu.matmul %get3A_1, %get3A_23, %dot_general3A {dimension_numbers = #tpu.dot_dimension_numbers<[1], [0], [0], [1], [0, 0, 1, 1], [], []>, transpose_lhs_hint = false} : vector<10000x128xf32>, vector<128x128xf32>, vector<10000x128xf32> -> vector<10000x128xf32>
    %add3A_25 = arith.addf %add3A_20, %dot_general3A_24 : vector<10000x128xf32>
    %get3A_26 = arith.constant 0 : index
    %get3A_27 = arith.constant 0 : index
    %get3A_28 = vector.load %arg4[%get3A_26, %get3A_27] : memref<128x128xf32, #tpu.memory_space<vmem>>, vector<128x128xf32>
    %dot_general3A_29 = arith.constant dense<0.000000e+00> : vector<10000x128xf32>
    %dot_general3A_30 = tpu.matmul %add3A_15, %get3A_28, %dot_general3A_29 {dimension_numbers = #tpu.dot_dimension_numbers<[1], [0], [0], [1], [0, 0, 1, 1], [], []>, transpose_lhs_hint = false} : vector<10000x128xf32>, vector<128x128xf32>, vector<10000x128xf32> -> vector<10000x128xf32>
    %add3A_31 = arith.addf %add3A_25, %dot_general3A_30 : vector<10000x128xf32>
    %swap3A = arith.constant 0 : index
    %swap3A_32 = arith.constant 0 : index
    %swap3A_33 = vector.load %arg6[%swap3A, %swap3A_32] : memref<10000x128xf32, #tpu.memory_space<vmem>>, vector<10000x128xf32>
    tpu.vector_store %arg6[%swap3A, %swap3A_32], %add3A_31 {strides = array<i32>} : memref<10000x128xf32, #tpu.memory_space<vmem>>, vector<10000x128xf32>,
    return
  }
}

</mosaic_0001>

<sc_bundles>
// kernel: kernel.11.cloned.1.call-start
scs
__scs_entry_jumppad:
0x0: {  	(pc) =	sbr.rel $0x88, $3  }
0x1: {  	(tag) =	ssettag $0x0;
	lr =	simm.s32 $0x1  }
0x2: {  	[smem:$0x3F9A] =	sst lr;
	_ =	strace $0xD0000000  }
0x3: {  	_ = 	snop  }
0x4: {  	_ = 	snop  }
0x5: {  	_ = 	snop  }
0x6: {  	_ = 	snop  }
0x7: {  	_ = 	snop  }
__scs_overlays_trampoline_lowered:
0x8: {  	[smem:$0x3FA9] =	sst s0  }
0x9: {  	[smem:$0x3FAA] =	sst s1  }
0xa: {  	[smem:$0x3FAB] =	sst s2  }
0xb: {  	[smem:$0x3FAC] =	sst s3  }
0xc: {  	[smem:$0x3FAD] =	sst s4  }
0xd: {  	[smem:$0x3FAE] =	sst s5  }
0xe: {  	[smem:$0x3FAF] =	sst s6  }
0xf: {  	[smem:$0x3FB0] =	sst s7  }
0x10: {  	[smem:$0x3FB1] =	sst s8  }
0x11: {  	[smem:$0x3FB2] =	sst s9;
	s0 =	simm.s32 @!p0 $0x0  }
0x12: {  	s1 =	sld [smem:$0x3F98];
	s0 =	simm.s32 @p0 $0x1  }
0x13: {  	[smem:$0x3FB3] =	sst s0;
	s0 =	simm.s32 @!p1 $0x0  }
0x14: {  	s2 =	sld [smem:$0x3F97];
	s0 =	simm.s32 @p1 $0x1  }
0x15: {  	[smem:$0x3FB4] =	sst s0;
	s0 =	simm.s32 @!p2 $0x0  }
0x16: {  	s3 =	sld [smem:$0x3FDB];
	s0 =	simm.s32 @p2 $0x1  }
0x17: {  	s4 =	simm.s32 $0x1BF5;
	[smem:$0x3FB6] =	sst s0  }
0x18: {  	s0 =	sld [smem:$0x3F99];
	_ =	swait.ge [sflag:s4], $0x0  }
0x19: {  	s7 =	sld [smem:$0x3F9A]  }
0x1a: {  	s8 =	sadd.s32 $0xFFFFE003, lr  }
0x1b: {  	s9 =	sadd.s32 $0xFFFFFEF7, lr;
	s5 =	simm.s32 $0xFFFFFFFF;
	p2 =	slt.u32 s8, $0xFFFFF086  }
0x1c: {  	p1 =	slt.u32 s9, $0xF7A;
	s5 =	simm.s32 @!p2 $0x0  }
0x1d: {  	s5 =	simm.s32 @p1 $0x1;
	p0 =	seq.s32 s7, s2  }
0x1e: {  	s7 =	smul.u32 @!p0 $0xF7A, s2;
	p2 =	seq.s32 @!p0 s5, $0x0  }
0x1f: {  	s9 =	smul.u32 $0xF7A, s1;
	s8 =	simm.s32 @!p0 $0x1BF5;
	p2 =	por !p2, p0  }
0x20: {  	[sflag:s8] =	ssyncset.s32 @!p0 $0xFFFFF086;
	s6 =	sadd.s32 @!p0 s3, s7;
	s7 =	simm.s32 @!p0 $0x108  }
0x21: {  	s3 =	sadd.s32 s3, s9;
	s6 =	sadd.s32 @!p0 $0x88, s6;
	s7 =	simm.s32 @p2 $0x1082  }
0x22: {  	[simem:s7], [sflag:s8] =	dma.local @!p0 [hbm:s6], $0xF7A  }
0x23: {  	s9 =	sor.u32 $0xD0000000, s2;
	s6 =	simm.s32 $0x108;
	_ =	swait.ge @!p0 [sflag:s8], $0x0  }
0x24: {  	s3 =	sadd.s32 $0x88, s3;
	s6 =	simm.s32 @!p1 $0x1082;
	[sflag:s4] =	ssyncset.s32 $0xFFFFF086  }
0x25: {  	[simem:s6], [sflag:s4] =	dma.local [hbm:s3], $0xF7A  }
0x26: {  	[smem:$0x3F9A] =	sst s1;
	(tag) =	ssettag s2;
	_ =	strace s9  }
0x27: {  	s1 =	sld [smem:$0x3FAA]  }
0x28: {  	s2 =	sld [smem:$0x3FAB]  }
0x29: {  	s4 =	sld [smem:$0x3FAD]  }
0x2a: {  	p0 =	seq.s32 s5, $0x0;
	s5 =	sld [smem:$0x3FAE]  }
0x2b: {  	s6 =	sld [smem:$0x3FAF]  }
0x2c: {  	s7 =	sld [smem:$0x3FB0]  }
0x2d: {  	s3 =	simm.s32 $0x108;
	s8 =	sld [smem:$0x3FB1]  }
0x2e: {  	s3 =	simm.s32 @!p0 $0x1082;
	s9 =	sld [smem:$0x3FB2]  }
0x2f: {  	lr =	sadd.s32 s0, s3;
	s0 =	sld [smem:$0x3FA9]  }
0x30: {  	s3 =	sld [smem:$0x3FAC]  }
0x31: {  	[smem:$0x3FB5] =	sst s10  }
0x32: {  	s10 =	sld [smem:$0x3FB3];
	_ =	sdelay $0x3  }
0x33: {  	p0 =	seq.s32 s10, $0x1;
	s10 =	sld [smem:$0x3FB5];
	_ =	sdelay $0x3  }
0x34: {  	[smem:$0x3FB5] =	sst s10  }
0x35: {  	s10 =	sld [smem:$0x3FB4];
	_ =	sdelay $0x3  }
0x36: {  	p1 =	seq.s32 s10, $0x1;
	s10 =	sld [smem:$0x3FB5];
	_ =	sdelay $0x3  }
0x37: {  	[smem:$0x3FB5] =	sst s10  }
0x38: {  	s10 =	sld [smem:$0x3FB6]  }
0x39: {  	_ = 	snop;
	(pc) =	sbr.ind lr, $3  }
0x3a: {  	_ = 	snop  }
0x3b: {  	_ = 	snop  }
0x3c: {  	p2 =	seq.s32 s10, $0x1;
	s10 =	sld [smem:$0x3FB5]  }
0x3d: {  	_ =	shalt  }
0x3e: {  	_ =	shalt  }
0x3f: {  	_ =	shalt  }
0x40: {  	_ =	shalt  }
0x41: {  	_ =	shalt  }
0x42: {  	_ =	shalt  }
0x43: {  	_ =	shalt  }
0x44: {  	_ =	shalt  }
0x45: {  	_ =	shalt  }
0x46: {  	_ =	shalt  }
0x47: {  	_ =	shalt  }
0x48: {  	_ =	shalt  }
0x49: {  	_ =	shalt  }
0x4a: {  	_ =	shalt  }
0x4b: {  	_ =	shalt  }
0x4c: {  	_ =	shalt  }
0x4d: {  	_ =	shalt  }
0x4e: {  	_ =	shalt  }
0x4f: {  	_ =	shalt  }
0x50: {  	_ =	shalt  }
0x51: {  	_ =	shalt  }
0x52: {  	_ =	shalt  }
0x53: {  	_ =	shalt  }
0x54: {  	_ =	shalt  }
0x55: {  	_ =	shalt  }
0x56: {  	_ =	shalt  }
0x57: {  	_ =	shalt  }
0x58: {  	_ =	shalt  }
0x59: {  	_ =	shalt  }
0x5a: {  	_ =	shalt  }
0x5b: {  	_ =	shalt  }
0x5c: {  	_ =	shalt  }
0x5d: {  	_ =	shalt  }
0x5e: {  	_ =	shalt  }
0x5f: {  	_ =	shalt  }
0x60: {  	_ =	shalt  }
0x61: {  	_ =	shalt  }
0x62: {  	_ =	shalt  }
0x63: {  	_ =	shalt  }
0x64: {  	_ =	shalt  }
0x65: {  	_ =	shalt  }
0x66: {  	_ =	shalt  }
0x67: {  	_ =	shalt  }
0x68: {  	_ =	shalt  }
0x69: {  	_ =	shalt  }
0x6a: {  	_ =	shalt  }
0x6b: {  	_ =	shalt  }
0x6c: {  	_ =	shalt  }
0x6d: {  	_ =	shalt  }
0x6e: {  	_ =	shalt  }
0x6f: {  	_ =	shalt  }
0x70: {  	_ =	shalt  }
0x71: {  	_ =	shalt  }
0x72: {  	_ =	shalt  }
0x73: {  	_ =	shalt  }
0x74: {  	_ =	shalt  }
0x75: {  	_ =	shalt  }
0x76: {  	_ =	shalt  }
0x77: {  	_ =	shalt  }
0x78: {  	_ =	shalt  }
0x79: {  	_ =	shalt  }
0x7a: {  	_ =	shalt  }
0x7b: {  	_ =	shalt  }
0x7c: {  	_ =	shalt  }
0x7d: {  	_ =	shalt  }
0x7e: {  	_ =	shalt  }
0x7f: {  	_ =	shalt  }
0x80: {  	_ =	shalt  }
0x81: {  	_ =	shalt  }
0x82: {  	_ =	shalt  }
0x83: {  	_ =	shalt  }
0x84: {  	_ =	shalt  }
0x85: {  	_ =	shalt  }
0x86: {  	_ =	shalt  }
0x87: {  	_ =	shalt  }
.Lfunc_end0:
.L_simem_size_0:
called_computation.1_lowered:
.L_overlay_start_0:
0x88: {  	s2 =	sld [smem:$0x3FD9]  }
0x89: {  	s3 =	sld [smem:$0x3FFE];
	_ =	sdelay $0x1  }
0x8a: {  	s1 =	srdreg.scid  }
0x8b: {  	s0 =	sand.u32 $0x1, s1  }
0x8c: {  	s14 =	sshll.u32 s0, $0xA;
	s2 =	sadd.s32 s3, s2  }
0x8d: {  	s2 =	sadd.s32 s2, s14  }
0x8e: {  	[smem:$0x3FC1] =	sst s2  }
0x8f: {  	_ = 	snop  }
0x90: {  	s2 =	sld [smem:$0x3FD0];
	_ =	sdelay $0x2  }
0x91: {  	s15 =	simm.s32 $0xB;
	s4 =	simm.s32 $0x10  }
0x92: {  	[smem:s4], [sflag:s15] =	dma.local [hbm:s2], $0x1  }
0x93: {  	_ =	swait.eq [sflag:s15], $0x1  }
0x94: {  	[sflag:s15] =	ssyncset.done $0x0  }
0x95: {  	s16 =	sld [smem:$0x10];
	[sflag:s15] =	ssyncadd.s32 $0xFFFFFFFF  }
0x96: {  	s17 =	sld [smem:$0x11];
	(tm) =	ssettm $0x1  }
0x97: {  	s18 =	sld [smem:$0x3FFB];
	_ =	sdelay $0x3  }
0x98: {  	_ =	strace s18  }
0x99: {  	s4 =	sld [smem:$0x3FFC];
	_ =	sdelay $0x3  }
0x9a: {  	_ =	strace s4  }
0x9b: {  	s4 =	sld [smem:$0x3FFD];
	_ =	sdelay $0x3  }
0x9c: {  	_ =	strace s4  }
0x9d: {  	_ =	strace $0x8FFFFFFF  }
0x9e: {  	s19 =	sld [smem:$0x3FDB];
	_ =	sdelay $0x1  }
0x9f: {  	s5 =	simm.s32 $_scs_section_size  }
0xa0: {  	s6 =	simm.s32 $_size__tile_overlayer_lowered;
	s7 =	simm.s32 $_tile_overlayer_lowered  }
0xa1: {  	s22 =	simm.s32 $0x1BFF;
	s21 =	sshll.u32 s7, $0x1;
	s4 =	sadd.s32 s5, s19  }
0xa2: {  	s8 =	simm.s32 $0x0;
	s20 =	sshll.u32 s6, $0x1;
	s6 =	sadd.s32 s21, s4  }
0xa3: {  	[timem:s8], [sflag:s22] =	dma.local [hbm:s6], s20  }
0xa4: {  	_ =	swait.ge [sflag:s22], s20  }
0xa5: {  	s5 =	ssub.s32 $0x0, s20;
	[sflag:s22] =	ssyncset.done $0x0  }
0xa6: {  	[sflag:s22] =	ssyncadd.s32 s5;
	_ =	sdelay $0x1  }
0xa7: {  	s23 =	simm.s32 $0x1B8B  }
0xa8: {  	_ =	swait.ge [sflag:s23], $0x1  }
0xa9: {  	[sflag:s23] =	ssyncset.done $0x0  }
0xaa: {  	s25 =	simm.s32 $0x1B8E;
	s24 =	sld [smem:$0x3FFE];
	[sflag:s23] =	ssyncadd.s32 $0xFFFFFFFF  }
0xab: {  	s26 =	simm.s32 $execute0_lowered;
	[smem:$0x3FD2] =	sst s25  }
0xac: {  	s6 =	sshll.u32 s26, $0x1;
	_ =	strace $0x80000046;
	[dreg:$0x1] =	wrdreg $0xFFFFFFFF  }
0xad: {  	s28 =	simm.s32 $_size_execute0_lowered;
	s4 =	sadd.s32 s4, s6;
	[dreg:$0x0] =	wrdreg $0x0  }
0xae: {  	s6 =	sshll.u32 s28, $0x1;
	[dreg:$0x2] =	wrdreg s4  }
0xaf: {  	[dreg:$0x3] =	wrdreg s6  }
0xb0: {  	[dreg:$0x4] =	wrdreg $0xC0  }
0xb1: {  	_ =	task [dreg:s8], $0x5FFFF  }
0xb2: {  	[dreg:$0x1] =	wrdreg $0xFFFFFFFF  }
0xb3: {  	[dreg:$0x0] =	wrdreg $0x60  }
0xb4: {  	[dreg:$0x2] =	wrdreg s16  }
0xb5: {  	[dreg:$0x3] =	wrdreg s24  }
0xb6: {  	[dreg:$0x4] =	wrdreg s17  }
0xb7: {  	[dreg:$0x5] =	wrdreg $0xC2000  }
0xb8: {  	[dreg:$0x6] =	wrdreg $0xA  }
0xb9: {  	_ =	task.clear_ibuf [dreg:s8], $0x7FFFF;
	_ =	strace $0x90000046  }
0xba: {  	s29 =	simm.s32 $0xA;
	_ =	strace $0x80000048  }
0xbb: {  	_ =	swait.ge [sflag:s29], $0x1  }
0xbc: {  	[sflag:s29] =	ssyncadd.s32 $0xFFFFFFFF  }
0xbd: {  	_ =	strace $0x90000048  }
0xbe: {  	_ =	sfence  }
0xbf: {  	s30 =	sld [smem:$0x0];
	_ =	sdelay $0x2  }
0xc0: {  	s31 =	sshll.u32 s1, $0xD;
	s1 =	sshrl.u32 s1, $0x2  }
0xc1: {  	s3 =	sand.u32 $0x4000, s31;
	s1 =	sadd.s32 s1, s30  }
0xc2: {  	s0 =	sor.u32 s3, s0;
	s1 =	sshll.u32 s1, $0x11  }
0xc3: {  	s0 =	sor.u32 s1, s0  }
0xc4: {  	s0 =	sadd.s32 $0x8F2B, s0  }
0xc5: {  	[sflag:s0] =	ssyncadd.remote.s32 $0x1  }
0xc6: {  	_ =	sfence.sel $0xFFFF  }
0xc7: {  	[dreg:$0x0] =	wrdreg $0xFFFFFFFF;
	(pc) =	sbr.abs _section_cstart, $3  }
0xc8: {  	[dreg:$0x1] =	wrdreg $0xFFFFFFFF  }
0xc9: {  	_ =	task.clear_ibuf [dreg:s8], $0x2FFFF;
	_ =	strace $0x9FFFFFFF  }
0xca: {  	(tm) =	ssettm $0x7FFFFFFF  }
0xcb: {  	_ =	shalt  }
tec
execute0_lowered:
.L_overlay_start_1:
0x0: {  	(tag) =	ssettag $0x1  }
0x1: {  	s1 =	rddreg [dreg:$0x0]  }
0x2: {  	s0 =	rddreg [dreg:$0x1]  }
0x3: {  	s2 =	rddreg [dreg:$0x2]  }
0x4: {  	s3 =	rddreg [dreg:$0x3];
	s5 =	simm.s32 $0x0  }
0x5: {  	s4 =	srdreg.scid;
	s14 =	stileid.u32;
	s29 =	simm.s32 $0x8200  }
0x6: {  	s30 =	simm.s32 $0x9;
	[smem:$0x7FF] =	sst s5;
	s7 =	smul.u32 $0x2780, s14  }
0x7: {  	s4 =	sand.u32 $0x1, s4;
	s6 =	sshll.u32 s14, $0x1;
	s9 =	smul.u32 $0x4F000, s14  }
0x8: {  	p0 =	slt.u32 s14, $0x2;
	s14 =	simm.s32 $0x6;
	s11 =	smul.u32 $0x27800, s4  }
0x9: {  	_ =	strace $0x80000047;
	s8 =	sor.u32 s4, s6;
	s9 =	sshrl.u32 s9, $0x2  }
0xa: {  	s12 =	ssub.s32 $0x2, s4;
	s11 =	sadd.s32 s7, s11;
	s7 =	sadd.s32 s9, s3  }
0xb: {  	s6 =	sadd.s32 $0x3E00, s0;
	s13 =	sshrl.u32 s12, $0x1;
	s31 =	sadd.s32 $0x2000, s7  }
0xc: {  	s26 =	ssub.s32 s12, s13;
	s12 =	sadd.s32 $0x4000, s7;
	[dreg:$0x5] =	wrdreg s31  }
0xd: {  	s10 =	sshll.u32 s8, $0xA;
	s13 =	sadd.s32 $0x6000, s7;
	[dreg:$0x6] =	wrdreg s12  }
0xe: {  	s10 =	sadd.s32 s10, s0;
	s15 =	sadd.s32 $0x8000, s7;
	[dreg:$0x7] =	wrdreg s13  }
0xf: {  	s9 =	simm.s32 $0x1;
	s16 =	sadd.s32 $0xA000, s7;
	[dreg:$0x8] =	wrdreg s15  }
0x10: {  	s0 =	sadd.s32 s11, s0;
	s17 =	sadd.s32 $0xC000, s7;
	[dreg:$0x9] =	wrdreg s16  }
0x11: {  	s18 =	sadd.s32 $0xE000, s7;
	s19 =	sadd.s32 $0x10000, s7;
	[dreg:$0xa] =	wrdreg s17  }
0x12: {  	s20 =	sadd.s32 $0x12000, s7;
	s23 =	sadd.s32 $0x27EC00, s10;
	[dreg:$0xb] =	wrdreg s18  }
0x13: {  	s26 =	smax.u32 s26, $0x1;
	s10 =	simm.s32 $0x3;
	[dreg:$0xc] =	wrdreg s19  }
0x14: {  	s11 =	simm.s32 $0x5;
	[dreg:$0xd] =	wrdreg s20;
	s17 =	sshll.u32 s8, $0x7  }
0x15: {  	s18 =	sshll.u32 s4, $0x6;
	s19 =	simm.s32 $0x4F;
	s0 =	sadd.s32 $0x2B000, s0  }
0x16: {  	[dreg:$0x12] =	wrdreg s26;
	s12 =	simm.s32 $0x2;
	s13 =	simm.s32 $0x4  }
0x17: {  	s15 =	simm.s32 $0xA200;
	s8 =	sand.u32 $0xF00, s17;
	s21 =	sor.u32 s18, s17  }
0x18: {  	[dreg:$0x11] =	wrdreg s0;
	s4 =	sor.u32 s18, s8;
	s8 =	sshrl.u32 s21, $0x3  }
0x19: {  	s4 =	sshrl.u32 s4, $0x3;
	s24 =	sor.u32 $0x10, s8;
	s8 =	sor.u32 $0x210, s8  }
.Ltmp0:
0x1a: {  	s22 =	sadd.s32 s2, s4;
	s4 =	sadd.s32 s2, s24;
	(pc) =	sbr.rel .LBB2_1-.Ltmp0, $4  }
0x1b: {  	s16 =	simm.s32 $0x0;
	s25 =	sadd.s32 s2, s8;
	[dreg:$0xf] =	wrdreg s4  }
0x1c: {  	s19 =	simm.s32 @!p0 $0x4E;
	s0 =	simm.s32 $0x80;
	[dreg:$0x10] =	wrdreg s25  }
0x1d: {  	s28 =	sadd.s32 $0xFFFFFFFF, s19;
	[dreg:$0xe] =	wrdreg s22;
	s31 =	sadd.s32 $0x200, s22  }
0x1e: {  	v0 =	vimm.f32 $0.0e+00;
	s8 =	simm.s32 $0x40;
	s4 =	simm.s32 $0x7;
	[dreg:$0x13] =	wrdreg s31  }
.LBB2_13:
0x1f: {  	s20 =	stileid.u32  }
0x20: {  	[bflag:$0x0] =	sbarrier.arrive $0xFFFF;
	s20 =	sshll.u32 s20, $0x6  }
0x21: {  	s21 =	sshrl.u32 s7, $0x3;
	s22 =	rddreg [dreg:$0x11];
	s20 =	sor.u32 $0x1C09, s20  }
0x22: {  	[hbm:s22], [sflag:s20] =	dma.local [spmem:s21], $0x2780  }
0x23: {  	_ =	swait.ge [sflag:s30], $0x2780  }
0x24: {  	s16 =	sadd.s32 $0x1, s16;
	s31 =	rddreg [dreg:$0x12]  }
0x25: {  	p0 =	sne.s32 s16, s31  }
.Ltmp1:
0x26: {  	_ = 	snop;
	(pc) =	sbr.rel @!p0 .LBB2_14-.Ltmp1, $3  }
0x27: {  	_ =	sdelay $0x1  }
0x28: {  	[sflag:s30] =	ssyncset.done $0x0  }
0x29: {  	[sflag:s30] =	ssyncadd.s32 $0xFFFFD880  }
.LBB2_1:
0x2a: {  	s21 =	simm.s32 $0x0;
	s22 =	simm.s32 $0x200  }
.LBB2_2:
0x2b: {  	p0 =	sne.s32 s22, $0x7E00;
	[tilespmem:s21+$0x8270] =	vst v0  }
0x2c: {  	[tilespmem:s21+$0x8200] =	vst v0  }
0x2d: {  	[tilespmem:s21+$0x8210] =	vst v0  }
.Ltmp2:
0x2e: {  	[tilespmem:s21+$0x8220] =	vst v0;
	(pc) =	sbr.rel @p0 .LBB2_2-.Ltmp2, $4  }
0x2f: {  	[tilespmem:s21+$0x8230] =	vst v0  }
0x30: {  	[tilespmem:s21+$0x8240] =	vst v0  }
0x31: {  	[tilespmem:s21+$0x8250] =	vst v0  }
0x32: {  	[tilespmem:s21+$0x8260] =	vst v0;
	s21 =	sshra.s32 s22, $0x2;
	s22 =	sadd.s32 $0x200, s22  }
0x33: {  	[tilespmem:s21+$0x8270] =	vst v0  }
0x34: {  	[tilespmem:s21+$0x8200] =	vst v0  }
0x35: {  	[tilespmem:s21+$0x8210] =	vst v0  }
0x36: {  	[tilespmem:s21+$0x8220] =	vst v0  }
0x37: {  	[tilespmem:s21+$0x8230] =	vst v0  }
0x38: {  	[tilespmem:s21+$0x8240] =	vst v0  }
0x39: {  	[tilespmem:s21+$0x8250] =	vst v0  }
0x3a: {  	[tilespmem:s21+$0x8260] =	vst v0  }
0x3b: {  	[spmem:s7] =	stream.linear.scatter [tilespmem:s29], [sflag:$0x9], $0x2000, $0x38;
	[tilespmem:$0x1FE00] =	vst v63  }
0x3c: {  	_ =	swait.ge [sflag:s30], $0x2000  }
0x3d: {  	[sflag:s30] =	ssyncset.done $0x0  }
0x3e: {  	s20 =	rddreg [dreg:$0x5];
	[sflag:s30] =	ssyncadd.s32 $0xFFFFE000  }
0x3f: {  	[spmem:s20] =	stream.linear.scatter [tilespmem:s29], [sflag:$0x9], $0x2000, $0x38;
	[tilespmem:$0x1FE00] =	vst v63  }
0x40: {  	_ =	swait.ge [sflag:s30], $0x2000  }
0x41: {  	[sflag:s30] =	ssyncset.done $0x0  }
0x42: {  	s24 =	rddreg [dreg:$0x6];
	[sflag:s30] =	ssyncadd.s32 $0xFFFFE000  }
0x43: {  	[spmem:s24] =	stream.linear.scatter [tilespmem:s29], [sflag:$0x9], $0x2000, $0x38;
	[tilespmem:$0x1FE00] =	vst v63  }
0x44: {  	_ =	swait.ge [sflag:s30], $0x2000  }
0x45: {  	[sflag:s30] =	ssyncset.done $0x0  }
0x46: {  	s25 =	rddreg [dreg:$0x7];
	[sflag:s30] =	ssyncadd.s32 $0xFFFFE000  }
0x47: {  	[spmem:s25] =	stream.linear.scatter [tilespmem:s29], [sflag:$0x9], $0x2000, $0x38;
	[tilespmem:$0x1FE00] =	vst v63  }
0x48: {  	_ =	swait.ge [sflag:s30], $0x2000  }
0x49: {  	[sflag:s30] =	ssyncset.done $0x0  }
0x4a: {  	s26 =	rddreg [dreg:$0x8];
	[sflag:s30] =	ssyncadd.s32 $0xFFFFE000  }
0x4b: {  	[spmem:s26] =	stream.linear.scatter [tilespmem:s29], [sflag:$0x9], $0x2000, $0x38;
	[tilespmem:$0x1FE00] =	vst v63  }
0x4c: {  	_ =	swait.ge [sflag:s30], $0x2000  }
0x4d: {  	[sflag:s30] =	ssyncset.done $0x0  }
0x4e: {  	s31 =	rddreg [dreg:$0x9];
	[sflag:s30] =	ssyncadd.s32 $0xFFFFE000  }
0x4f: {  	[spmem:s31] =	stream.linear.scatter [tilespmem:s29], [sflag:$0x9], $0x2000, $0x38;
	[tilespmem:$0x1FE00] =	vst v63  }
0x50: {  	_ =	swait.ge [sflag:s30], $0x2000  }
0x51: {  	[sflag:s30] =	ssyncset.done $0x0  }
0x52: {  	s21 =	rddreg [dreg:$0xa];
	[sflag:s30] =	ssyncadd.s32 $0xFFFFE000  }
0x53: {  	[spmem:s21] =	stream.linear.scatter [tilespmem:s29], [sflag:$0x9], $0x2000, $0x38;
	[tilespmem:$0x1FE00] =	vst v63  }
0x54: {  	_ =	swait.ge [sflag:s30], $0x2000  }
0x55: {  	[sflag:s30] =	ssyncset.done $0x0  }
0x56: {  	s22 =	rddreg [dreg:$0xb];
	[sflag:s30] =	ssyncadd.s32 $0xFFFFE000  }
0x57: {  	[spmem:s22] =	stream.linear.scatter [tilespmem:s29], [sflag:$0x9], $0x2000, $0x38;
	[tilespmem:$0x1FE00] =	vst v63  }
0x58: {  	_ =	swait.ge [sflag:s30], $0x2000  }
0x59: {  	[sflag:s30] =	ssyncset.done $0x0  }
0x5a: {  	s24 =	rddreg [dreg:$0xc];
	[sflag:s30] =	ssyncadd.s32 $0xFFFFE000  }
0x5b: {  	[spmem:s24] =	stream.linear.scatter [tilespmem:s29], [sflag:$0x9], $0x2000, $0x38;
	[tilespmem:$0x1FE00] =	vst v63  }
0x5c: {  	_ =	swait.ge [sflag:s30], $0x2000  }
0x5d: {  	[sflag:s30] =	ssyncset.done $0x0  }
0x5e: {  	s25 =	rddreg [dreg:$0xd];
	[sflag:s30] =	ssyncadd.s32 $0xFFFFE000  }
0x5f: {  	[spmem:s25] =	stream.linear.scatter [tilespmem:s29], [sflag:$0x9], $0x1C00, $0x38;
	[tilespmem:$0x1FE00] =	vst v63  }
0x60: {  	_ =	swait.ge [sflag:s30], $0x1C00  }
0x61: {  	[sflag:s30] =	ssyncset.done $0x0  }
0x62: {  	[sflag:s30] =	ssyncadd.s32 $0xFFFFE400  }
0x63: {  	[bflag:$0x0] =	sbarrier.arrive $0xFFFF  }
0x64: {  	s21 =	simm.s32 $0x0;
	s26 =	rddreg [dreg:$0xe]  }
0x65: {  	[tilespmem:s21], [sflag:$0x7] =	stream.linear.gather [hbm4b:s26+s21], $0x40, $0x38;
	[tilespmem:$0x1FE00] =	vst v63  }
0x66: {  	s22 =	simm.s32 $0x100;
	s31 =	rddreg [dreg:$0xf]  }
0x67: {  	[tilespmem:s22], [sflag:$0x7] =	stream.linear.gather [hbm4b:s31+s21], $0x40, $0x38;
	[tilespmem:$0x1FE00] =	vst v63  }
0x68: {  	s24 =	rddreg [dreg:$0x13]  }
0x69: {  	[tilespmem:s0], [sflag:$0x8] =	stream.linear.gather [hbm4b:s24+s21], $0x40, $0x38;
	[tilespmem:$0x1FE00] =	vst v63  }
0x6a: {  	s25 =	rddreg [dreg:$0x10];
	s24 =	simm.s32 $0x180  }
0x6b: {  	[tilespmem:s24], [sflag:$0x8] =	stream.linear.gather [hbm4b:s25+s21], $0x40, $0x38;
	[tilespmem:$0x1FE00] =	vst v63  }
0x6c: {  	_ =	swait.ge [sflag:s4], $0x40  }
0x6d: {  	[sflag:s4] =	ssyncset.done $0x0  }
0x6e: {  	[sflag:s4] =	ssyncadd.s32 $0xFFFFFFC0  }
0x6f: {  	_ =	swait.ge [sflag:s4], $0x40  }
0x70: {  	[sflag:s4] =	ssyncset.done $0x0  }
0x71: {  	s26 =	simm.s32 $0x200;
	[sflag:s4] =	ssyncadd.s32 $0xFFFFFFC0  }
0x72: {  	[tilespmem:s26], [sflag:$0x1] =	stream.indirect.gather [hbm4b:s1+s8], $0x80, s21, s8, $0xb8;
	[tilespmem:$0x1FE00] =	vst v63  }
.Ltmp3:
0x73: {  	_ = 	snop;
	(pc) =	sbr.rel .LBB2_4-.Ltmp3, $4  }
0x74: {  	s31 =	simm.s32 $0x4200  }
0x75: {  	[tilespmem:s31], [sflag:$0x3] =	stream.indirect.gather [hbm4b:s6+s8], $0x80, s22, s8, $0xb8;
	[tilespmem:$0x1FE00] =	vst v63  }
0x76: {  	_ = 	snop  }
0x77: {  	[tilespmem:s29], [sflag:$0x5] =	stream.linear.gather [hbm4b:s23+s21], $0x2000, $0x38;
	[tilespmem:$0x1FE00] =	vst v63  }
.LBB2_12:
0x78: {  	s21 =	sadd.s32 $0x1, s21  }
0x79: {  	p0 =	sne.s32 s21, $0x28  }
.Ltmp4:
0x7a: {  	_ = 	snop;
	(pc) =	sbr.rel @!p0 .LBB2_13-.Ltmp4, $1  }
0x7b: {  	_ =	sdelay $0x3  }
.LBB2_4:
0x7c: {  	s31 =	sshll.u32 s21, $0x1  }
0x7d: {  	p0 =	sge.u32 s31, s19  }
.Ltmp5:
0x7e: {  	_ = 	snop;
	(pc) =	sbr.rel @p0 .LBB2_8-.Ltmp5, $1  }
0x7f: {  	_ =	sdelay $0x3  }
0x80: {  	s22 =	sor.u32 $0x1, s31  }
0x81: {  	p0 =	sge.u32 s22, s19  }
0x82: {  	s24 =	simm.s32 @!p0 $0x8  }
0x83: {  	_ =	swait.ge @!p0 [sflag:s24], $0x40  }
0x84: {  	[sflag:s24] =	ssyncset.done @!p0 $0x0  }
0x85: {  	[sflag:s24] =	ssyncadd.s32 @!p0 $0xFFFFFFC0  }
0x86: {  	_ =	swait.ge @!p0 [sflag:s24], $0x40  }
0x87: {  	s25 =	simm.s32 @!p0 $0x80;
	[sflag:s24] =	ssyncset.done @!p0 $0x0  }
0x88: {  	s26 =	simm.s32 @!p0 $0x2200;
	[sflag:s24] =	ssyncadd.s32 @!p0 $0xFFFFFFC0;
	s24 =	simm.s32 @!p0 $0x40  }
0x89: {  	[tilespmem:s26], [sflag:$0x2] =	stream.indirect.gather @!p0 [hbm4b:s1+s24], $0x80, s25, s24, $0xb8;
	[tilespmem:$0x1FE00] =	vst v63  }
0x8a: {  	s22 =	sshll.u32 @!p0 s22, $0xF;
	s25 =	simm.s32 @!p0 $0x180;
	s26 =	simm.s32 @!p0 $0x6200  }
0x8b: {  	[tilespmem:s26], [sflag:$0x4] =	stream.indirect.gather @!p0 [hbm4b:s6+s24], $0x80, s25, s24, $0xb8;
	[tilespmem:$0x1FE00] =	vst v63  }
0x8c: {  	s22 =	sadd.s32 @!p0 s22, s23;
	s24 =	simm.s32 @!p0 $0x0;
	s25 =	simm.s32 @!p0 $0xA200  }
0x8d: {  	[tilespmem:s25], [sflag:$0x6] =	stream.linear.gather @!p0 [hbm4b:s22+s24], $0x2000, $0x38;
	[tilespmem:$0x1FE00] =	vst v63  }
0x8e: {  	_ =	swait.ge [sflag:s9], $0x2000  }
0x8f: {  	[sflag:s9] =	ssyncset.done $0x0  }
0x90: {  	[sflag:s9] =	ssyncadd.s32 $0xFFFFE000  }
0x91: {  	_ =	swait.ge [sflag:s10], $0x2000  }
0x92: {  	[sflag:s10] =	ssyncset.done $0x0  }
0x93: {  	[sflag:s10] =	ssyncadd.s32 $0xFFFFE000  }
0x94: {  	_ =	swait.ge [sflag:s11], $0x2000  }
0x95: {  	[sflag:s11] =	ssyncset.done $0x0  }
0x96: {  	s22 =	simm.s32 $0x0;
	[sflag:s11] =	ssyncadd.s32 $0xFFFFE000  }
0x97: {  	v13 =	vld [tilespmem:s22+$0x200]  }
0x98: {  	v18 =	vld [tilespmem:s22+$0x4200]  }
0x99: {  	v20 =	vld [tilespmem:s22+$0x210]  }
0x9a: {  	v21 =	vld [tilespmem:s22+$0x4210]  }
0x9b: {  	v6 =	vld [tilespmem:s22+$0x220]  }
0x9c: {  	v10 =	vld [tilespmem:s22+$0x4220]  }
0x9d: {  	v8 =	vld [tilespmem:s22+$0x230]  }
0x9e: {  	v12 =	vld [tilespmem:s22+$0x4230]  }
0x9f: {  	v9 =	vld [tilespmem:s22+$0x240]  }
0xa0: {  	v11 =	vld [tilespmem:s22+$0x4240]  }
0xa1: {  	v5 =	vld [tilespmem:s22+$0x250]  }
0xa2: {  	v7 =	vld [tilespmem:s22+$0x4250]  }
0xa3: {  	v3 =	vld [tilespmem:s22+$0x260]  }
0xa4: {  	v4 =	vld [tilespmem:s22+$0x4260]  }
0xa5: {  	v1 =	vld [tilespmem:s22+$0x270]  }
0xa6: {  	v2 =	vld [tilespmem:s22+$0x4270]  }
0xa7: {  	v17 =	vld [tilespmem:s22+$0x8200]  }
0xa8: {  	v16 =	vld [tilespmem:s22+$0x8210]  }
0xa9: {  	v15 =	vld [tilespmem:s22+$0x8220]  }
0xaa: {  	v14 =	vld [tilespmem:s22+$0x8230];
	v19 =	vadd.f32 v18, v13  }
0xab: {  	s24 =	simm.s32 $0x200;
	v18 =	vadd.f32 v21, v20;
	v13 =	vld [tilespmem:s22+$0x8240]  }
.LBB2_6:
0xac: {  	p0 =	sne.s32 s24, $0x7E00;
	v17 =	vadd.f32 v17, v19;
	v6 =	vadd.f32 v10, v6;
	v10 =	vld [tilespmem:s22+$0x8250]  }
0xad: {  	v8 =	vadd.f32 v12, v8;
	v16 =	vadd.f32 v16, v18;
	v12 =	vld [tilespmem:s22+$0x8260]  }
0xae: {  	s25 =	sshra.s32 s24, $0x2;
	v9 =	vadd.f32 v11, v9;
	v17 =	vmax.f32 v17, $0.0e+00;
	v6 =	vadd.f32 v15, v6;
	v11 =	vld [tilespmem:s22+$0x8270]  }
0xaf: {  	v5 =	vadd.f32 v7, v5;
	v18 =	vld [tilespmem:s25+$0x200];
	[tilespmem:s22+$0x8200] =	vst v17;
	v15 =	vmax.f32 v16, $0.0e+00;
	v8 =	vadd.f32 v14, v8  }
0xb0: {  	v3 =	vadd.f32 v4, v3;
	v14 =	vld [tilespmem:s25+$0x4200];
	[tilespmem:s22+$0x8210] =	vst v15;
	v6 =	vmax.f32 v6, $0.0e+00;
	v7 =	vadd.f32 v13, v9  }
0xb1: {  	v1 =	vadd.f32 v2, v1;
	v13 =	vld [tilespmem:s25+$0x210];
	[tilespmem:s22+$0x8220] =	vst v6;
	v4 =	vmax.f32 v8, $0.0e+00;
	v5 =	vadd.f32 v10, v5  }
0xb2: {  	v20 =	vld [tilespmem:s25+$0x4210];
	[tilespmem:s22+$0x8230] =	vst v4;
	v2 =	vmax.f32 v7, $0.0e+00;
	v3 =	vadd.f32 v12, v3  }
0xb3: {  	v6 =	vld [tilespmem:s25+$0x220];
	[tilespmem:s22+$0x8240] =	vst v2;
	v2 =	vmax.f32 v5, $0.0e+00;
	v1 =	vadd.f32 v11, v1  }
0xb4: {  	v10 =	vld [tilespmem:s25+$0x4220];
	[tilespmem:s22+$0x8250] =	vst v2;
	v2 =	vmax.f32 v3, $0.0e+00  }
0xb5: {  	v8 =	vld [tilespmem:s25+$0x230];
	[tilespmem:s22+$0x8260] =	vst v2;
	v1 =	vmax.f32 v1, $0.0e+00  }
0xb6: {  	v12 =	vld [tilespmem:s25+$0x4230];
	[tilespmem:s22+$0x8270] =	vst v1;
	s22 =	smov.u32 s25  }
0xb7: {  	v9 =	vld [tilespmem:s22+$0x240]  }
0xb8: {  	v11 =	vld [tilespmem:s22+$0x4240]  }
0xb9: {  	v5 =	vld [tilespmem:s22+$0x250]  }
0xba: {  	v7 =	vld [tilespmem:s22+$0x4250]  }
0xbb: {  	v3 =	vld [tilespmem:s22+$0x260]  }
0xbc: {  	v4 =	vld [tilespmem:s22+$0x4260]  }
0xbd: {  	v1 =	vld [tilespmem:s22+$0x270]  }
0xbe: {  	v2 =	vld [tilespmem:s22+$0x4270]  }
.Ltmp6:
0xbf: {  	v17 =	vld [tilespmem:s22+$0x8200];
	(pc) =	sbr.rel @p0 .LBB2_6-.Ltmp6, $4  }
0xc0: {  	v16 =	vld [tilespmem:s22+$0x8210]  }
0xc1: {  	v15 =	vld [tilespmem:s22+$0x8220]  }
0xc2: {  	v19 =	vadd.f32 v14, v18;
	v14 =	vld [tilespmem:s22+$0x8230]  }
0xc3: {  	s24 =	sadd.s32 $0x200, s24;
	v18 =	vadd.f32 v20, v13;
	v13 =	vld [tilespmem:s22+$0x8240]  }
0xc4: {  	v17 =	vadd.f32 v17, v19;
	v6 =	vadd.f32 v10, v6;
	v58 =	vld [tilespmem:s22+$0x8250]  }
0xc5: {  	v8 =	vadd.f32 v12, v8;
	v60 =	vld [tilespmem:s22+$0x8270];
	v16 =	vadd.f32 v16, v18  }
0xc6: {  	v59 =	vld [tilespmem:s22+$0x8260];
	v9 =	vadd.f32 v11, v9;
	v17 =	vmax.f32 v17, $0.0e+00;
	v6 =	vadd.f32 v15, v6  }
0xc7: {  	v5 =	vadd.f32 v7, v5;
	[tilespmem:s22+$0x8200] =	vst v17;
	v61 =	vmax.f32 v16, $0.0e+00;
	v8 =	vadd.f32 v14, v8  }
0xc8: {  	v1 =	vadd.f32 v2, v1;
	[tilespmem:s22+$0x8210] =	vst v61;
	v6 =	vmax.f32 v6, $0.0e+00;
	v62 =	vadd.f32 v13, v9  }
0xc9: {  	v3 =	vadd.f32 v4, v3;
	[tilespmem:s22+$0x8220] =	vst v6;
	v63 =	vmax.f32 v8, $0.0e+00;
	v5 =	vadd.f32 v58, v5  }
0xca: {  	v1 =	vadd.f32 v60, v1;
	[tilespmem:s22+$0x8230] =	vst v63;
	v2 =	vmax.f32 v62, $0.0e+00  }
0xcb: {  	v3 =	vadd.f32 v59, v3;
	[tilespmem:s22+$0x8240] =	vst v2;
	v2 =	vmax.f32 v5, $0.0e+00  }
0xcc: {  	v1 =	vmax.f32 v1, $0.0e+00;
	[tilespmem:s22+$0x8250] =	vst v2  }
0xcd: {  	v2 =	vmax.f32 v3, $0.0e+00;
	[tilespmem:s22+$0x8270] =	vst v1  }
0xce: {  	[tilespmem:s22+$0x8260] =	vst v2;
	s22 =	sadd.s32 $0x2, s31  }
0xcf: {  	[spmem:s3] =	stream.indirect.scatter.add.f32 [tilespmem:s29], [sflag:$0x9], $0x80, s5, s8, $0xb8;
	[tilespmem:$0x1FE00] =	vst v63  }
0xd0: {  	p0 =	sge.u32 s22, s19  }
0xd1: {  	s22 =	sshll.u32 @!p0 s22, $0xC  }
0xd2: {  	s22 =	sor.u32 @!p0 s17, s22  }
0xd3: {  	_ =	swait.ge [sflag:s30], $0x2000;
	s24 =	sand.u32 @!p0 $0xFEF00, s22  }
0xd4: {  	s25 =	simm.s32 @!p0 $0x0;
	s22 =	sor.u32 @!p0 s18, s22;
	s24 =	sor.u32 @!p0 s18, s24  }
0xd5: {  	[sflag:s30] =	ssyncset.done $0x0;
	s22 =	sshrl.u32 @!p0 s22, $0x3;
	s24 =	sshrl.u32 @!p0 s24, $0x3  }
0xd6: {  	[sflag:s30] =	ssyncadd.s32 $0xFFFFE000;
	s22 =	sor.u32 @!p0 $0x10, s22;
	s24 =	sadd.s32 @!p0 s2, s24  }
0xd7: {  	[tilespmem:s25], [sflag:$0x7] =	stream.linear.gather @!p0 [hbm4b:s24+s25], $0x40, $0x38;
	[tilespmem:$0x1FE00] =	vst v63  }
0xd8: {  	s22 =	sadd.s32 @!p0 s2, s22;
	s24 =	simm.s32 @!p0 $0x100  }
0xd9: {  	[tilespmem:s24], [sflag:$0x7] =	stream.linear.gather @!p0 [hbm4b:s22+s25], $0x40, $0x38;
	[tilespmem:$0x1FE00] =	vst v63  }
.LBB2_8:
0xda: {  	p0 =	sge.u32 s31, s28  }
.Ltmp7:
0xdb: {  	_ = 	snop;
	(pc) =	sbr.rel @p0 .LBB2_12-.Ltmp7, $1  }
0xdc: {  	_ =	sdelay $0x3  }
0xdd: {  	s22 =	sadd.s32 $0x2, s31  }
0xde: {  	p0 =	sge.u32 s22, s19  }
0xdf: {  	s24 =	simm.s32 @!p0 $0x7  }
0xe0: {  	_ =	swait.ge @!p0 [sflag:s24], $0x40  }
0xe1: {  	[sflag:s24] =	ssyncset.done @!p0 $0x0  }
0xe2: {  	[sflag:s24] =	ssyncadd.s32 @!p0 $0xFFFFFFC0  }
0xe3: {  	_ =	swait.ge @!p0 [sflag:s24], $0x40  }
0xe4: {  	s25 =	simm.s32 @!p0 $0x0;
	[sflag:s24] =	ssyncset.done @!p0 $0x0  }
0xe5: {  	s26 =	simm.s32 @!p0 $0x200;
	[sflag:s24] =	ssyncadd.s32 @!p0 $0xFFFFFFC0;
	s24 =	simm.s32 @!p0 $0x40  }
0xe6: {  	[tilespmem:s26], [sflag:$0x1] =	stream.indirect.gather @!p0 [hbm4b:s1+s24], $0x80, s25, s24, $0xb8;
	[tilespmem:$0x1FE00] =	vst v63  }
0xe7: {  	s20 =	simm.s32 @!p0 $0x4200;
	s26 =	simm.s32 @!p0 $0x100  }
0xe8: {  	[tilespmem:s20], [sflag:$0x3] =	stream.indirect.gather @!p0 [hbm4b:s6+s24], $0x80, s26, s24, $0xb8;
	[tilespmem:$0x1FE00] =	vst v63  }
0xe9: {  	s20 =	sshll.u32 @!p0 s22, $0xF  }
0xea: {  	s22 =	simm.s32 @!p0 $0x8200;
	s20 =	sadd.s32 @!p0 s20, s23  }
0xeb: {  	[tilespmem:s22], [sflag:$0x5] =	stream.linear.gather @!p0 [hbm4b:s20+s25], $0x2000, $0x38;
	[tilespmem:$0x1FE00] =	vst v63  }
0xec: {  	_ =	swait.ge [sflag:s12], $0x2000  }
0xed: {  	[sflag:s12] =	ssyncset.done $0x0  }
0xee: {  	[sflag:s12] =	ssyncadd.s32 $0xFFFFE000  }
0xef: {  	_ =	swait.ge [sflag:s13], $0x2000  }
0xf0: {  	[sflag:s13] =	ssyncset.done $0x0  }
0xf1: {  	[sflag:s13] =	ssyncadd.s32 $0xFFFFE000  }
0xf2: {  	_ =	swait.ge [sflag:s14], $0x2000  }
0xf3: {  	[sflag:s14] =	ssyncset.done $0x0  }
0xf4: {  	s22 =	simm.s32 $0x0;
	[sflag:s14] =	ssyncadd.s32 $0xFFFFE000  }
0xf5: {  	v13 =	vld [tilespmem:s22+$0x2200]  }
0xf6: {  	v18 =	vld [tilespmem:s22+$0x6200]  }
0xf7: {  	v20 =	vld [tilespmem:s22+$0x2210]  }
0xf8: {  	v21 =	vld [tilespmem:s22+$0x6210]  }
0xf9: {  	v6 =	vld [tilespmem:s22+$0x2220]  }
0xfa: {  	v10 =	vld [tilespmem:s22+$0x6220]  }
0xfb: {  	v8 =	vld [tilespmem:s22+$0x2230]  }
0xfc: {  	v12 =	vld [tilespmem:s22+$0x6230]  }
0xfd: {  	v9 =	vld [tilespmem:s22+$0x2240]  }
0xfe: {  	v11 =	vld [tilespmem:s22+$0x6240]  }
0xff: {  	v5 =	vld [tilespmem:s22+$0x2250]  }
0x100: {  	v7 =	vld [tilespmem:s22+$0x6250]  }
0x101: {  	v3 =	vld [tilespmem:s22+$0x2260]  }
0x102: {  	v4 =	vld [tilespmem:s22+$0x6260]  }
0x103: {  	v1 =	vld [tilespmem:s22+$0x2270]  }
0x104: {  	v2 =	vld [tilespmem:s22+$0x6270]  }
0x105: {  	v17 =	vld [tilespmem:s22+$0xA200]  }
0x106: {  	v16 =	vld [tilespmem:s22+$0xA210]  }
0x107: {  	v15 =	vld [tilespmem:s22+$0xA220]  }
0x108: {  	v14 =	vld [tilespmem:s22+$0xA230];
	v19 =	vadd.f32 v18, v13  }
0x109: {  	s24 =	simm.s32 $0x200;
	v18 =	vadd.f32 v21, v20;
	v13 =	vld [tilespmem:s22+$0xA240]  }
.LBB2_10:
0x10a: {  	p0 =	sne.s32 s24, $0x7E00;
	v17 =	vadd.f32 v17, v19;
	v6 =	vadd.f32 v10, v6;
	v10 =	vld [tilespmem:s22+$0xA250]  }
0x10b: {  	v8 =	vadd.f32 v12, v8;
	v16 =	vadd.f32 v16, v18;
	v12 =	vld [tilespmem:s22+$0xA260]  }
0x10c: {  	s20 =	sshra.s32 s24, $0x2;
	v9 =	vadd.f32 v11, v9;
	v17 =	vmax.f32 v17, $0.0e+00;
	v6 =	vadd.f32 v15, v6;
	v11 =	vld [tilespmem:s22+$0xA270]  }
0x10d: {  	v5 =	vadd.f32 v7, v5;
	v18 =	vld [tilespmem:s20+$0x2200];
	[tilespmem:s22+$0xA200] =	vst v17;
	v15 =	vmax.f32 v16, $0.0e+00;
	v8 =	vadd.f32 v14, v8  }
0x10e: {  	v3 =	vadd.f32 v4, v3;
	v14 =	vld [tilespmem:s20+$0x6200];
	[tilespmem:s22+$0xA210] =	vst v15;
	v6 =	vmax.f32 v6, $0.0e+00;
	v7 =	vadd.f32 v13, v9  }
0x10f: {  	v1 =	vadd.f32 v2, v1;
	v13 =	vld [tilespmem:s20+$0x2210];
	[tilespmem:s22+$0xA220] =	vst v6;
	v4 =	vmax.f32 v8, $0.0e+00;
	v5 =	vadd.f32 v10, v5  }
0x110: {  	v20 =	vld [tilespmem:s20+$0x6210];
	[tilespmem:s22+$0xA230] =	vst v4;
	v2 =	vmax.f32 v7, $0.0e+00;
	v3 =	vadd.f32 v12, v3  }
0x111: {  	v6 =	vld [tilespmem:s20+$0x2220];
	[tilespmem:s22+$0xA240] =	vst v2;
	v2 =	vmax.f32 v5, $0.0e+00;
	v1 =	vadd.f32 v11, v1  }
0x112: {  	v10 =	vld [tilespmem:s20+$0x6220];
	[tilespmem:s22+$0xA250] =	vst v2;
	v2 =	vmax.f32 v3, $0.0e+00  }
0x113: {  	v8 =	vld [tilespmem:s20+$0x2230];
	[tilespmem:s22+$0xA260] =	vst v2;
	v1 =	vmax.f32 v1, $0.0e+00  }
0x114: {  	v12 =	vld [tilespmem:s20+$0x6230];
	[tilespmem:s22+$0xA270] =	vst v1;
	s22 =	smov.u32 s20  }
0x115: {  	v9 =	vld [tilespmem:s22+$0x2240]  }
0x116: {  	v11 =	vld [tilespmem:s22+$0x6240]  }
0x117: {  	v5 =	vld [tilespmem:s22+$0x2250]  }
0x118: {  	v7 =	vld [tilespmem:s22+$0x6250]  }
0x119: {  	v3 =	vld [tilespmem:s22+$0x2260]  }
0x11a: {  	v4 =	vld [tilespmem:s22+$0x6260]  }
0x11b: {  	v1 =	vld [tilespmem:s22+$0x2270]  }
0x11c: {  	v2 =	vld [tilespmem:s22+$0x6270]  }
.Ltmp8:
0x11d: {  	v17 =	vld [tilespmem:s22+$0xA200];
	(pc) =	sbr.rel @p0 .LBB2_10-.Ltmp8, $4  }
0x11e: {  	v16 =	vld [tilespmem:s22+$0xA210]  }
0x11f: {  	v15 =	vld [tilespmem:s22+$0xA220]  }
0x120: {  	v19 =	vadd.f32 v14, v18;
	v14 =	vld [tilespmem:s22+$0xA230]  }
0x121: {  	s24 =	sadd.s32 $0x200, s24;
	v18 =	vadd.f32 v20, v13;
	v13 =	vld [tilespmem:s22+$0xA240]  }
0x122: {  	v17 =	vadd.f32 v17, v19;
	v6 =	vadd.f32 v10, v6;
	v58 =	vld [tilespmem:s22+$0xA250]  }
0x123: {  	v8 =	vadd.f32 v12, v8;
	v60 =	vld [tilespmem:s22+$0xA270];
	v16 =	vadd.f32 v16, v18  }
0x124: {  	v59 =	vld [tilespmem:s22+$0xA260];
	v9 =	vadd.f32 v11, v9;
	v17 =	vmax.f32 v17, $0.0e+00;
	v6 =	vadd.f32 v15, v6  }
0x125: {  	v5 =	vadd.f32 v7, v5;
	[tilespmem:s22+$0xA200] =	vst v17;
	v61 =	vmax.f32 v16, $0.0e+00;
	v8 =	vadd.f32 v14, v8  }
0x126: {  	v1 =	vadd.f32 v2, v1;
	[tilespmem:s22+$0xA210] =	vst v61;
	v6 =	vmax.f32 v6, $0.0e+00;
	v62 =	vadd.f32 v13, v9  }
0x127: {  	v3 =	vadd.f32 v4, v3;
	[tilespmem:s22+$0xA220] =	vst v6;
	v63 =	vmax.f32 v8, $0.0e+00;
	v5 =	vadd.f32 v58, v5  }
0x128: {  	s20 =	sadd.s32 $0x3, s31;
	v1 =	vadd.f32 v60, v1;
	[tilespmem:s22+$0xA230] =	vst v63;
	v2 =	vmax.f32 v62, $0.0e+00  }
0x129: {  	p0 =	sge.u32 s20, s19;
	v3 =	vadd.f32 v59, v3;
	[tilespmem:s22+$0xA240] =	vst v2;
	v2 =	vmax.f32 v5, $0.0e+00  }
0x12a: {  	s20 =	sshll.u32 @!p0 s20, $0xC;
	v1 =	vmax.f32 v1, $0.0e+00;
	[tilespmem:s22+$0xA250] =	vst v2  }
0x12b: {  	s24 =	simm.s32 @!p0 $0x0;
	s20 =	sor.u32 @!p0 s17, s20;
	v2 =	vmax.f32 v3, $0.0e+00;
	[tilespmem:s22+$0xA270] =	vst v1  }
0x12c: {  	s25 =	simm.s32 @!p0 $0x80;
	[tilespmem:s22+$0xA260] =	vst v2;
	s22 =	sand.u32 @!p0 $0xFFF00, s20;
	s20 =	sor.u32 @!p0 s18, s20  }
0x12d: {  	[spmem:s3] =	stream.indirect.scatter.add.f32 [tilespmem:s15], [sflag:$0x9], $0x80, s0, s8, $0xb8;
	[tilespmem:$0x1FE00] =	vst v63  }
0x12e: {  	s22 =	sor.u32 @!p0 s18, s22;
	s20 =	sshrl.u32 @!p0 s20, $0x3;
	_ =	swait.ge [sflag:s30], $0x2000  }
.Ltmp9:
0x12f: {  	s22 =	sshrl.u32 @!p0 s22, $0x3;
	[sflag:s30] =	ssyncset.done $0x0;
	(pc) =	sbr.rel .LBB2_12-.Ltmp9, $4  }
0x130: {  	s20 =	sor.u32 @!p0 $0x10, s20;
	s22 =	sadd.s32 @!p0 s2, s22;
	[sflag:s30] =	ssyncadd.s32 $0xFFFFE000  }
0x131: {  	[tilespmem:s25], [sflag:$0x8] =	stream.linear.gather @!p0 [hbm4b:s22+s24], $0x40, $0x38;
	[tilespmem:$0x1FE00] =	vst v63  }
0x132: {  	s20 =	sadd.s32 @!p0 s2, s20;
	s22 =	simm.s32 @!p0 $0x180  }
0x133: {  	[tilespmem:s22], [sflag:$0x8] =	stream.linear.gather @!p0 [hbm4b:s20+s24], $0x40, $0x38;
	[tilespmem:$0x1FE00] =	vst v63  }
.LBB2_14:
0x134: {  	_ =	sfence.sel $0x180000  }
0x135: {  	[bflag:$0x0] =	sbarrier.arrive $0xFFFF  }
0x136: {  	_ =	strace $0x90000047  }
0x137: {  	s0 =	stileid.u32;
	[bflag:$0x2] =	sbarrier.arrive $0xFFFF  }
0x138: {  	p0 =	sne.s32 s0, $0x0;
	s0 =	rddreg [dreg:$0x4]  }
0x139: {  	s0 =	sadd.s32 @!p0 $0x100000, s0  }
0x13a: {  	[sflag:s0] =	ssyncadd.tile.s32 @!p0 $0x1;
	_ =	shalt  }
.Lfunc_end2:
_tile_overlayer_lowered:
.L_overlay_start_2:
0x13b: {  	(tag) =	ssettag $0x2  }
0x13c: {  	s0 =	rddreg [dreg:$0x0];
	s2 =	stileid.u32  }
0x13d: {  	s1 =	rddreg [dreg:$0x1];
	p0 =	sne.s32 s2, $0x0  }
0x13e: {  	s3 =	rddreg [dreg:$0x2];
	[bflag:$0x3] =	sbarrier.arrive $0xFFFF;
	s2 =	simm.s32 @!p0 $0x1C09  }
0x13f: {  	[timem:s3], [sflag:s2] =	dma.local @!p0 [hbm:s0], s1  }
0x140: {  	s0 =	simm.s32 @!p0 $0x9  }
0x141: {  	_ =	swait.ge @!p0 [sflag:s0], s1  }
0x142: {  	s1 =	ssub.s32 @!p0 $0x0, s1;
	[sflag:s0] =	ssyncset.done @!p0 $0x0  }
0x143: {  	[sflag:s0] =	ssyncadd.s32 @!p0 s1  }
0x144: {  	[bflag:$0x3] =	sbarrier.arrive $0xFFFF  }
0x145: {  	_ =	shalt  }

// kernel: kernel.8.cloned.1.call-start
scs
__scs_entry_jumppad:
0x0: {  	(pc) =	sbr.rel $0x88, $3  }
0x1: {  	(tag) =	ssettag $0x0;
	lr =	simm.s32 $0x1  }
0x2: {  	[smem:$0x3F9A] =	sst lr;
	_ =	strace $0xD0000000  }
0x3: {  	_ = 	snop  }
0x4: {  	_ = 	snop  }
0x5: {  	_ = 	snop  }
0x6: {  	_ = 	snop  }
0x7: {  	_ = 	snop  }
__scs_overlays_trampoline_lowered:
0x8: {  	[smem:$0x3FA9] =	sst s0  }
0x9: {  	[smem:$0x3FAA] =	sst s1  }
0xa: {  	[smem:$0x3FAB] =	sst s2  }
0xb: {  	[smem:$0x3FAC] =	sst s3  }
0xc: {  	[smem:$0x3FAD] =	sst s4  }
0xd: {  	[smem:$0x3FAE] =	sst s5  }
0xe: {  	[smem:$0x3FAF] =	sst s6  }
0xf: {  	[smem:$0x3FB0] =	sst s7  }
0x10: {  	[smem:$0x3FB1] =	sst s8  }
0x11: {  	[smem:$0x3FB2] =	sst s9;
	s0 =	simm.s32 @!p0 $0x0  }
0x12: {  	s1 =	sld [smem:$0x3F98];
	s0 =	simm.s32 @p0 $0x1  }
0x13: {  	[smem:$0x3FB3] =	sst s0;
	s0 =	simm.s32 @!p1 $0x0  }
0x14: {  	s2 =	sld [smem:$0x3F97];
	s0 =	simm.s32 @p1 $0x1  }
0x15: {  	[smem:$0x3FB4] =	sst s0;
	s0 =	simm.s32 @!p2 $0x0  }
0x16: {  	s3 =	sld [smem:$0x3FDB];
	s0 =	simm.s32 @p2 $0x1  }
0x17: {  	s4 =	simm.s32 $0x1BF5;
	[smem:$0x3FB6] =	sst s0  }
0x18: {  	s0 =	sld [smem:$0x3F99];
	_ =	swait.ge [sflag:s4], $0x0  }
0x19: {  	s7 =	sld [smem:$0x3F9A]  }
0x1a: {  	s8 =	sadd.s32 $0xFFFFE003, lr  }
0x1b: {  	s9 =	sadd.s32 $0xFFFFFEF7, lr;
	s5 =	simm.s32 $0xFFFFFFFF;
	p2 =	slt.u32 s8, $0xFFFFF086  }
0x1c: {  	p1 =	slt.u32 s9, $0xF7A;
	s5 =	simm.s32 @!p2 $0x0  }
0x1d: {  	s5 =	simm.s32 @p1 $0x1;
	p0 =	seq.s32 s7, s2  }
0x1e: {  	s7 =	smul.u32 @!p0 $0xF7A, s2;
	p2 =	seq.s32 @!p0 s5, $0x0  }
0x1f: {  	s9 =	smul.u32 $0xF7A, s1;
	s8 =	simm.s32 @!p0 $0x1BF5;
	p2 =	por !p2, p0  }
0x20: {  	[sflag:s8] =	ssyncset.s32 @!p0 $0xFFFFF086;
	s6 =	sadd.s32 @!p0 s3, s7;
	s7 =	simm.s32 @!p0 $0x108  }
0x21: {  	s3 =	sadd.s32 s3, s9;
	s6 =	sadd.s32 @!p0 $0x88, s6;
	s7 =	simm.s32 @p2 $0x1082  }
0x22: {  	[simem:s7], [sflag:s8] =	dma.local @!p0 [hbm:s6], $0xF7A  }
0x23: {  	s9 =	sor.u32 $0xD0000000, s2;
	s6 =	simm.s32 $0x108;
	_ =	swait.ge @!p0 [sflag:s8], $0x0  }
0x24: {  	s3 =	sadd.s32 $0x88, s3;
	s6 =	simm.s32 @!p1 $0x1082;
	[sflag:s4] =	ssyncset.s32 $0xFFFFF086  }
0x25: {  	[simem:s6], [sflag:s4] =	dma.local [hbm:s3], $0xF7A  }
0x26: {  	[smem:$0x3F9A] =	sst s1;
	(tag) =	ssettag s2;
	_ =	strace s9  }
0x27: {  	s1 =	sld [smem:$0x3FAA]  }
0x28: {  	s2 =	sld [smem:$0x3FAB]  }
0x29: {  	s4 =	sld [smem:$0x3FAD]  }
0x2a: {  	p0 =	seq.s32 s5, $0x0;
	s5 =	sld [smem:$0x3FAE]  }
0x2b: {  	s6 =	sld [smem:$0x3FAF]  }
0x2c: {  	s7 =	sld [smem:$0x3FB0]  }
0x2d: {  	s3 =	simm.s32 $0x108;
	s8 =	sld [smem:$0x3FB1]  }
0x2e: {  	s3 =	simm.s32 @!p0 $0x1082;
	s9 =	sld [smem:$0x3FB2]  }
0x2f: {  	lr =	sadd.s32 s0, s3;
	s0 =	sld [smem:$0x3FA9]  }
0x30: {  	s3 =	sld [smem:$0x3FAC]  }
0x31: {  	[smem:$0x3FB5] =	sst s10  }
0x32: {  	s10 =	sld [smem:$0x3FB3];
	_ =	sdelay $0x3  }
0x33: {  	p0 =	seq.s32 s10, $0x1;
	s10 =	sld [smem:$0x3FB5];
	_ =	sdelay $0x3  }
0x34: {  	[smem:$0x3FB5] =	sst s10  }
0x35: {  	s10 =	sld [smem:$0x3FB4];
	_ =	sdelay $0x3  }
0x36: {  	p1 =	seq.s32 s10, $0x1;
	s10 =	sld [smem:$0x3FB5];
	_ =	sdelay $0x3  }
0x37: {  	[smem:$0x3FB5] =	sst s10  }
0x38: {  	s10 =	sld [smem:$0x3FB6]  }
0x39: {  	_ = 	snop;
	(pc) =	sbr.ind lr, $3  }
0x3a: {  	_ = 	snop  }
0x3b: {  	_ = 	snop  }
0x3c: {  	p2 =	seq.s32 s10, $0x1;
	s10 =	sld [smem:$0x3FB5]  }
0x3d: {  	_ =	shalt  }
0x3e: {  	_ =	shalt  }
0x3f: {  	_ =	shalt  }
0x40: {  	_ =	shalt  }
0x41: {  	_ =	shalt  }
0x42: {  	_ =	shalt  }
0x43: {  	_ =	shalt  }
0x44: {  	_ =	shalt  }
0x45: {  	_ =	shalt  }
0x46: {  	_ =	shalt  }
0x47: {  	_ =	shalt  }
0x48: {  	_ =	shalt  }
0x49: {  	_ =	shalt  }
0x4a: {  	_ =	shalt  }
0x4b: {  	_ =	shalt  }
0x4c: {  	_ =	shalt  }
0x4d: {  	_ =	shalt  }
0x4e: {  	_ =	shalt  }
0x4f: {  	_ =	shalt  }
0x50: {  	_ =	shalt  }
0x51: {  	_ =	shalt  }
0x52: {  	_ =	shalt  }
0x53: {  	_ =	shalt  }
0x54: {  	_ =	shalt  }
0x55: {  	_ =	shalt  }
0x56: {  	_ =	shalt  }
0x57: {  	_ =	shalt  }
0x58: {  	_ =	shalt  }
0x59: {  	_ =	shalt  }
0x5a: {  	_ =	shalt  }
0x5b: {  	_ =	shalt  }
0x5c: {  	_ =	shalt  }
0x5d: {  	_ =	shalt  }
0x5e: {  	_ =	shalt  }
0x5f: {  	_ =	shalt  }
0x60: {  	_ =	shalt  }
0x61: {  	_ =	shalt  }
0x62: {  	_ =	shalt  }
0x63: {  	_ =	shalt  }
0x64: {  	_ =	shalt  }
0x65: {  	_ =	shalt  }
0x66: {  	_ =	shalt  }
0x67: {  	_ =	shalt  }
0x68: {  	_ =	shalt  }
0x69: {  	_ =	shalt  }
0x6a: {  	_ =	shalt  }
0x6b: {  	_ =	shalt  }
0x6c: {  	_ =	shalt  }
0x6d: {  	_ =	shalt  }
0x6e: {  	_ =	shalt  }
0x6f: {  	_ =	shalt  }
0x70: {  	_ =	shalt  }
0x71: {  	_ =	shalt  }
0x72: {  	_ =	shalt  }
0x73: {  	_ =	shalt  }
0x74: {  	_ =	shalt  }
0x75: {  	_ =	shalt  }
0x76: {  	_ =	shalt  }
0x77: {  	_ =	shalt  }
0x78: {  	_ =	shalt  }
0x79: {  	_ =	shalt  }
0x7a: {  	_ =	shalt  }
0x7b: {  	_ =	shalt  }
0x7c: {  	_ =	shalt  }
0x7d: {  	_ =	shalt  }
0x7e: {  	_ =	shalt  }
0x7f: {  	_ =	shalt  }
0x80: {  	_ =	shalt  }
0x81: {  	_ =	shalt  }
0x82: {  	_ =	shalt  }
0x83: {  	_ =	shalt  }
0x84: {  	_ =	shalt  }
0x85: {  	_ =	shalt  }
0x86: {  	_ =	shalt  }
0x87: {  	_ =	shalt  }
.Lfunc_end0:
.L_simem_size_0:
called_computation_lowered:
.L_overlay_start_0:
0x88: {  	s2 =	sld [smem:$0x3FD9]  }
0x89: {  	s3 =	sld [smem:$0x3FFE];
	_ =	sdelay $0x1  }
0x8a: {  	s1 =	srdreg.scid  }
0x8b: {  	s0 =	sand.u32 $0x1, s1  }
0x8c: {  	s15 =	sshll.u32 s0, $0xA;
	s2 =	sadd.s32 s3, s2  }
0x8d: {  	s2 =	sadd.s32 s2, s15  }
0x8e: {  	[smem:$0x3FC1] =	sst s2  }
0x8f: {  	_ = 	snop  }
0x90: {  	s2 =	sld [smem:$0x3FD0];
	_ =	sdelay $0x2  }
0x91: {  	s16 =	simm.s32 $0xB;
	s4 =	simm.s32 $0x10  }
0x92: {  	[smem:s4], [sflag:s16] =	dma.local [hbm:s2], $0x1  }
0x93: {  	_ =	swait.eq [sflag:s16], $0x1  }
0x94: {  	[sflag:s16] =	ssyncset.done $0x0  }
0x95: {  	s17 =	sld [smem:$0x10];
	[sflag:s16] =	ssyncadd.s32 $0xFFFFFFFF  }
0x96: {  	s18 =	sld [smem:$0x12];
	(tm) =	ssettm $0x1  }
0x97: {  	s19 =	sld [smem:$0x3FFB];
	_ =	sdelay $0x3  }
0x98: {  	_ =	strace s19  }
0x99: {  	s2 =	sld [smem:$0x3FFC];
	_ =	sdelay $0x3  }
0x9a: {  	_ =	strace s2  }
0x9b: {  	s2 =	sld [smem:$0x3FFD];
	_ =	sdelay $0x3  }
0x9c: {  	_ =	strace s2  }
0x9d: {  	_ =	strace $0x8FFFFFFF  }
0x9e: {  	s20 =	sld [smem:$0x3FDB];
	_ =	sdelay $0x1  }
0x9f: {  	s5 =	simm.s32 $_scs_section_size  }
0xa0: {  	s6 =	simm.s32 $_size__tile_overlayer_lowered;
	s7 =	simm.s32 $_tile_overlayer_lowered  }
0xa1: {  	s8 =	simm.s32 $0x1BFF;
	s21 =	sshll.u32 s7, $0x1;
	s5 =	sadd.s32 s5, s20  }
0xa2: {  	s22 =	simm.s32 $0x0;
	s6 =	sshll.u32 s6, $0x1;
	s7 =	sadd.s32 s21, s5  }
0xa3: {  	[timem:s22], [sflag:s8] =	dma.local [hbm:s7], s6  }
0xa4: {  	_ =	swait.ge [sflag:s8], s6  }
0xa5: {  	s6 =	ssub.s32 $0x0, s6;
	[sflag:s8] =	ssyncset.done $0x0  }
0xa6: {  	[sflag:s8] =	ssyncadd.s32 s6;
	_ =	sdelay $0x1  }
0xa7: {  	s23 =	simm.s32 $0x1B8B  }
0xa8: {  	_ =	swait.ge [sflag:s23], $0x1  }
0xa9: {  	[sflag:s23] =	ssyncset.done $0x0  }
0xaa: {  	[sflag:s23] =	ssyncadd.s32 $0xFFFFFFFF  }
0xab: {  	s6 =	sld [smem:$0x0]  }
0xac: {  	s7 =	sand.u32 $0xFFFFFFFE, s1  }
0xad: {  	p0 =	sne.s32 s1, s7  }
0xae: {  	s7 =	sshll.u32 @p0 s7, $0xE  }
0xaf: {  	s7 =	sadd.s32 @p0 $0x11B8D, s7;
	s8 =	sshll.u32 @p0 s6, $0x11  }
0xb0: {  	s7 =	sor.u32 @p0 s8, s7  }
0xb1: {  	[sflag:s7] =	ssyncadd.remote.s32 @p0 $0x1;
	_ =	sdelay $0x1  }
0xb2: {  	s7 =	simm.s32 @p0 $0x1B8D  }
0xb3: {  	_ =	swait.eq @p0 [sflag:s7], $0x1  }
0xb4: {  	[sflag:s7] =	ssyncadd.s32 @p0 $0xFFFFFFFF  }
0xb5: {  	s8 =	sshll.u32 @!p0 s1, $0xE  }
0xb6: {  	s8 =	sor.u32 @!p0 $0x4000, s8;
	s7 =	simm.s32 @!p0 $0x1B8D  }
0xb7: {  	s6 =	sshll.u32 @!p0 s6, $0x11;
	s8 =	sadd.s32 @!p0 $0x11B8D, s8;
	_ =	swait.eq @!p0 [sflag:s7], $0x1  }
0xb8: {  	s6 =	sor.u32 @!p0 s6, s8;
	[sflag:s7] =	ssyncadd.s32 @!p0 $0xFFFFFFFF  }
0xb9: {  	s25 =	simm.s32 $0x1B8E;
	s24 =	sld [smem:$0x3FFE];
	[sflag:s6] =	ssyncadd.remote.s32 @!p0 $0x1  }
0xba: {  	s26 =	simm.s32 $execute0_lowered;
	[smem:$0x3FD2] =	sst s25  }
0xbb: {  	s7 =	sshll.u32 s26, $0x1;
	_ =	strace $0x80000049;
	[dreg:$0x1] =	wrdreg $0xFFFFFFFF  }
0xbc: {  	s28 =	simm.s32 $_size_execute0_lowered;
	s5 =	sadd.s32 s5, s7;
	[dreg:$0x0] =	wrdreg $0x0  }
0xbd: {  	s7 =	sshll.u32 s28, $0x1;
	[dreg:$0x2] =	wrdreg s5  }
0xbe: {  	[dreg:$0x3] =	wrdreg s7  }
0xbf: {  	[dreg:$0x4] =	wrdreg $0xC0  }
0xc0: {  	_ =	task [dreg:s22], $0x5FFFF  }
0xc1: {  	[dreg:$0x1] =	wrdreg $0xFFFFFFFF  }
0xc2: {  	[dreg:$0x0] =	wrdreg $0x60  }
0xc3: {  	[dreg:$0x2] =	wrdreg s17  }
0xc4: {  	[dreg:$0x3] =	wrdreg s24  }
0xc5: {  	[dreg:$0x4] =	wrdreg s18  }
0xc6: {  	[dreg:$0x5] =	wrdreg $0xC2000  }
0xc7: {  	[dreg:$0x6] =	wrdreg $0x9  }
0xc8: {  	_ =	task.clear_ibuf [dreg:s22], $0x7FFFF;
	_ =	strace $0x90000049  }
0xc9: {  	s29 =	simm.s32 $0x9;
	_ =	strace $0x8000004B  }
0xca: {  	_ =	swait.ge [sflag:s29], $0x1  }
0xcb: {  	[sflag:s29] =	ssyncadd.s32 $0xFFFFFFFF  }
0xcc: {  	_ =	strace $0x9000004B  }
0xcd: {  	_ =	sfence  }
0xce: {  	s30 =	sld [smem:$0x0];
	_ =	sdelay $0x2  }
0xcf: {  	s31 =	sshll.u32 s1, $0xD;
	s1 =	sshrl.u32 s1, $0x2  }
0xd0: {  	s4 =	sand.u32 $0x4000, s31;
	s1 =	sadd.s32 s1, s30  }
0xd1: {  	s0 =	sor.u32 s4, s0;
	s1 =	sshll.u32 s1, $0x11  }
0xd2: {  	s0 =	sor.u32 s1, s0  }
0xd3: {  	s0 =	sadd.s32 $0x8F2B, s0  }
0xd4: {  	[sflag:s0] =	ssyncadd.remote.s32 $0x1  }
0xd5: {  	_ =	sfence.sel $0xFFFF  }
0xd6: {  	[dreg:$0x0] =	wrdreg $0xFFFFFFFF;
	(pc) =	sbr.abs _section_cstart, $3  }
0xd7: {  	[dreg:$0x1] =	wrdreg $0xFFFFFFFF  }
0xd8: {  	_ =	task.clear_ibuf [dreg:s22], $0x2FFFF;
	_ =	strace $0x9FFFFFFF  }
0xd9: {  	(tm) =	ssettm $0x7FFFFFFF  }
tec
execute0_lowered:
.L_overlay_start_1:
0x0: {  	(tag) =	ssettag $0x1  }
0x1: {  	s1 =	rddreg [dreg:$0x0]  }
0x2: {  	s0 =	rddreg [dreg:$0x1]  }
0x3: {  	s2 =	rddreg [dreg:$0x2]  }
0x4: {  	s3 =	rddreg [dreg:$0x3];
	s12 =	stileid.u32  }
0x5: {  	s5 =	srdreg.scid;
	s4 =	simm.s32 $0x0;
	s7 =	smul.u32 $0x4F000, s12  }
0x6: {  	s29 =	simm.s32 $0x8200;
	s30 =	simm.s32 $0x9;
	s8 =	sand.u32 $0x1, s5  }
0x7: {  	s24 =	sshll.u32 s12, $0x1;
	[smem:$0x7FF] =	sst s4;
	s7 =	sshrl.u32 s7, $0x2  }
0x8: {  	s5 =	sadd.s32 $0x3E00, s0;
	s26 =	smul.u32 $0x2780, s12;
	s7 =	sadd.s32 s7, s3  }
0x9: {  	p0 =	slt.u32 s12, $0x2;
	s12 =	simm.s32 $0x2;
	s13 =	sadd.s32 $0x2000, s7  }
0xa: {  	_ =	strace $0x8000004A;
	s31 =	sadd.s32 $0x4000, s7;
	[dreg:$0x5] =	wrdreg s13  }
0xb: {  	s9 =	sor.u32 s8, s24;
	s14 =	sadd.s32 $0x6000, s7;
	[dreg:$0x6] =	wrdreg s31  }
0xc: {  	s11 =	ssub.s32 $0x2, s8;
	s15 =	sadd.s32 $0x8000, s7;
	[dreg:$0x7] =	wrdreg s14  }
0xd: {  	s6 =	sshll.u32 s9, $0xA;
	s16 =	sadd.s32 $0xA000, s7;
	[dreg:$0x8] =	wrdreg s15  }
0xe: {  	s25 =	sshrl.u32 s11, $0x1;
	s17 =	sadd.s32 $0xC000, s7;
	[dreg:$0x9] =	wrdreg s16  }
0xf: {  	s10 =	sadd.s32 s6, s0;
	s18 =	sadd.s32 $0xE000, s7;
	[dreg:$0xa] =	wrdreg s17  }
0x10: {  	s6 =	sadd.s32 $0x274E00, s0;
	s19 =	sadd.s32 $0x10000, s7;
	[dreg:$0xb] =	wrdreg s18  }
0x11: {  	s0 =	ssub.s32 s11, s25;
	s20 =	sadd.s32 $0x12000, s7;
	[dreg:$0xc] =	wrdreg s19  }
0x12: {  	s21 =	smul.u32 $0x27800, s8;
	s0 =	smax.u32 s0, $0x1;
	[dreg:$0xd] =	wrdreg s20  }
0x13: {  	s17 =	sshll.u32 s9, $0x7;
	s18 =	simm.s32 $0x4F;
	s19 =	sshll.u32 s8, $0x6  }
0x14: {  	s9 =	sadd.s32 s26, s21;
	[dreg:$0x12] =	wrdreg s0;
	s0 =	simm.s32 $0x80  }
0x15: {  	s13 =	simm.s32 $0x4;
	s14 =	simm.s32 $0x6;
	s15 =	simm.s32 $0xA200  }
0x16: {  	s16 =	simm.s32 $0x0;
	s22 =	sand.u32 $0xF00, s17;
	s23 =	sor.u32 s19, s17  }
0x17: {  	s18 =	simm.s32 @!p0 $0x4E;
	s2 =	sadd.s32 s2, s9;
	s9 =	simm.s32 $0x1  }
0x18: {  	s8 =	sor.u32 s19, s22;
	s11 =	sshrl.u32 s23, $0x3;
	[dreg:$0xe] =	wrdreg s2  }
0x19: {  	s28 =	sadd.s32 $0xFFFFFFFF, s18;
	s8 =	sshrl.u32 s8, $0x3;
	s24 =	sor.u32 $0x10, s11  }
.Ltmp0:
0x1a: {  	s25 =	sor.u32 $0x210, s11;
	s2 =	sadd.s32 s6, s24;
	(pc) =	sbr.rel .LBB2_1-.Ltmp0, $4  }
0x1b: {  	s11 =	simm.s32 $0x5;
	s26 =	sadd.s32 s6, s25;
	[dreg:$0x10] =	wrdreg s2  }
0x1c: {  	s8 =	sadd.s32 s6, s8;
	s24 =	sadd.s32 $0x760C00, s10;
	[dreg:$0x11] =	wrdreg s26  }
0x1d: {  	s10 =	simm.s32 $0x3;
	[dreg:$0xf] =	wrdreg s8;
	s31 =	sadd.s32 $0x200, s8  }
0x1e: {  	v0 =	vimm.f32 $0.0e+00;
	s2 =	simm.s32 $0x7;
	s8 =	simm.s32 $0x40;
	[dreg:$0x13] =	wrdreg s31  }
.LBB2_13:
0x1f: {  	s20 =	stileid.u32  }
0x20: {  	[bflag:$0x0] =	sbarrier.arrive $0xFFFF;
	s20 =	sshll.u32 s20, $0x6  }
0x21: {  	s21 =	sshrl.u32 s7, $0x3;
	s22 =	rddreg [dreg:$0xe];
	s20 =	sor.u32 $0x1C09, s20  }
0x22: {  	[hbm:s22], [sflag:s20] =	dma.local [spmem:s21], $0x2780  }
0x23: {  	_ =	swait.ge [sflag:s30], $0x2780  }
0x24: {  	s16 =	sadd.s32 $0x1, s16;
	s31 =	rddreg [dreg:$0x12]  }
0x25: {  	p0 =	sne.s32 s16, s31  }
.Ltmp1:
0x26: {  	_ = 	snop;
	(pc) =	sbr.rel @!p0 .LBB2_14-.Ltmp1, $3  }
0x27: {  	_ =	sdelay $0x1  }
0x28: {  	[sflag:s30] =	ssyncset.done $0x0  }
0x29: {  	[sflag:s30] =	ssyncadd.s32 $0xFFFFD880  }
.LBB2_1:
0x2a: {  	s20 =	simm.s32 $0x0;
	s22 =	simm.s32 $0x200  }
.LBB2_2:
0x2b: {  	p0 =	sne.s32 s22, $0x7E00;
	[tilespmem:s20+$0x8270] =	vst v0  }
0x2c: {  	[tilespmem:s20+$0x8200] =	vst v0  }
0x2d: {  	[tilespmem:s20+$0x8210] =	vst v0  }
.Ltmp2:
0x2e: {  	[tilespmem:s20+$0x8220] =	vst v0;
	(pc) =	sbr.rel @p0 .LBB2_2-.Ltmp2, $4  }
0x2f: {  	[tilespmem:s20+$0x8230] =	vst v0  }
0x30: {  	[tilespmem:s20+$0x8240] =	vst v0  }
0x31: {  	[tilespmem:s20+$0x8250] =	vst v0  }
0x32: {  	[tilespmem:s20+$0x8260] =	vst v0;
	s20 =	sshra.s32 s22, $0x2;
	s22 =	sadd.s32 $0x200, s22  }
0x33: {  	[tilespmem:s20+$0x8270] =	vst v0  }
0x34: {  	[tilespmem:s20+$0x8200] =	vst v0  }
0x35: {  	[tilespmem:s20+$0x8210] =	vst v0  }
0x36: {  	[tilespmem:s20+$0x8220] =	vst v0  }
0x37: {  	[tilespmem:s20+$0x8230] =	vst v0  }
0x38: {  	[tilespmem:s20+$0x8240] =	vst v0  }
0x39: {  	[tilespmem:s20+$0x8250] =	vst v0  }
0x3a: {  	[tilespmem:s20+$0x8260] =	vst v0  }
0x3b: {  	[spmem:s7] =	stream.linear.scatter [tilespmem:s29], [sflag:$0x9], $0x2000, $0x38;
	[tilespmem:$0x1FE00] =	vst v63  }
0x3c: {  	_ =	swait.ge [sflag:s30], $0x2000  }
0x3d: {  	[sflag:s30] =	ssyncset.done $0x0  }
0x3e: {  	s23 =	rddreg [dreg:$0x5];
	[sflag:s30] =	ssyncadd.s32 $0xFFFFE000  }
0x3f: {  	[spmem:s23] =	stream.linear.scatter [tilespmem:s29], [sflag:$0x9], $0x2000, $0x38;
	[tilespmem:$0x1FE00] =	vst v63  }
0x40: {  	_ =	swait.ge [sflag:s30], $0x2000  }
0x41: {  	[sflag:s30] =	ssyncset.done $0x0  }
0x42: {  	s25 =	rddreg [dreg:$0x6];
	[sflag:s30] =	ssyncadd.s32 $0xFFFFE000  }
0x43: {  	[spmem:s25] =	stream.linear.scatter [tilespmem:s29], [sflag:$0x9], $0x2000, $0x38;
	[tilespmem:$0x1FE00] =	vst v63  }
0x44: {  	_ =	swait.ge [sflag:s30], $0x2000  }
0x45: {  	[sflag:s30] =	ssyncset.done $0x0  }
0x46: {  	s26 =	rddreg [dreg:$0x7];
	[sflag:s30] =	ssyncadd.s32 $0xFFFFE000  }
0x47: {  	[spmem:s26] =	stream.linear.scatter [tilespmem:s29], [sflag:$0x9], $0x2000, $0x38;
	[tilespmem:$0x1FE00] =	vst v63  }
0x48: {  	_ =	swait.ge [sflag:s30], $0x2000  }
0x49: {  	[sflag:s30] =	ssyncset.done $0x0  }
0x4a: {  	s31 =	rddreg [dreg:$0x8];
	[sflag:s30] =	ssyncadd.s32 $0xFFFFE000  }
0x4b: {  	[spmem:s31] =	stream.linear.scatter [tilespmem:s29], [sflag:$0x9], $0x2000, $0x38;
	[tilespmem:$0x1FE00] =	vst v63  }
0x4c: {  	_ =	swait.ge [sflag:s30], $0x2000  }
0x4d: {  	[sflag:s30] =	ssyncset.done $0x0  }
0x4e: {  	s21 =	rddreg [dreg:$0x9];
	[sflag:s30] =	ssyncadd.s32 $0xFFFFE000  }
0x4f: {  	[spmem:s21] =	stream.linear.scatter [tilespmem:s29], [sflag:$0x9], $0x2000, $0x38;
	[tilespmem:$0x1FE00] =	vst v63  }
0x50: {  	_ =	swait.ge [sflag:s30], $0x2000  }
0x51: {  	[sflag:s30] =	ssyncset.done $0x0  }
0x52: {  	s22 =	rddreg [dreg:$0xa];
	[sflag:s30] =	ssyncadd.s32 $0xFFFFE000  }
0x53: {  	[spmem:s22] =	stream.linear.scatter [tilespmem:s29], [sflag:$0x9], $0x2000, $0x38;
	[tilespmem:$0x1FE00] =	vst v63  }
0x54: {  	_ =	swait.ge [sflag:s30], $0x2000  }
0x55: {  	[sflag:s30] =	ssyncset.done $0x0  }
0x56: {  	s23 =	rddreg [dreg:$0xb];
	[sflag:s30] =	ssyncadd.s32 $0xFFFFE000  }
0x57: {  	[spmem:s23] =	stream.linear.scatter [tilespmem:s29], [sflag:$0x9], $0x2000, $0x38;
	[tilespmem:$0x1FE00] =	vst v63  }
0x58: {  	_ =	swait.ge [sflag:s30], $0x2000  }
0x59: {  	[sflag:s30] =	ssyncset.done $0x0  }
0x5a: {  	s25 =	rddreg [dreg:$0xc];
	[sflag:s30] =	ssyncadd.s32 $0xFFFFE000  }
0x5b: {  	[spmem:s25] =	stream.linear.scatter [tilespmem:s29], [sflag:$0x9], $0x2000, $0x38;
	[tilespmem:$0x1FE00] =	vst v63  }
0x5c: {  	_ =	swait.ge [sflag:s30], $0x2000  }
0x5d: {  	[sflag:s30] =	ssyncset.done $0x0  }
0x5e: {  	s26 =	rddreg [dreg:$0xd];
	[sflag:s30] =	ssyncadd.s32 $0xFFFFE000  }
0x5f: {  	[spmem:s26] =	stream.linear.scatter [tilespmem:s29], [sflag:$0x9], $0x1C00, $0x38;
	[tilespmem:$0x1FE00] =	vst v63  }
0x60: {  	_ =	swait.ge [sflag:s30], $0x1C00  }
0x61: {  	[sflag:s30] =	ssyncset.done $0x0  }
0x62: {  	[sflag:s30] =	ssyncadd.s32 $0xFFFFE400  }
0x63: {  	[bflag:$0x0] =	sbarrier.arrive $0xFFFF  }
0x64: {  	s20 =	simm.s32 $0x0;
	s21 =	rddreg [dreg:$0xf]  }
0x65: {  	[tilespmem:s20], [sflag:$0x7] =	stream.linear.gather [hbm4b:s21+s20], $0x40, $0x38;
	[tilespmem:$0x1FE00] =	vst v63  }
0x66: {  	s22 =	simm.s32 $0x100;
	s31 =	rddreg [dreg:$0x10]  }
0x67: {  	[tilespmem:s22], [sflag:$0x7] =	stream.linear.gather [hbm4b:s31+s20], $0x40, $0x38;
	[tilespmem:$0x1FE00] =	vst v63  }
0x68: {  	s23 =	rddreg [dreg:$0x13]  }
0x69: {  	[tilespmem:s0], [sflag:$0x8] =	stream.linear.gather [hbm4b:s23+s20], $0x40, $0x38;
	[tilespmem:$0x1FE00] =	vst v63  }
0x6a: {  	s25 =	rddreg [dreg:$0x11];
	s23 =	simm.s32 $0x180  }
0x6b: {  	[tilespmem:s23], [sflag:$0x8] =	stream.linear.gather [hbm4b:s25+s20], $0x40, $0x38;
	[tilespmem:$0x1FE00] =	vst v63  }
0x6c: {  	_ =	swait.ge [sflag:s2], $0x40  }
0x6d: {  	[sflag:s2] =	ssyncset.done $0x0  }
0x6e: {  	[sflag:s2] =	ssyncadd.s32 $0xFFFFFFC0  }
0x6f: {  	_ =	swait.ge [sflag:s2], $0x40  }
0x70: {  	[sflag:s2] =	ssyncset.done $0x0  }
0x71: {  	s26 =	simm.s32 $0x200;
	[sflag:s2] =	ssyncadd.s32 $0xFFFFFFC0  }
0x72: {  	[tilespmem:s26], [sflag:$0x1] =	stream.indirect.gather [hbm4b:s1+s8], $0x80, s20, s8, $0xb8;
	[tilespmem:$0x1FE00] =	vst v63  }
.Ltmp3:
0x73: {  	_ = 	snop;
	(pc) =	sbr.rel .LBB2_4-.Ltmp3, $4  }
0x74: {  	s31 =	simm.s32 $0x4200  }
0x75: {  	[tilespmem:s31], [sflag:$0x3] =	stream.indirect.gather [hbm4b:s5+s8], $0x80, s22, s8, $0xb8;
	[tilespmem:$0x1FE00] =	vst v63  }
0x76: {  	_ = 	snop  }
0x77: {  	[tilespmem:s29], [sflag:$0x5] =	stream.linear.gather [hbm4b:s24+s20], $0x2000, $0x38;
	[tilespmem:$0x1FE00] =	vst v63  }
.LBB2_12:
0x78: {  	s20 =	sadd.s32 $0x1, s20  }
0x79: {  	p0 =	sne.s32 s20, $0x28  }
.Ltmp4:
0x7a: {  	_ = 	snop;
	(pc) =	sbr.rel @!p0 .LBB2_13-.Ltmp4, $1  }
0x7b: {  	_ =	sdelay $0x3  }
.LBB2_4:
0x7c: {  	s31 =	sshll.u32 s20, $0x1  }
0x7d: {  	p0 =	sge.u32 s31, s18  }
.Ltmp5:
0x7e: {  	_ = 	snop;
	(pc) =	sbr.rel @p0 .LBB2_8-.Ltmp5, $1  }
0x7f: {  	_ =	sdelay $0x3  }
0x80: {  	s22 =	sor.u32 $0x1, s31  }
0x81: {  	p0 =	sge.u32 s22, s18  }
0x82: {  	s23 =	simm.s32 @!p0 $0x8  }
0x83: {  	_ =	swait.ge @!p0 [sflag:s23], $0x40  }
0x84: {  	[sflag:s23] =	ssyncset.done @!p0 $0x0  }
0x85: {  	[sflag:s23] =	ssyncadd.s32 @!p0 $0xFFFFFFC0  }
0x86: {  	_ =	swait.ge @!p0 [sflag:s23], $0x40  }
0x87: {  	s25 =	simm.s32 @!p0 $0x80;
	[sflag:s23] =	ssyncset.done @!p0 $0x0  }
0x88: {  	s26 =	simm.s32 @!p0 $0x2200;
	[sflag:s23] =	ssyncadd.s32 @!p0 $0xFFFFFFC0;
	s23 =	simm.s32 @!p0 $0x40  }
0x89: {  	[tilespmem:s26], [sflag:$0x2] =	stream.indirect.gather @!p0 [hbm4b:s1+s23], $0x80, s25, s23, $0xb8;
	[tilespmem:$0x1FE00] =	vst v63  }
0x8a: {  	s22 =	sshll.u32 @!p0 s22, $0xF;
	s25 =	simm.s32 @!p0 $0x180;
	s26 =	simm.s32 @!p0 $0x6200  }
0x8b: {  	[tilespmem:s26], [sflag:$0x4] =	stream.indirect.gather @!p0 [hbm4b:s5+s23], $0x80, s25, s23, $0xb8;
	[tilespmem:$0x1FE00] =	vst v63  }
0x8c: {  	s22 =	sadd.s32 @!p0 s22, s24;
	s23 =	simm.s32 @!p0 $0x0;
	s25 =	simm.s32 @!p0 $0xA200  }
0x8d: {  	[tilespmem:s25], [sflag:$0x6] =	stream.linear.gather @!p0 [hbm4b:s22+s23], $0x2000, $0x38;
	[tilespmem:$0x1FE00] =	vst v63  }
0x8e: {  	_ =	swait.ge [sflag:s9], $0x2000  }
0x8f: {  	[sflag:s9] =	ssyncset.done $0x0  }
0x90: {  	[sflag:s9] =	ssyncadd.s32 $0xFFFFE000  }
0x91: {  	_ =	swait.ge [sflag:s10], $0x2000  }
0x92: {  	[sflag:s10] =	ssyncset.done $0x0  }
0x93: {  	[sflag:s10] =	ssyncadd.s32 $0xFFFFE000  }
0x94: {  	_ =	swait.ge [sflag:s11], $0x2000  }
0x95: {  	[sflag:s11] =	ssyncset.done $0x0  }
0x96: {  	s22 =	simm.s32 $0x0;
	[sflag:s11] =	ssyncadd.s32 $0xFFFFE000  }
0x97: {  	v13 =	vld [tilespmem:s22+$0x200]  }
0x98: {  	v18 =	vld [tilespmem:s22+$0x4200]  }
0x99: {  	v20 =	vld [tilespmem:s22+$0x210]  }
0x9a: {  	v21 =	vld [tilespmem:s22+$0x4210]  }
0x9b: {  	v6 =	vld [tilespmem:s22+$0x220]  }
0x9c: {  	v10 =	vld [tilespmem:s22+$0x4220]  }
0x9d: {  	v8 =	vld [tilespmem:s22+$0x230]  }
0x9e: {  	v12 =	vld [tilespmem:s22+$0x4230]  }
0x9f: {  	v9 =	vld [tilespmem:s22+$0x240]  }
0xa0: {  	v11 =	vld [tilespmem:s22+$0x4240]  }
0xa1: {  	v5 =	vld [tilespmem:s22+$0x250]  }
0xa2: {  	v7 =	vld [tilespmem:s22+$0x4250]  }
0xa3: {  	v3 =	vld [tilespmem:s22+$0x260]  }
0xa4: {  	v4 =	vld [tilespmem:s22+$0x4260]  }
0xa5: {  	v1 =	vld [tilespmem:s22+$0x270]  }
0xa6: {  	v2 =	vld [tilespmem:s22+$0x4270]  }
0xa7: {  	v17 =	vld [tilespmem:s22+$0x8200]  }
0xa8: {  	v16 =	vld [tilespmem:s22+$0x8210]  }
0xa9: {  	v15 =	vld [tilespmem:s22+$0x8220]  }
0xaa: {  	v14 =	vld [tilespmem:s22+$0x8230];
	v19 =	vadd.f32 v18, v13  }
0xab: {  	s23 =	simm.s32 $0x200;
	v18 =	vadd.f32 v21, v20;
	v13 =	vld [tilespmem:s22+$0x8240]  }
.LBB2_6:
0xac: {  	p0 =	sne.s32 s23, $0x7E00;
	v17 =	vadd.f32 v17, v19;
	v6 =	vadd.f32 v10, v6;
	v10 =	vld [tilespmem:s22+$0x8250]  }
0xad: {  	v8 =	vadd.f32 v12, v8;
	v16 =	vadd.f32 v16, v18;
	v12 =	vld [tilespmem:s22+$0x8260]  }
0xae: {  	s25 =	sshra.s32 s23, $0x2;
	v9 =	vadd.f32 v11, v9;
	v17 =	vmax.f32 v17, $0.0e+00;
	v6 =	vadd.f32 v15, v6;
	v11 =	vld [tilespmem:s22+$0x8270]  }
0xaf: {  	v5 =	vadd.f32 v7, v5;
	v18 =	vld [tilespmem:s25+$0x200];
	[tilespmem:s22+$0x8200] =	vst v17;
	v15 =	vmax.f32 v16, $0.0e+00;
	v8 =	vadd.f32 v14, v8  }
0xb0: {  	v3 =	vadd.f32 v4, v3;
	v14 =	vld [tilespmem:s25+$0x4200];
	[tilespmem:s22+$0x8210] =	vst v15;
	v6 =	vmax.f32 v6, $0.0e+00;
	v7 =	vadd.f32 v13, v9  }
0xb1: {  	v1 =	vadd.f32 v2, v1;
	v13 =	vld [tilespmem:s25+$0x210];
	[tilespmem:s22+$0x8220] =	vst v6;
	v4 =	vmax.f32 v8, $0.0e+00;
	v5 =	vadd.f32 v10, v5  }
0xb2: {  	v20 =	vld [tilespmem:s25+$0x4210];
	[tilespmem:s22+$0x8230] =	vst v4;
	v2 =	vmax.f32 v7, $0.0e+00;
	v3 =	vadd.f32 v12, v3  }
0xb3: {  	v6 =	vld [tilespmem:s25+$0x220];
	[tilespmem:s22+$0x8240] =	vst v2;
	v2 =	vmax.f32 v5, $0.0e+00;
	v1 =	vadd.f32 v11, v1  }
0xb4: {  	v10 =	vld [tilespmem:s25+$0x4220];
	[tilespmem:s22+$0x8250] =	vst v2;
	v2 =	vmax.f32 v3, $0.0e+00  }
0xb5: {  	v8 =	vld [tilespmem:s25+$0x230];
	[tilespmem:s22+$0x8260] =	vst v2;
	v1 =	vmax.f32 v1, $0.0e+00  }
0xb6: {  	v12 =	vld [tilespmem:s25+$0x4230];
	[tilespmem:s22+$0x8270] =	vst v1;
	s22 =	smov.u32 s25  }
0xb7: {  	v9 =	vld [tilespmem:s22+$0x240]  }
0xb8: {  	v11 =	vld [tilespmem:s22+$0x4240]  }
0xb9: {  	v5 =	vld [tilespmem:s22+$0x250]  }
0xba: {  	v7 =	vld [tilespmem:s22+$0x4250]  }
0xbb: {  	v3 =	vld [tilespmem:s22+$0x260]  }
0xbc: {  	v4 =	vld [tilespmem:s22+$0x4260]  }
0xbd: {  	v1 =	vld [tilespmem:s22+$0x270]  }
0xbe: {  	v2 =	vld [tilespmem:s22+$0x4270]  }
.Ltmp6:
0xbf: {  	v17 =	vld [tilespmem:s22+$0x8200];
	(pc) =	sbr.rel @p0 .LBB2_6-.Ltmp6, $4  }
0xc0: {  	v16 =	vld [tilespmem:s22+$0x8210]  }
0xc1: {  	v15 =	vld [tilespmem:s22+$0x8220]  }
0xc2: {  	v19 =	vadd.f32 v14, v18;
	v14 =	vld [tilespmem:s22+$0x8230]  }
0xc3: {  	s23 =	sadd.s32 $0x200, s23;
	v18 =	vadd.f32 v20, v13;
	v13 =	vld [tilespmem:s22+$0x8240]  }
0xc4: {  	v17 =	vadd.f32 v17, v19;
	v6 =	vadd.f32 v10, v6;
	v58 =	vld [tilespmem:s22+$0x8250]  }
0xc5: {  	v8 =	vadd.f32 v12, v8;
	v60 =	vld [tilespmem:s22+$0x8270];
	v16 =	vadd.f32 v16, v18  }
0xc6: {  	v59 =	vld [tilespmem:s22+$0x8260];
	v9 =	vadd.f32 v11, v9;
	v17 =	vmax.f32 v17, $0.0e+00;
	v6 =	vadd.f32 v15, v6  }
0xc7: {  	v5 =	vadd.f32 v7, v5;
	[tilespmem:s22+$0x8200] =	vst v17;
	v61 =	vmax.f32 v16, $0.0e+00;
	v8 =	vadd.f32 v14, v8  }
0xc8: {  	v1 =	vadd.f32 v2, v1;
	[tilespmem:s22+$0x8210] =	vst v61;
	v6 =	vmax.f32 v6, $0.0e+00;
	v62 =	vadd.f32 v13, v9  }
0xc9: {  	v3 =	vadd.f32 v4, v3;
	[tilespmem:s22+$0x8220] =	vst v6;
	v63 =	vmax.f32 v8, $0.0e+00;
	v5 =	vadd.f32 v58, v5  }
0xca: {  	v1 =	vadd.f32 v60, v1;
	[tilespmem:s22+$0x8230] =	vst v63;
	v2 =	vmax.f32 v62, $0.0e+00  }
0xcb: {  	v3 =	vadd.f32 v59, v3;
	[tilespmem:s22+$0x8240] =	vst v2;
	v2 =	vmax.f32 v5, $0.0e+00  }
0xcc: {  	v1 =	vmax.f32 v1, $0.0e+00;
	[tilespmem:s22+$0x8250] =	vst v2  }
0xcd: {  	v2 =	vmax.f32 v3, $0.0e+00;
	[tilespmem:s22+$0x8270] =	vst v1  }
0xce: {  	[tilespmem:s22+$0x8260] =	vst v2;
	s22 =	sadd.s32 $0x2, s31  }
0xcf: {  	[spmem:s3] =	stream.indirect.scatter.add.f32 [tilespmem:s29], [sflag:$0x9], $0x80, s4, s8, $0xb8;
	[tilespmem:$0x1FE00] =	vst v63  }
0xd0: {  	p0 =	sge.u32 s22, s18  }
0xd1: {  	s22 =	sshll.u32 @!p0 s22, $0xC  }
0xd2: {  	s22 =	sor.u32 @!p0 s17, s22  }
0xd3: {  	_ =	swait.ge [sflag:s30], $0x2000;
	s23 =	sand.u32 @!p0 $0xFEF00, s22  }
0xd4: {  	s25 =	simm.s32 @!p0 $0x0;
	s22 =	sor.u32 @!p0 s19, s22;
	s23 =	sor.u32 @!p0 s19, s23  }
0xd5: {  	[sflag:s30] =	ssyncset.done $0x0;
	s22 =	sshrl.u32 @!p0 s22, $0x3;
	s23 =	sshrl.u32 @!p0 s23, $0x3  }
0xd6: {  	[sflag:s30] =	ssyncadd.s32 $0xFFFFE000;
	s22 =	sor.u32 @!p0 $0x10, s22;
	s23 =	sadd.s32 @!p0 s6, s23  }
0xd7: {  	[tilespmem:s25], [sflag:$0x7] =	stream.linear.gather @!p0 [hbm4b:s23+s25], $0x40, $0x38;
	[tilespmem:$0x1FE00] =	vst v63  }
0xd8: {  	s22 =	sadd.s32 @!p0 s6, s22;
	s23 =	simm.s32 @!p0 $0x100  }
0xd9: {  	[tilespmem:s23], [sflag:$0x7] =	stream.linear.gather @!p0 [hbm4b:s22+s25], $0x40, $0x38;
	[tilespmem:$0x1FE00] =	vst v63  }
.LBB2_8:
0xda: {  	p0 =	sge.u32 s31, s28  }
.Ltmp7:
0xdb: {  	_ = 	snop;
	(pc) =	sbr.rel @p0 .LBB2_12-.Ltmp7, $1  }
0xdc: {  	_ =	sdelay $0x3  }
0xdd: {  	s22 =	sadd.s32 $0x2, s31  }
0xde: {  	p0 =	sge.u32 s22, s18  }
0xdf: {  	s23 =	simm.s32 @!p0 $0x7  }
0xe0: {  	_ =	swait.ge @!p0 [sflag:s23], $0x40  }
0xe1: {  	[sflag:s23] =	ssyncset.done @!p0 $0x0  }
0xe2: {  	[sflag:s23] =	ssyncadd.s32 @!p0 $0xFFFFFFC0  }
0xe3: {  	_ =	swait.ge @!p0 [sflag:s23], $0x40  }
0xe4: {  	s25 =	simm.s32 @!p0 $0x0;
	[sflag:s23] =	ssyncset.done @!p0 $0x0  }
0xe5: {  	s26 =	simm.s32 @!p0 $0x200;
	[sflag:s23] =	ssyncadd.s32 @!p0 $0xFFFFFFC0;
	s23 =	simm.s32 @!p0 $0x40  }
0xe6: {  	[tilespmem:s26], [sflag:$0x1] =	stream.indirect.gather @!p0 [hbm4b:s1+s23], $0x80, s25, s23, $0xb8;
	[tilespmem:$0x1FE00] =	vst v63  }
0xe7: {  	s21 =	simm.s32 @!p0 $0x4200;
	s26 =	simm.s32 @!p0 $0x100  }
0xe8: {  	[tilespmem:s21], [sflag:$0x3] =	stream.indirect.gather @!p0 [hbm4b:s5+s23], $0x80, s26, s23, $0xb8;
	[tilespmem:$0x1FE00] =	vst v63  }
0xe9: {  	s21 =	sshll.u32 @!p0 s22, $0xF  }
0xea: {  	s22 =	simm.s32 @!p0 $0x8200;
	s21 =	sadd.s32 @!p0 s21, s24  }
0xeb: {  	[tilespmem:s22], [sflag:$0x5] =	stream.linear.gather @!p0 [hbm4b:s21+s25], $0x2000, $0x38;
	[tilespmem:$0x1FE00] =	vst v63  }
0xec: {  	_ =	swait.ge [sflag:s12], $0x2000  }
0xed: {  	[sflag:s12] =	ssyncset.done $0x0  }
0xee: {  	[sflag:s12] =	ssyncadd.s32 $0xFFFFE000  }
0xef: {  	_ =	swait.ge [sflag:s13], $0x2000  }
0xf0: {  	[sflag:s13] =	ssyncset.done $0x0  }
0xf1: {  	[sflag:s13] =	ssyncadd.s32 $0xFFFFE000  }
0xf2: {  	_ =	swait.ge [sflag:s14], $0x2000  }
0xf3: {  	[sflag:s14] =	ssyncset.done $0x0  }
0xf4: {  	s22 =	simm.s32 $0x0;
	[sflag:s14] =	ssyncadd.s32 $0xFFFFE000  }
0xf5: {  	v13 =	vld [tilespmem:s22+$0x2200]  }
0xf6: {  	v18 =	vld [tilespmem:s22+$0x6200]  }
0xf7: {  	v20 =	vld [tilespmem:s22+$0x2210]  }
0xf8: {  	v21 =	vld [tilespmem:s22+$0x6210]  }
0xf9: {  	v6 =	vld [tilespmem:s22+$0x2220]  }
0xfa: {  	v10 =	vld [tilespmem:s22+$0x6220]  }
0xfb: {  	v8 =	vld [tilespmem:s22+$0x2230]  }
0xfc: {  	v12 =	vld [tilespmem:s22+$0x6230]  }
0xfd: {  	v9 =	vld [tilespmem:s22+$0x2240]  }
0xfe: {  	v11 =	vld [tilespmem:s22+$0x6240]  }
0xff: {  	v5 =	vld [tilespmem:s22+$0x2250]  }
0x100: {  	v7 =	vld [tilespmem:s22+$0x6250]  }
0x101: {  	v3 =	vld [tilespmem:s22+$0x2260]  }
0x102: {  	v4 =	vld [tilespmem:s22+$0x6260]  }
0x103: {  	v1 =	vld [tilespmem:s22+$0x2270]  }
0x104: {  	v2 =	vld [tilespmem:s22+$0x6270]  }
0x105: {  	v17 =	vld [tilespmem:s22+$0xA200]  }
0x106: {  	v16 =	vld [tilespmem:s22+$0xA210]  }
0x107: {  	v15 =	vld [tilespmem:s22+$0xA220]  }
0x108: {  	v14 =	vld [tilespmem:s22+$0xA230];
	v19 =	vadd.f32 v18, v13  }
0x109: {  	s23 =	simm.s32 $0x200;
	v18 =	vadd.f32 v21, v20;
	v13 =	vld [tilespmem:s22+$0xA240]  }
.LBB2_10:
0x10a: {  	p0 =	sne.s32 s23, $0x7E00;
	v17 =	vadd.f32 v17, v19;
	v6 =	vadd.f32 v10, v6;
	v10 =	vld [tilespmem:s22+$0xA250]  }
0x10b: {  	v8 =	vadd.f32 v12, v8;
	v16 =	vadd.f32 v16, v18;
	v12 =	vld [tilespmem:s22+$0xA260]  }
0x10c: {  	s21 =	sshra.s32 s23, $0x2;
	v9 =	vadd.f32 v11, v9;
	v17 =	vmax.f32 v17, $0.0e+00;
	v6 =	vadd.f32 v15, v6;
	v11 =	vld [tilespmem:s22+$0xA270]  }
0x10d: {  	v5 =	vadd.f32 v7, v5;
	v18 =	vld [tilespmem:s21+$0x2200];
	[tilespmem:s22+$0xA200] =	vst v17;
	v15 =	vmax.f32 v16, $0.0e+00;
	v8 =	vadd.f32 v14, v8  }
0x10e: {  	v3 =	vadd.f32 v4, v3;
	v14 =	vld [tilespmem:s21+$0x6200];
	[tilespmem:s22+$0xA210] =	vst v15;
	v6 =	vmax.f32 v6, $0.0e+00;
	v7 =	vadd.f32 v13, v9  }
0x10f: {  	v1 =	vadd.f32 v2, v1;
	v13 =	vld [tilespmem:s21+$0x2210];
	[tilespmem:s22+$0xA220] =	vst v6;
	v4 =	vmax.f32 v8, $0.0e+00;
	v5 =	vadd.f32 v10, v5  }
0x110: {  	v20 =	vld [tilespmem:s21+$0x6210];
	[tilespmem:s22+$0xA230] =	vst v4;
	v2 =	vmax.f32 v7, $0.0e+00;
	v3 =	vadd.f32 v12, v3  }
0x111: {  	v6 =	vld [tilespmem:s21+$0x2220];
	[tilespmem:s22+$0xA240] =	vst v2;
	v2 =	vmax.f32 v5, $0.0e+00;
	v1 =	vadd.f32 v11, v1  }
0x112: {  	v10 =	vld [tilespmem:s21+$0x6220];
	[tilespmem:s22+$0xA250] =	vst v2;
	v2 =	vmax.f32 v3, $0.0e+00  }
0x113: {  	v8 =	vld [tilespmem:s21+$0x2230];
	[tilespmem:s22+$0xA260] =	vst v2;
	v1 =	vmax.f32 v1, $0.0e+00  }
0x114: {  	v12 =	vld [tilespmem:s21+$0x6230];
	[tilespmem:s22+$0xA270] =	vst v1;
	s22 =	smov.u32 s21  }
0x115: {  	v9 =	vld [tilespmem:s22+$0x2240]  }
0x116: {  	v11 =	vld [tilespmem:s22+$0x6240]  }
0x117: {  	v5 =	vld [tilespmem:s22+$0x2250]  }
0x118: {  	v7 =	vld [tilespmem:s22+$0x6250]  }
0x119: {  	v3 =	vld [tilespmem:s22+$0x2260]  }
0x11a: {  	v4 =	vld [tilespmem:s22+$0x6260]  }
0x11b: {  	v1 =	vld [tilespmem:s22+$0x2270]  }
0x11c: {  	v2 =	vld [tilespmem:s22+$0x6270]  }
.Ltmp8:
0x11d: {  	v17 =	vld [tilespmem:s22+$0xA200];
	(pc) =	sbr.rel @p0 .LBB2_10-.Ltmp8, $4  }
0x11e: {  	v16 =	vld [tilespmem:s22+$0xA210]  }
0x11f: {  	v15 =	vld [tilespmem:s22+$0xA220]  }
0x120: {  	v19 =	vadd.f32 v14, v18;
	v14 =	vld [tilespmem:s22+$0xA230]  }
0x121: {  	s23 =	sadd.s32 $0x200, s23;
	v18 =	vadd.f32 v20, v13;
	v13 =	vld [tilespmem:s22+$0xA240]  }
0x122: {  	v17 =	vadd.f32 v17, v19;
	v6 =	vadd.f32 v10, v6;
	v58 =	vld [tilespmem:s22+$0xA250]  }
0x123: {  	v8 =	vadd.f32 v12, v8;
	v60 =	vld [tilespmem:s22+$0xA270];
	v16 =	vadd.f32 v16, v18  }
0x124: {  	v59 =	vld [tilespmem:s22+$0xA260];
	v9 =	vadd.f32 v11, v9;
	v17 =	vmax.f32 v17, $0.0e+00;
	v6 =	vadd.f32 v15, v6  }
0x125: {  	v5 =	vadd.f32 v7, v5;
	[tilespmem:s22+$0xA200] =	vst v17;
	v61 =	vmax.f32 v16, $0.0e+00;
	v8 =	vadd.f32 v14, v8  }
0x126: {  	v1 =	vadd.f32 v2, v1;
	[tilespmem:s22+$0xA210] =	vst v61;
	v6 =	vmax.f32 v6, $0.0e+00;
	v62 =	vadd.f32 v13, v9  }
0x127: {  	v3 =	vadd.f32 v4, v3;
	[tilespmem:s22+$0xA220] =	vst v6;
	v63 =	vmax.f32 v8, $0.0e+00;
	v5 =	vadd.f32 v58, v5  }
0x128: {  	s21 =	sadd.s32 $0x3, s31;
	v1 =	vadd.f32 v60, v1;
	[tilespmem:s22+$0xA230] =	vst v63;
	v2 =	vmax.f32 v62, $0.0e+00  }
0x129: {  	p0 =	sge.u32 s21, s18;
	v3 =	vadd.f32 v59, v3;
	[tilespmem:s22+$0xA240] =	vst v2;
	v2 =	vmax.f32 v5, $0.0e+00  }
0x12a: {  	s21 =	sshll.u32 @!p0 s21, $0xC;
	v1 =	vmax.f32 v1, $0.0e+00;
	[tilespmem:s22+$0xA250] =	vst v2  }
0x12b: {  	s23 =	simm.s32 @!p0 $0x0;
	s21 =	sor.u32 @!p0 s17, s21;
	v2 =	vmax.f32 v3, $0.0e+00;
	[tilespmem:s22+$0xA270] =	vst v1  }
0x12c: {  	s25 =	simm.s32 @!p0 $0x80;
	[tilespmem:s22+$0xA260] =	vst v2;
	s22 =	sand.u32 @!p0 $0xFFF00, s21;
	s21 =	sor.u32 @!p0 s19, s21  }
0x12d: {  	[spmem:s3] =	stream.indirect.scatter.add.f32 [tilespmem:s15], [sflag:$0x9], $0x80, s0, s8, $0xb8;
	[tilespmem:$0x1FE00] =	vst v63  }
0x12e: {  	s22 =	sor.u32 @!p0 s19, s22;
	s21 =	sshrl.u32 @!p0 s21, $0x3;
	_ =	swait.ge [sflag:s30], $0x2000  }
.Ltmp9:
0x12f: {  	s22 =	sshrl.u32 @!p0 s22, $0x3;
	[sflag:s30] =	ssyncset.done $0x0;
	(pc) =	sbr.rel .LBB2_12-.Ltmp9, $4  }
0x130: {  	s21 =	sor.u32 @!p0 $0x10, s21;
	s22 =	sadd.s32 @!p0 s6, s22;
	[sflag:s30] =	ssyncadd.s32 $0xFFFFE000  }
0x131: {  	[tilespmem:s25], [sflag:$0x8] =	stream.linear.gather @!p0 [hbm4b:s22+s23], $0x40, $0x38;
	[tilespmem:$0x1FE00] =	vst v63  }
0x132: {  	s21 =	sadd.s32 @!p0 s6, s21;
	s22 =	simm.s32 @!p0 $0x180  }
0x133: {  	[tilespmem:s22], [sflag:$0x8] =	stream.linear.gather @!p0 [hbm4b:s21+s23], $0x40, $0x38;
	[tilespmem:$0x1FE00] =	vst v63  }
.LBB2_14:
0x134: {  	_ =	sfence.sel $0x180000  }
0x135: {  	[bflag:$0x0] =	sbarrier.arrive $0xFFFF  }
0x136: {  	_ =	strace $0x9000004A  }
0x137: {  	s0 =	stileid.u32;
	[bflag:$0x2] =	sbarrier.arrive $0xFFFF  }
0x138: {  	p0 =	sne.s32 s0, $0x0;
	s0 =	rddreg [dreg:$0x4]  }
0x139: {  	s0 =	sadd.s32 @!p0 $0x100000, s0  }
0x13a: {  	[sflag:s0] =	ssyncadd.tile.s32 @!p0 $0x1;
	_ =	shalt  }
.Lfunc_end2:
_tile_overlayer_lowered:
.L_overlay_start_2:
0x13b: {  	(tag) =	ssettag $0x2  }
0x13c: {  	s0 =	rddreg [dreg:$0x0];
	s2 =	stileid.u32  }
0x13d: {  	s1 =	rddreg [dreg:$0x1];
	p0 =	sne.s32 s2, $0x0  }
0x13e: {  	s3 =	rddreg [dreg:$0x2];
	[bflag:$0x3] =	sbarrier.arrive $0xFFFF;
	s2 =	simm.s32 @!p0 $0x1C09  }
0x13f: {  	[timem:s3], [sflag:s2] =	dma.local @!p0 [hbm:s0], s1  }
0x140: {  	s0 =	simm.s32 @!p0 $0x9  }
0x141: {  	_ =	swait.ge @!p0 [sflag:s0], s1  }
0x142: {  	s1 =	ssub.s32 @!p0 $0x0, s1;
	[sflag:s0] =	ssyncset.done @!p0 $0x0  }
0x143: {  	[sflag:s0] =	ssyncadd.s32 @!p0 s1  }
0x144: {  	[bflag:$0x3] =	sbarrier.arrive $0xFFFF  }
0x145: {  	_ =	shalt  }

</sc_bundles>
